<compile_context>
chip_gen: v7x
topology: tpu7x:2x2x1
jax: 0.10.2.dev20260603
libtpu: 0.0.44.dev20260713+nightly
codegen_flags: <defaults>
</compile_context>

<pallas_src>
import functools

import jax
import jax.numpy as jnp
from jax import lax
from jax.experimental import pallas as pl
from jax.experimental.pallas import tpu as pltpu
from jax.experimental.pallas import tpu_sc as plsc

_B = 32
_NBUF = 4


def kernel(x, patch_mask, mask_token):
    N, L, H, W, D = x.shape
    rows = N * L * H * W
    xf = x.reshape(rows, D)
    mf = patch_mask.reshape(rows).astype(jnp.int32)
    tok = mask_token.reshape(D)

    info = plsc.get_sparse_core_info()
    nw = info.num_cores * info.num_subcores
    rpw = rows // nw
    nblk = rpw // _B
    nsuper = nblk // _NBUF
    ngrp = D // 16

    mesh = plsc.VectorSubcoreMesh(core_axis_name="c", subcore_axis_name="s")

    scratch = (
        [pltpu.VMEM((_B, D), jnp.float32) for _ in range(_NBUF)]
        + [pltpu.VMEM((_B + 16,), jnp.int32) for _ in range(_NBUF)]
        + [pltpu.VMEM((D,), jnp.float32)]
        + [pltpu.SemaphoreType.DMA for _ in range(3 * _NBUF)]
    )

    @functools.partial(
        pl.kernel,
        mesh=mesh,
        out_type=jax.ShapeDtypeStruct((rows, D), jnp.float32),
        scratch_types=scratch,
    )
    def k(x_hbm, m_hbm, t_hbm, out_hbm, *refs):
        bufs = refs[:_NBUF]
        mbs = refs[_NBUF:2 * _NBUF]
        tokv = refs[2 * _NBUF]
        gxs = refs[2 * _NBUF + 1:2 * _NBUF + 1 + _NBUF]
        gms = refs[2 * _NBUF + 1 + _NBUF:2 * _NBUF + 1 + 2 * _NBUF]
        scs = refs[2 * _NBUF + 1 + 2 * _NBUF:]

        wid = lax.axis_index("s") * info.num_cores + lax.axis_index("c")
        base = wid * rpw

        pltpu.sync_copy(t_hbm, tokv)

        def gather(blk, b):
            r0 = base + blk * _B
            pltpu.make_async_copy(x_hbm.at[pl.ds(r0, _B)], bufs[b], gxs[b]).start()
            pltpu.make_async_copy(m_hbm.at[pl.ds(r0, _B)], mbs[b].at[pl.ds(0, _B)],
                                  gms[b]).start()

        def gather_wait(blk, b):
            r0 = base + blk * _B
            pltpu.make_async_copy(x_hbm.at[pl.ds(r0, _B)], bufs[b], gxs[b]).wait()
            pltpu.make_async_copy(m_hbm.at[pl.ds(r0, _B)], mbs[b].at[pl.ds(0, _B)],
                                  gms[b]).wait()

        def scatter(blk, b):
            r0 = base + blk * _B
            pltpu.make_async_copy(bufs[b], out_hbm.at[pl.ds(r0, _B)], scs[b]).start()

        def scatter_wait(b):
            pltpu.make_async_copy(bufs[b], out_hbm.at[pl.ds(base, _B)], scs[b]).wait()

        def process(b):
            buf, mb = bufs[b], mbs[b]

            def row_body(r, c2):
                mv = mb[pl.ds(r, 16)]

                @pl.when(mv[0] != 0)
                def _():
                    for c in range(ngrp):
                        buf[r, pl.ds(c * 16, 16)] = tokv[pl.ds(c * 16, 16)]
                return c2

            lax.fori_loop(0, _B, row_body, 0)

        def super_body(i, carry):
            for b in range(_NBUF):
                @pl.when(i > 0)
                def _(b=b):
                    scatter_wait(b)
                gather(i * _NBUF + b, b)
            for b in range(_NBUF):
                gather_wait(i * _NBUF + b, b)
                process(b)
                scatter(i * _NBUF + b, b)
            return carry

        lax.fori_loop(0, nsuper, super_body, 0)
        for b in range(_NBUF):
            scatter_wait(b)

    out = k(xf, mf, tok)
    return (out.reshape(x.shape), patch_mask)

# --- scband reference (transcript-rebuilt; emitter-appended) ---
"""Pipeline reference for scband-random-patch-mask-maker-35991825940968 (READ-ONLY COPY).

The authoritative reference and input builder live on the scoring server;
editing this copy changes nothing except your own understanding.
"""

import jax, jax.numpy as jnp
import numpy as np

N, LL, HH, WW, D = 4, 16, 24, 24, 768

def setup_inputs(seed: int = 0) -> dict:
    key = jax.random.key(seed)
    k1, k2, k3 = jax.random.split(key, 3)
    x = jax.random.normal(k1, (N, LL, HH, WW, D), dtype=jnp.float32)
    # bool patch mask provided explicitly (torch path: patch_mask is not None)
    patch_mask = jax.random.randint(k2, (N, LL, HH, WW), 0, 2).astype(jnp.bool_)
    # learned parameter: mask_token of shape (1, embed_dim)
    mask_token = jax.random.normal(k3, (1, D), dtype=jnp.float32)
    return {"x": x, "patch_mask": patch_mask, "mask_token": mask_token}

def reference(x, patch_mask, mask_token):
    # torch: x[patch_mask] = self.mask_token.to(x.dtype)
    # masked scatter-overwrite of the D-dim mask token wherever patch_mask is True
    x_out = jnp.where(patch_mask[..., None], mask_token[0].astype(x.dtype), x)
    # torch returns (x, patch_mask, patch_mask_for_decoder=None); we return the array outputs
    return (x_out, patch_mask)

if __name__ == "__main__":
    import jax
    _d = setup_inputs()
    print(jax.jit(kernel)(*tuple(_d.values())))

</pallas_src>

<mosaic_0001>
#map = affine_map<(d0, d1) -> (0, 0)>
#map1 = affine_map<(d0, d1) -> (0)>
module attributes {stable_mosaic.version = 14 : i64} {
  func.func @k(%arg0: i32, %arg1: i32, %arg2: memref<36864x768xf32, #tpu.memory_space<hbm>>, %arg3: memref<36864xi32, #tpu.memory_space<hbm>>, %arg4: memref<768xf32, #tpu.memory_space<hbm>>, %arg5: memref<36864x768xf32, #tpu.memory_space<hbm>>, %arg6: memref<32x768xf32, #tpu.memory_space<vmem>>, %arg7: memref<32x768xf32, #tpu.memory_space<vmem>>, %arg8: memref<32x768xf32, #tpu.memory_space<vmem>>, %arg9: memref<32x768xf32, #tpu.memory_space<vmem>>, %arg10: memref<48xi32, #tpu.memory_space<vmem>>, %arg11: memref<48xi32, #tpu.memory_space<vmem>>, %arg12: memref<48xi32, #tpu.memory_space<vmem>>, %arg13: memref<48xi32, #tpu.memory_space<vmem>>, %arg14: memref<768xf32, #tpu.memory_space<vmem>>, %arg15: memref<!tpu.dma_semaphore, #tpu.memory_space<semaphore_mem>>, %arg16: memref<!tpu.dma_semaphore, #tpu.memory_space<semaphore_mem>>, %arg17: memref<!tpu.dma_semaphore, #tpu.memory_space<semaphore_mem>>, %arg18: memref<!tpu.dma_semaphore, #tpu.memory_space<semaphore_mem>>, %arg19: memref<!tpu.dma_semaphore, #tpu.memory_space<semaphore_mem>>, %arg20: memref<!tpu.dma_semaphore, #tpu.memory_space<semaphore_mem>>, %arg21: memref<!tpu.dma_semaphore, #tpu.memory_space<semaphore_mem>>, %arg22: memref<!tpu.dma_semaphore, #tpu.memory_space<semaphore_mem>>, %arg23: memref<!tpu.dma_semaphore, #tpu.memory_space<semaphore_mem>>, %arg24: memref<!tpu.dma_semaphore, #tpu.memory_space<semaphore_mem>>, %arg25: memref<!tpu.dma_semaphore, #tpu.memory_space<semaphore_mem>>, %arg26: memref<!tpu.dma_semaphore, #tpu.memory_space<semaphore_mem>>) attributes {dimension_semantics = [#tpu.dimension_semantics<core_parallel>, #tpu.dimension_semantics<subcore_parallel>], iteration_bounds = array<i64: 2, 16>, scalar_prefetch = 0 : i64, scratch_operands = 21 : i64, tpu.core_type = #tpu.core_type<sc_vector_subcore>, window_params = [{transform_indices = #map}, {transform_indices = #map1}, {transform_indices = #map1}, {transform_indices = #map}]} {
    %mul3A = arith.constant 2 : i32
    %mul3A_0 = arith.muli %arg1, %mul3A : i32
    %add3A = arith.addi %mul3A_0, %arg0 : i32
    %mul3A_1 = arith.constant 1152 : i32
    %mul3A_2 = arith.muli %add3A, %mul3A_1 : i32
    "tpu.region"() ({
      %run_scoped3A = tpu.sem_alloc : memref<!tpu.dma_semaphore, #tpu.memory_space<semaphore_mem>>
      tpu.enqueue_dma source(%arg4 : memref<768xf32, #tpu.memory_space<hbm>>) target(%arg14 : memref<768xf32, #tpu.memory_space<vmem>>) target_semaphore(%run_scoped3A : memref<!tpu.dma_semaphore, #tpu.memory_space<semaphore_mem>>)
      tpu.wait_dma2 semaphore(%run_scoped3A : memref<!tpu.dma_semaphore, #tpu.memory_space<semaphore_mem>>) src(%arg4 : memref<768xf32, #tpu.memory_space<hbm>>) dst(%arg14 : memref<768xf32, #tpu.memory_space<vmem>>)
      tpu.yield
    }) : () -> ()
    %scan3A = arith.constant 0 : i32
    %scan3A_3 = arith.constant 0 : i32
    %scan3A_4 = arith.constant 9 : i32
    %scan3A_5 = arith.addi %scan3A_3, %scan3A_4 : i32
    %scan3A_6 = arith.constant 1 : i32
    scf.for %scan3A_23 = %scan3A_3 to %scan3A_5 step %scan3A_6  : i32 {
      %gt3A = arith.constant 0 : i32
      %gt3A_24 = arith.cmpi sgt, %scan3A_23, %gt3A : i32
      %convert_element_type3A = arith.extui %gt3A_24 : i1 to i32
      %cond3A = arith.constant 0 : i32
      %cond3A_25 = arith.cmpi ne, %convert_element_type3A, %cond3A : i32
      scf.if %cond3A_25 {
        %dma_wait3A_244 = arith.constant 0 : i32
        %dma_wait3A_245 = tpu.memref_slice %arg5[%mul3A_2, %dma_wait3A_244] : memref<36864x768xf32, #tpu.memory_space<hbm>> -> memref<32x768xf32, #tpu.memory_space<hbm>>
        %dma_wait3A_246 = arith.constant 0 : i32
        %dma_wait3A_247 = tpu.memref_slice %arg5[%mul3A_2, %dma_wait3A_246] : memref<36864x768xf32, #tpu.memory_space<hbm>> -> memref<32x768xf32, #tpu.memory_space<hbm>>
        tpu.wait_dma2 semaphore(%arg23 : memref<!tpu.dma_semaphore, #tpu.memory_space<semaphore_mem>>) src(%arg6 : memref<32x768xf32, #tpu.memory_space<vmem>>) dst(%dma_wait3A_247 : memref<32x768xf32, #tpu.memory_space<hbm>>)
      } else {
      }
      %mul3A_26 = arith.constant 4 : i32
      %mul3A_27 = arith.muli %scan3A_23, %mul3A_26 : i32
      %add3A_28 = arith.constant 0 : i32
      %add3A_29 = arith.addi %mul3A_27, %add3A_28 : i32
      %mul3A_30 = arith.constant 32 : i32
      %mul3A_31 = arith.muli %add3A_29, %mul3A_30 : i32
      %add3A_32 = arith.addi %mul3A_2, %mul3A_31 : i32
      %dma_start3A = arith.constant 0 : i32
      %dma_start3A_33 = tpu.memref_slice %arg2[%add3A_32, %dma_start3A] : memref<36864x768xf32, #tpu.memory_space<hbm>> -> memref<32x768xf32, #tpu.memory_space<hbm>>
      %dma_start3A_34 = arith.constant 0 : i32
      %dma_start3A_35 = tpu.memref_slice %arg2[%add3A_32, %dma_start3A_34] : memref<36864x768xf32, #tpu.memory_space<hbm>> -> memref<32x768xf32, #tpu.memory_space<hbm>>
      tpu.enqueue_dma source(%dma_start3A_35 : memref<32x768xf32, #tpu.memory_space<hbm>>) target(%arg6 : memref<32x768xf32, #tpu.memory_space<vmem>>) target_semaphore(%arg15 : memref<!tpu.dma_semaphore, #tpu.memory_space<semaphore_mem>>)
      %dma_start3A_36 = arith.constant 0 : i32
      %dma_start3A_37 = tpu.memref_slice %arg10[%dma_start3A_36] : memref<48xi32, #tpu.memory_space<vmem>> -> memref<32xi32, #tpu.memory_space<vmem>>
      %dma_start3A_38 = tpu.memref_slice %arg3[%add3A_32] : memref<36864xi32, #tpu.memory_space<hbm>> -> memref<32xi32, #tpu.memory_space<hbm>>
      %dma_start3A_39 = arith.constant 0 : i32
      %dma_start3A_40 = tpu.memref_slice %arg10[%dma_start3A_39] : memref<48xi32, #tpu.memory_space<vmem>> -> memref<32xi32, #tpu.memory_space<vmem>>
      %dma_start3A_41 = tpu.memref_slice %arg3[%add3A_32] : memref<36864xi32, #tpu.memory_space<hbm>> -> memref<32xi32, #tpu.memory_space<hbm>>
      tpu.enqueue_dma source(%dma_start3A_41 : memref<32xi32, #tpu.memory_space<hbm>>) target(%dma_start3A_40 : memref<32xi32, #tpu.memory_space<vmem>>) target_semaphore(%arg19 : memref<!tpu.dma_semaphore, #tpu.memory_space<semaphore_mem>>)
      %gt3A_42 = arith.constant 0 : i32
      %gt3A_43 = arith.cmpi sgt, %scan3A_23, %gt3A_42 : i32
      %convert_element_type3A_44 = arith.extui %gt3A_43 : i1 to i32
      %cond3A_45 = arith.constant 0 : i32
      %cond3A_46 = arith.cmpi ne, %convert_element_type3A_44, %cond3A_45 : i32
      scf.if %cond3A_46 {
        %dma_wait3A_244 = arith.constant 0 : i32
        %dma_wait3A_245 = tpu.memref_slice %arg5[%mul3A_2, %dma_wait3A_244] : memref<36864x768xf32, #tpu.memory_space<hbm>> -> memref<32x768xf32, #tpu.memory_space<hbm>>
        %dma_wait3A_246 = arith.constant 0 : i32
        %dma_wait3A_247 = tpu.memref_slice %arg5[%mul3A_2, %dma_wait3A_246] : memref<36864x768xf32, #tpu.memory_space<hbm>> -> memref<32x768xf32, #tpu.memory_space<hbm>>
        tpu.wait_dma2 semaphore(%arg24 : memref<!tpu.dma_semaphore, #tpu.memory_space<semaphore_mem>>) src(%arg7 : memref<32x768xf32, #tpu.memory_space<vmem>>) dst(%dma_wait3A_247 : memref<32x768xf32, #tpu.memory_space<hbm>>)
      } else {
      }
      %mul3A_47 = arith.constant 4 : i32
      %mul3A_48 = arith.muli %scan3A_23, %mul3A_47 : i32
      %add3A_49 = arith.constant 1 : i32
      %add3A_50 = arith.addi %mul3A_48, %add3A_49 : i32
      %mul3A_51 = arith.constant 32 : i32
      %mul3A_52 = arith.muli %add3A_50, %mul3A_51 : i32
      %add3A_53 = arith.addi %mul3A_2, %mul3A_52 : i32
      %dma_start3A_54 = arith.constant 0 : i32
      %dma_start3A_55 = tpu.memref_slice %arg2[%add3A_53, %dma_start3A_54] : memref<36864x768xf32, #tpu.memory_space<hbm>> -> memref<32x768xf32, #tpu.memory_space<hbm>>
      %dma_start3A_56 = arith.constant 0 : i32
      %dma_start3A_57 = tpu.memref_slice %arg2[%add3A_53, %dma_start3A_56] : memref<36864x768xf32, #tpu.memory_space<hbm>> -> memref<32x768xf32, #tpu.memory_space<hbm>>
      tpu.enqueue_dma source(%dma_start3A_57 : memref<32x768xf32, #tpu.memory_space<hbm>>) target(%arg7 : memref<32x768xf32, #tpu.memory_space<vmem>>) target_semaphore(%arg16 : memref<!tpu.dma_semaphore, #tpu.memory_space<semaphore_mem>>)
      %dma_start3A_58 = arith.constant 0 : i32
      %dma_start3A_59 = tpu.memref_slice %arg11[%dma_start3A_58] : memref<48xi32, #tpu.memory_space<vmem>> -> memref<32xi32, #tpu.memory_space<vmem>>
      %dma_start3A_60 = tpu.memref_slice %arg3[%add3A_53] : memref<36864xi32, #tpu.memory_space<hbm>> -> memref<32xi32, #tpu.memory_space<hbm>>
      %dma_start3A_61 = arith.constant 0 : i32
      %dma_start3A_62 = tpu.memref_slice %arg11[%dma_start3A_61] : memref<48xi32, #tpu.memory_space<vmem>> -> memref<32xi32, #tpu.memory_space<vmem>>
      %dma_start3A_63 = tpu.memref_slice %arg3[%add3A_53] : memref<36864xi32, #tpu.memory_space<hbm>> -> memref<32xi32, #tpu.memory_space<hbm>>
      tpu.enqueue_dma source(%dma_start3A_63 : memref<32xi32, #tpu.memory_space<hbm>>) target(%dma_start3A_62 : memref<32xi32, #tpu.memory_space<vmem>>) target_semaphore(%arg20 : memref<!tpu.dma_semaphore, #tpu.memory_space<semaphore_mem>>)
      %gt3A_64 = arith.constant 0 : i32
      %gt3A_65 = arith.cmpi sgt, %scan3A_23, %gt3A_64 : i32
      %convert_element_type3A_66 = arith.extui %gt3A_65 : i1 to i32
      %cond3A_67 = arith.constant 0 : i32
      %cond3A_68 = arith.cmpi ne, %convert_element_type3A_66, %cond3A_67 : i32
      scf.if %cond3A_68 {
        %dma_wait3A_244 = arith.constant 0 : i32
        %dma_wait3A_245 = tpu.memref_slice %arg5[%mul3A_2, %dma_wait3A_244] : memref<36864x768xf32, #tpu.memory_space<hbm>> -> memref<32x768xf32, #tpu.memory_space<hbm>>
        %dma_wait3A_246 = arith.constant 0 : i32
        %dma_wait3A_247 = tpu.memref_slice %arg5[%mul3A_2, %dma_wait3A_246] : memref<36864x768xf32, #tpu.memory_space<hbm>> -> memref<32x768xf32, #tpu.memory_space<hbm>>
        tpu.wait_dma2 semaphore(%arg25 : memref<!tpu.dma_semaphore, #tpu.memory_space<semaphore_mem>>) src(%arg8 : memref<32x768xf32, #tpu.memory_space<vmem>>) dst(%dma_wait3A_247 : memref<32x768xf32, #tpu.memory_space<hbm>>)
      } else {
      }
      %mul3A_69 = arith.constant 4 : i32
      %mul3A_70 = arith.muli %scan3A_23, %mul3A_69 : i32
      %add3A_71 = arith.constant 2 : i32
      %add3A_72 = arith.addi %mul3A_70, %add3A_71 : i32
      %mul3A_73 = arith.constant 32 : i32
      %mul3A_74 = arith.muli %add3A_72, %mul3A_73 : i32
      %add3A_75 = arith.addi %mul3A_2, %mul3A_74 : i32
      %dma_start3A_76 = arith.constant 0 : i32
      %dma_start3A_77 = tpu.memref_slice %arg2[%add3A_75, %dma_start3A_76] : memref<36864x768xf32, #tpu.memory_space<hbm>> -> memref<32x768xf32, #tpu.memory_space<hbm>>
      %dma_start3A_78 = arith.constant 0 : i32
      %dma_start3A_79 = tpu.memref_slice %arg2[%add3A_75, %dma_start3A_78] : memref<36864x768xf32, #tpu.memory_space<hbm>> -> memref<32x768xf32, #tpu.memory_space<hbm>>
      tpu.enqueue_dma source(%dma_start3A_79 : memref<32x768xf32, #tpu.memory_space<hbm>>) target(%arg8 : memref<32x768xf32, #tpu.memory_space<vmem>>) target_semaphore(%arg17 : memref<!tpu.dma_semaphore, #tpu.memory_space<semaphore_mem>>)
      %dma_start3A_80 = arith.constant 0 : i32
      %dma_start3A_81 = tpu.memref_slice %arg12[%dma_start3A_80] : memref<48xi32, #tpu.memory_space<vmem>> -> memref<32xi32, #tpu.memory_space<vmem>>
      %dma_start3A_82 = tpu.memref_slice %arg3[%add3A_75] : memref<36864xi32, #tpu.memory_space<hbm>> -> memref<32xi32, #tpu.memory_space<hbm>>
      %dma_start3A_83 = arith.constant 0 : i32
      %dma_start3A_84 = tpu.memref_slice %arg12[%dma_start3A_83] : memref<48xi32, #tpu.memory_space<vmem>> -> memref<32xi32, #tpu.memory_space<vmem>>
      %dma_start3A_85 = tpu.memref_slice %arg3[%add3A_75] : memref<36864xi32, #tpu.memory_space<hbm>> -> memref<32xi32, #tpu.memory_space<hbm>>
      tpu.enqueue_dma source(%dma_start3A_85 : memref<32xi32, #tpu.memory_space<hbm>>) target(%dma_start3A_84 : memref<32xi32, #tpu.memory_space<vmem>>) target_semaphore(%arg21 : memref<!tpu.dma_semaphore, #tpu.memory_space<semaphore_mem>>)
      %gt3A_86 = arith.constant 0 : i32
      %gt3A_87 = arith.cmpi sgt, %scan3A_23, %gt3A_86 : i32
      %convert_element_type3A_88 = arith.extui %gt3A_87 : i1 to i32
      %cond3A_89 = arith.constant 0 : i32
      %cond3A_90 = arith.cmpi ne, %convert_element_type3A_88, %cond3A_89 : i32
      scf.if %cond3A_90 {
        %dma_wait3A_244 = arith.constant 0 : i32
        %dma_wait3A_245 = tpu.memref_slice %arg5[%mul3A_2, %dma_wait3A_244] : memref<36864x768xf32, #tpu.memory_space<hbm>> -> memref<32x768xf32, #tpu.memory_space<hbm>>
        %dma_wait3A_246 = arith.constant 0 : i32
        %dma_wait3A_247 = tpu.memref_slice %arg5[%mul3A_2, %dma_wait3A_246] : memref<36864x768xf32, #tpu.memory_space<hbm>> -> memref<32x768xf32, #tpu.memory_space<hbm>>
        tpu.wait_dma2 semaphore(%arg26 : memref<!tpu.dma_semaphore, #tpu.memory_space<semaphore_mem>>) src(%arg9 : memref<32x768xf32, #tpu.memory_space<vmem>>) dst(%dma_wait3A_247 : memref<32x768xf32, #tpu.memory_space<hbm>>)
      } else {
      }
      %mul3A_91 = arith.constant 4 : i32
      %mul3A_92 = arith.muli %scan3A_23, %mul3A_91 : i32
      %add3A_93 = arith.constant 3 : i32
      %add3A_94 = arith.addi %mul3A_92, %add3A_93 : i32
      %mul3A_95 = arith.constant 32 : i32
      %mul3A_96 = arith.muli %add3A_94, %mul3A_95 : i32
      %add3A_97 = arith.addi %mul3A_2, %mul3A_96 : i32
      %dma_start3A_98 = arith.constant 0 : i32
      %dma_start3A_99 = tpu.memref_slice %arg2[%add3A_97, %dma_start3A_98] : memref<36864x768xf32, #tpu.memory_space<hbm>> -> memref<32x768xf32, #tpu.memory_space<hbm>>
      %dma_start3A_100 = arith.constant 0 : i32
      %dma_start3A_101 = tpu.memref_slice %arg2[%add3A_97, %dma_start3A_100] : memref<36864x768xf32, #tpu.memory_space<hbm>> -> memref<32x768xf32, #tpu.memory_space<hbm>>
      tpu.enqueue_dma source(%dma_start3A_101 : memref<32x768xf32, #tpu.memory_space<hbm>>) target(%arg9 : memref<32x768xf32, #tpu.memory_space<vmem>>) target_semaphore(%arg18 : memref<!tpu.dma_semaphore, #tpu.memory_space<semaphore_mem>>)
      %dma_start3A_102 = arith.constant 0 : i32
      %dma_start3A_103 = tpu.memref_slice %arg13[%dma_start3A_102] : memref<48xi32, #tpu.memory_space<vmem>> -> memref<32xi32, #tpu.memory_space<vmem>>
      %dma_start3A_104 = tpu.memref_slice %arg3[%add3A_97] : memref<36864xi32, #tpu.memory_space<hbm>> -> memref<32xi32, #tpu.memory_space<hbm>>
      %dma_start3A_105 = arith.constant 0 : i32
      %dma_start3A_106 = tpu.memref_slice %arg13[%dma_start3A_105] : memref<48xi32, #tpu.memory_space<vmem>> -> memref<32xi32, #tpu.memory_space<vmem>>
      %dma_start3A_107 = tpu.memref_slice %arg3[%add3A_97] : memref<36864xi32, #tpu.memory_space<hbm>> -> memref<32xi32, #tpu.memory_space<hbm>>
      tpu.enqueue_dma source(%dma_start3A_107 : memref<32xi32, #tpu.memory_space<hbm>>) target(%dma_start3A_106 : memref<32xi32, #tpu.memory_space<vmem>>) target_semaphore(%arg22 : memref<!tpu.dma_semaphore, #tpu.memory_space<semaphore_mem>>)
      %mul3A_108 = arith.constant 4 : i32
      %mul3A_109 = arith.muli %scan3A_23, %mul3A_108 : i32
      %add3A_110 = arith.constant 0 : i32
      %add3A_111 = arith.addi %mul3A_109, %add3A_110 : i32
      %mul3A_112 = arith.constant 32 : i32
      %mul3A_113 = arith.muli %add3A_111, %mul3A_112 : i32
      %add3A_114 = arith.addi %mul3A_2, %mul3A_113 : i32
      %dma_wait3A_115 = arith.constant 0 : i32
      %dma_wait3A_116 = tpu.memref_slice %arg2[%add3A_114, %dma_wait3A_115] : memref<36864x768xf32, #tpu.memory_space<hbm>> -> memref<32x768xf32, #tpu.memory_space<hbm>>
      %dma_wait3A_117 = arith.constant 0 : i32
      %dma_wait3A_118 = tpu.memref_slice %arg2[%add3A_114, %dma_wait3A_117] : memref<36864x768xf32, #tpu.memory_space<hbm>> -> memref<32x768xf32, #tpu.memory_space<hbm>>
      tpu.wait_dma2 semaphore(%arg15 : memref<!tpu.dma_semaphore, #tpu.memory_space<semaphore_mem>>) src(%dma_wait3A_118 : memref<32x768xf32, #tpu.memory_space<hbm>>) dst(%arg6 : memref<32x768xf32, #tpu.memory_space<vmem>>)
      %dma_wait3A_119 = arith.constant 0 : i32
      %dma_wait3A_120 = tpu.memref_slice %arg10[%dma_wait3A_119] : memref<48xi32, #tpu.memory_space<vmem>> -> memref<32xi32, #tpu.memory_space<vmem>>
      %dma_wait3A_121 = tpu.memref_slice %arg3[%add3A_114] : memref<36864xi32, #tpu.memory_space<hbm>> -> memref<32xi32, #tpu.memory_space<hbm>>
      %dma_wait3A_122 = arith.constant 0 : i32
      %dma_wait3A_123 = tpu.memref_slice %arg10[%dma_wait3A_122] : memref<48xi32, #tpu.memory_space<vmem>> -> memref<32xi32, #tpu.memory_space<vmem>>
      %dma_wait3A_124 = tpu.memref_slice %arg3[%add3A_114] : memref<36864xi32, #tpu.memory_space<hbm>> -> memref<32xi32, #tpu.memory_space<hbm>>
      tpu.wait_dma2 semaphore(%arg19 : memref<!tpu.dma_semaphore, #tpu.memory_space<semaphore_mem>>) src(%dma_wait3A_124 : memref<32xi32, #tpu.memory_space<hbm>>) dst(%dma_wait3A_123 : memref<32xi32, #tpu.memory_space<vmem>>)
      %scan3A_125 = arith.constant 0 : i32
      %scan3A_126 = arith.constant 0 : i32
      %scan3A_127 = arith.constant 32 : i32
      %scan3A_128 = arith.addi %scan3A_126, %scan3A_127 : i32
      %scan3A_129 = arith.constant 1 : i32
      scf.for %scan3A_244 = %scan3A_126 to %scan3A_128 step %scan3A_129  : i32 {
        %get3A = arith.index_cast %scan3A_244 : i32 to index
        %get3A_245 = tpu.vector_load %arg10[%get3A] {strides = array<i32>} : memref<48xi32, #tpu.memory_space<vmem>>, vector<16xi32>,
        %get3A_246 = vector.shape_cast %get3A_245 : vector<16xi32> to vector<16xi32>
        %slice3A = vector.extract_strided_slice %get3A_246 {offsets = [0], sizes = [1], strides = [1]} : vector<16xi32> to vector<1xi32>
        %squeeze3A = vector.extract %slice3A[0] : i32 from vector<1xi32>
        %ne3A = arith.constant 0 : i32
        %ne3A_247 = arith.cmpi ne, %squeeze3A, %ne3A : i32
        %convert_element_type3A_248 = arith.extui %ne3A_247 : i1 to i32
        %cond3A_249 = arith.constant 0 : i32
        %cond3A_250 = arith.cmpi ne, %convert_element_type3A_248, %cond3A_249 : i32
        scf.if %cond3A_250 {
          %get3A_251 = arith.constant 0 : index
          %get3A_252 = tpu.vector_load %arg14[%get3A_251] {strides = array<i32>} : memref<768xf32, #tpu.memory_space<vmem>>, vector<16xf32>,
          %get3A_253 = vector.shape_cast %get3A_252 : vector<16xf32> to vector<16xf32>
          %swap3A = arith.index_cast %scan3A_244 : i32 to index
          %swap3A_254 = arith.constant 0 : index
          %swap3A_255 = tpu.vector_load %arg6[%swap3A, %swap3A_254] {strides = array<i32>} : memref<32x768xf32, #tpu.memory_space<vmem>>, vector<1x16xf32>,
          %swap3A_256 = vector.shape_cast %swap3A_255 : vector<1x16xf32> to vector<16xf32>
          %swap3A_257 = vector.shape_cast %get3A_253 : vector<16xf32> to vector<1x16xf32>
          tpu.vector_store %arg6[%swap3A, %swap3A_254], %swap3A_257 {strides = array<i32>} : memref<32x768xf32, #tpu.memory_space<vmem>>, vector<1x16xf32>,
          %get3A_258 = arith.constant 16 : index
          %get3A_259 = tpu.vector_load %arg14[%get3A_258] {strides = array<i32>} : memref<768xf32, #tpu.memory_space<vmem>>, vector<16xf32>,
          %get3A_260 = vector.shape_cast %get3A_259 : vector<16xf32> to vector<16xf32>
          %swap3A_261 = arith.index_cast %scan3A_244 : i32 to index
          %swap3A_262 = arith.constant 16 : index
          %swap3A_263 = tpu.vector_load %arg6[%swap3A_261, %swap3A_262] {strides = array<i32>} : memref<32x768xf32, #tpu.memory_space<vmem>>, vector<1x16xf32>,
          %swap3A_264 = vector.shape_cast %swap3A_263 : vector<1x16xf32> to vector<16xf32>
          %swap3A_265 = vector.shape_cast %get3A_260 : vector<16xf32> to vector<1x16xf32>
          tpu.vector_store %arg6[%swap3A_261, %swap3A_262], %swap3A_265 {strides = array<i32>} : memref<32x768xf32, #tpu.memory_space<vmem>>, vector<1x16xf32>,
          %get3A_266 = arith.constant 32 : index
          %get3A_267 = tpu.vector_load %arg14[%get3A_266] {strides = array<i32>} : memref<768xf32, #tpu.memory_space<vmem>>, vector<16xf32>,
          %get3A_268 = vector.shape_cast %get3A_267 : vector<16xf32> to vector<16xf32>
          %swap3A_269 = arith.index_cast %scan3A_244 : i32 to index
          %swap3A_270 = arith.constant 32 : index
          %swap3A_271 = tpu.vector_load %arg6[%swap3A_269, %swap3A_270] {strides = array<i32>} : memref<32x768xf32, #tpu.memory_space<vmem>>, vector<1x16xf32>,
          %swap3A_272 = vector.shape_cast %swap3A_271 : vector<1x16xf32> to vector<16xf32>
          %swap3A_273 = vector.shape_cast %get3A_268 : vector<16xf32> to vector<1x16xf32>
          tpu.vector_store %arg6[%swap3A_269, %swap3A_270], %swap3A_273 {strides = array<i32>} : memref<32x768xf32, #tpu.memory_space<vmem>>, vector<1x16xf32>,
          %get3A_274 = arith.constant 48 : index
          %get3A_275 = tpu.vector_load %arg14[%get3A_274] {strides = array<i32>} : memref<768xf32, #tpu.memory_space<vmem>>, vector<16xf32>,
          %get3A_276 = vector.shape_cast %get3A_275 : vector<16xf32> to vector<16xf32>
          %swap3A_277 = arith.index_cast %scan3A_244 : i32 to index
          %swap3A_278 = arith.constant 48 : index
          %swap3A_279 = tpu.vector_load %arg6[%swap3A_277, %swap3A_278] {strides = array<i32>} : memref<32x768xf32, #tpu.memory_space<vmem>>, vector<1x16xf32>,
          %swap3A_280 = vector.shape_cast %swap3A_279 : vector<1x16xf32> to vector<16xf32>
          %swap3A_281 = vector.shape_cast %get3A_276 : vector<16xf32> to vector<1x16xf32>
          tpu.vector_store %arg6[%swap3A_277, %swap3A_278], %swap3A_281 {strides = array<i32>} : memref<32x768xf32, #tpu.memory_space<vmem>>, vector<1x16xf32>,
          %get3A_282 = arith.constant 64 : index
          %get3A_283 = tpu.vector_load %arg14[%get3A_282] {strides = array<i32>} : memref<768xf32, #tpu.memory_space<vmem>>, vector<16xf32>,
          %get3A_284 = vector.shape_cast %get3A_283 : vector<16xf32> to vector<16xf32>
          %swap3A_285 = arith.index_cast %scan3A_244 : i32 to index
          %swap3A_286 = arith.constant 64 : index
          %swap3A_287 = tpu.vector_load %arg6[%swap3A_285, %swap3A_286] {strides = array<i32>} : memref<32x768xf32, #tpu.memory_space<vmem>>, vector<1x16xf32>,
          %swap3A_288 = vector.shape_cast %swap3A_287 : vector<1x16xf32> to vector<16xf32>
          %swap3A_289 = vector.shape_cast %get3A_284 : vector<16xf32> to vector<1x16xf32>
          tpu.vector_store %arg6[%swap3A_285, %swap3A_286], %swap3A_289 {strides = array<i32>} : memref<32x768xf32, #tpu.memory_space<vmem>>, vector<1x16xf32>,
          %get3A_290 = arith.constant 80 : index
          %get3A_291 = tpu.vector_load %arg14[%get3A_290] {strides = array<i32>} : memref<768xf32, #tpu.memory_space<vmem>>, vector<16xf32>,
          %get3A_292 = vector.shape_cast %get3A_291 : vector<16xf32> to vector<16xf32>
          %swap3A_293 = arith.index_cast %scan3A_244 : i32 to index
          %swap3A_294 = arith.constant 80 : index
          %swap3A_295 = tpu.vector_load %arg6[%swap3A_293, %swap3A_294] {strides = array<i32>} : memref<32x768xf32, #tpu.memory_space<vmem>>, vector<1x16xf32>,
          %swap3A_296 = vector.shape_cast %swap3A_295 : vector<1x16xf32> to vector<16xf32>
          %swap3A_297 = vector.shape_cast %get3A_292 : vector<16xf32> to vector<1x16xf32>
          tpu.vector_store %arg6[%swap3A_293, %swap3A_294], %swap3A_297 {strides = array<i32>} : memref<32x768xf32, #tpu.memory_space<vmem>>, vector<1x16xf32>,
          %get3A_298 = arith.constant 96 : index
          %get3A_299 = tpu.vector_load %arg14[%get3A_298] {strides = array<i32>} : memref<768xf32, #tpu.memory_space<vmem>>, vector<16xf32>,
          %get3A_300 = vector.shape_cast %get3A_299 : vector<16xf32> to vector<16xf32>
          %swap3A_301 = arith.index_cast %scan3A_244 : i32 to index
          %swap3A_302 = arith.constant 96 : index
          %swap3A_303 = tpu.vector_load %arg6[%swap3A_301, %swap3A_302] {strides = array<i32>} : memref<32x768xf32, #tpu.memory_space<vmem>>, vector<1x16xf32>,
          %swap3A_304 = vector.shape_cast %swap3A_303 : vector<1x16xf32> to vector<16xf32>
          %swap3A_305 = vector.shape_cast %get3A_300 : vector<16xf32> to vector<1x16xf32>
          tpu.vector_store %arg6[%swap3A_301, %swap3A_302], %swap3A_305 {strides = array<i32>} : memref<32x768xf32, #tpu.memory_space<vmem>>, vector<1x16xf32>,
          %get3A_306 = arith.constant 112 : index
          %get3A_307 = tpu.vector_load %arg14[%get3A_306] {strides = array<i32>} : memref<768xf32, #tpu.memory_space<vmem>>, vector<16xf32>,
          %get3A_308 = vector.shape_cast %get3A_307 : vector<16xf32> to vector<16xf32>
          %swap3A_309 = arith.index_cast %scan3A_244 : i32 to index
          %swap3A_310 = arith.constant 112 : index
          %swap3A_311 = tpu.vector_load %arg6[%swap3A_309, %swap3A_310] {strides = array<i32>} : memref<32x768xf32, #tpu.memory_space<vmem>>, vector<1x16xf32>,
          %swap3A_312 = vector.shape_cast %swap3A_311 : vector<1x16xf32> to vector<16xf32>
          %swap3A_313 = vector.shape_cast %get3A_308 : vector<16xf32> to vector<1x16xf32>
          tpu.vector_store %arg6[%swap3A_309, %swap3A_310], %swap3A_313 {strides = array<i32>} : memref<32x768xf32, #tpu.memory_space<vmem>>, vector<1x16xf32>,
          %get3A_314 = arith.constant 128 : index
          %get3A_315 = tpu.vector_load %arg14[%get3A_314] {strides = array<i32>} : memref<768xf32, #tpu.memory_space<vmem>>, vector<16xf32>,
          %get3A_316 = vector.shape_cast %get3A_315 : vector<16xf32> to vector<16xf32>
          %swap3A_317 = arith.index_cast %scan3A_244 : i32 to index
          %swap3A_318 = arith.constant 128 : index
          %swap3A_319 = tpu.vector_load %arg6[%swap3A_317, %swap3A_318] {strides = array<i32>} : memref<32x768xf32, #tpu.memory_space<vmem>>, vector<1x16xf32>,
          %swap3A_320 = vector.shape_cast %swap3A_319 : vector<1x16xf32> to vector<16xf32>
          %swap3A_321 = vector.shape_cast %get3A_316 : vector<16xf32> to vector<1x16xf32>
          tpu.vector_store %arg6[%swap3A_317, %swap3A_318], %swap3A_321 {strides = array<i32>} : memref<32x768xf32, #tpu.memory_space<vmem>>, vector<1x16xf32>,
          %get3A_322 = arith.constant 144 : index
          %get3A_323 = tpu.vector_load %arg14[%get3A_322] {strides = array<i32>} : memref<768xf32, #tpu.memory_space<vmem>>, vector<16xf32>,
          %get3A_324 = vector.shape_cast %get3A_323 : vector<16xf32> to vector<16xf32>
          %swap3A_325 = arith.index_cast %scan3A_244 : i32 to index
          %swap3A_326 = arith.constant 144 : index
          %swap3A_327 = tpu.vector_load %arg6[%swap3A_325, %swap3A_326] {strides = array<i32>} : memref<32x768xf32, #tpu.memory_space<vmem>>, vector<1x16xf32>,
          %swap3A_328 = vector.shape_cast %swap3A_327 : vector<1x16xf32> to vector<16xf32>
          %swap3A_329 = vector.shape_cast %get3A_324 : vector<16xf32> to vector<1x16xf32>
          tpu.vector_store %arg6[%swap3A_325, %swap3A_326], %swap3A_329 {strides = array<i32>} : memref<32x768xf32, #tpu.memory_space<vmem>>, vector<1x16xf32>,
          %get3A_330 = arith.constant 160 : index
          %get3A_331 = tpu.vector_load %arg14[%get3A_330] {strides = array<i32>} : memref<768xf32, #tpu.memory_space<vmem>>, vector<16xf32>,
          %get3A_332 = vector.shape_cast %get3A_331 : vector<16xf32> to vector<16xf32>
          %swap3A_333 = arith.index_cast %scan3A_244 : i32 to index
          %swap3A_334 = arith.constant 160 : index
          %swap3A_335 = tpu.vector_load %arg6[%swap3A_333, %swap3A_334] {strides = array<i32>} : memref<32x768xf32, #tpu.memory_space<vmem>>, vector<1x16xf32>,
          %swap3A_336 = vector.shape_cast %swap3A_335 : vector<1x16xf32> to vector<16xf32>
          %swap3A_337 = vector.shape_cast %get3A_332 : vector<16xf32> to vector<1x16xf32>
          tpu.vector_store %arg6[%swap3A_333, %swap3A_334], %swap3A_337 {strides = array<i32>} : memref<32x768xf32, #tpu.memory_space<vmem>>, vector<1x16xf32>,
          %get3A_338 = arith.constant 176 : index
          %get3A_339 = tpu.vector_load %arg14[%get3A_338] {strides = array<i32>} : memref<768xf32, #tpu.memory_space<vmem>>, vector<16xf32>,
          %get3A_340 = vector.shape_cast %get3A_339 : vector<16xf32> to vector<16xf32>
          %swap3A_341 = arith.index_cast %scan3A_244 : i32 to index
          %swap3A_342 = arith.constant 176 : index
          %swap3A_343 = tpu.vector_load %arg6[%swap3A_341, %swap3A_342] {strides = array<i32>} : memref<32x768xf32, #tpu.memory_space<vmem>>, vector<1x16xf32>,
          %swap3A_344 = vector.shape_cast %swap3A_343 : vector<1x16xf32> to vector<16xf32>
          %swap3A_345 = vector.shape_cast %get3A_340 : vector<16xf32> to vector<1x16xf32>
          tpu.vector_store %arg6[%swap3A_341, %swap3A_342], %swap3A_345 {strides = array<i32>} : memref<32x768xf32, #tpu.memory_space<vmem>>, vector<1x16xf32>,
          %get3A_346 = arith.constant 192 : index
          %get3A_347 = tpu.vector_load %arg14[%get3A_346] {strides = array<i32>} : memref<768xf32, #tpu.memory_space<vmem>>, vector<16xf32>,
          %get3A_348 = vector.shape_cast %get3A_347 : vector<16xf32> to vector<16xf32>
          %swap3A_349 = arith.index_cast %scan3A_244 : i32 to index
          %swap3A_350 = arith.constant 192 : index
          %swap3A_351 = tpu.vector_load %arg6[%swap3A_349, %swap3A_350] {strides = array<i32>} : memref<32x768xf32, #tpu.memory_space<vmem>>, vector<1x16xf32>,
          %swap3A_352 = vector.shape_cast %swap3A_351 : vector<1x16xf32> to vector<16xf32>
          %swap3A_353 = vector.shape_cast %get3A_348 : vector<16xf32> to vector<1x16xf32>
          tpu.vector_store %arg6[%swap3A_349, %swap3A_350], %swap3A_353 {strides = array<i32>} : memref<32x768xf32, #tpu.memory_space<vmem>>, vector<1x16xf32>,
          %get3A_354 = arith.constant 208 : index
          %get3A_355 = tpu.vector_load %arg14[%get3A_354] {strides = array<i32>} : memref<768xf32, #tpu.memory_space<vmem>>, vector<16xf32>,
          %get3A_356 = vector.shape_cast %get3A_355 : vector<16xf32> to vector<16xf32>
          %swap3A_357 = arith.index_cast %scan3A_244 : i32 to index
          %swap3A_358 = arith.constant 208 : index
          %swap3A_359 = tpu.vector_load %arg6[%swap3A_357, %swap3A_358] {strides = array<i32>} : memref<32x768xf32, #tpu.memory_space<vmem>>, vector<1x16xf32>,
          %swap3A_360 = vector.shape_cast %swap3A_359 : vector<1x16xf32> to vector<16xf32>
          %swap3A_361 = vector.shape_cast %get3A_356 : vector<16xf32> to vector<1x16xf32>
          tpu.vector_store %arg6[%swap3A_357, %swap3A_358], %swap3A_361 {strides = array<i32>} : memref<32x768xf32, #tpu.memory_space<vmem>>, vector<1x16xf32>,
          %get3A_362 = arith.constant 224 : index
          %get3A_363 = tpu.vector_load %arg14[%get3A_362] {strides = array<i32>} : memref<768xf32, #tpu.memory_space<vmem>>, vector<16xf32>,
          %get3A_364 = vector.shape_cast %get3A_363 : vector<16xf32> to vector<16xf32>
          %swap3A_365 = arith.index_cast %scan3A_244 : i32 to index
          %swap3A_366 = arith.constant 224 : index
          %swap3A_367 = tpu.vector_load %arg6[%swap3A_365, %swap3A_366] {strides = array<i32>} : memref<32x768xf32, #tpu.memory_space<vmem>>, vector<1x16xf32>,
          %swap3A_368 = vector.shape_cast %swap3A_367 : vector<1x16xf32> to vector<16xf32>
          %swap3A_369 = vector.shape_cast %get3A_364 : vector<16xf32> to vector<1x16xf32>
          tpu.vector_store %arg6[%swap3A_365, %swap3A_366], %swap3A_369 {strides = array<i32>} : memref<32x768xf32, #tpu.memory_space<vmem>>, vector<1x16xf32>,
          %get3A_370 = arith.constant 240 : index
          %get3A_371 = tpu.vector_load %arg14[%get3A_370] {strides = array<i32>} : memref<768xf32, #tpu.memory_space<vmem>>, vector<16xf32>,
          %get3A_372 = vector.shape_cast %get3A_371 : vector<16xf32> to vector<16xf32>
          %swap3A_373 = arith.index_cast %scan3A_244 : i32 to index
          %swap3A_374 = arith.constant 240 : index
          %swap3A_375 = tpu.vector_load %arg6[%swap3A_373, %swap3A_374] {strides = array<i32>} : memref<32x768xf32, #tpu.memory_space<vmem>>, vector<1x16xf32>,
          %swap3A_376 = vector.shape_cast %swap3A_375 : vector<1x16xf32> to vector<16xf32>
          %swap3A_377 = vector.shape_cast %get3A_372 : vector<16xf32> to vector<1x16xf32>
          tpu.vector_store %arg6[%swap3A_373, %swap3A_374], %swap3A_377 {strides = array<i32>} : memref<32x768xf32, #tpu.memory_space<vmem>>, vector<1x16xf32>,
          %get3A_378 = arith.constant 256 : index
          %get3A_379 = tpu.vector_load %arg14[%get3A_378] {strides = array<i32>} : memref<768xf32, #tpu.memory_space<vmem>>, vector<16xf32>,
          %get3A_380 = vector.shape_cast %get3A_379 : vector<16xf32> to vector<16xf32>
          %swap3A_381 = arith.index_cast %scan3A_244 : i32 to index
          %swap3A_382 = arith.constant 256 : index
          %swap3A_383 = tpu.vector_load %arg6[%swap3A_381, %swap3A_382] {strides = array<i32>} : memref<32x768xf32, #tpu.memory_space<vmem>>, vector<1x16xf32>,
          %swap3A_384 = vector.shape_cast %swap3A_383 : vector<1x16xf32> to vector<16xf32>
          %swap3A_385 = vector.shape_cast %get3A_380 : vector<16xf32> to vector<1x16xf32>
          tpu.vector_store %arg6[%swap3A_381, %swap3A_382], %swap3A_385 {strides = array<i32>} : memref<32x768xf32, #tpu.memory_space<vmem>>, vector<1x16xf32>,
          %get3A_386 = arith.constant 272 : index
          %get3A_387 = tpu.vector_load %arg14[%get3A_386] {strides = array<i32>} : memref<768xf32, #tpu.memory_space<vmem>>, vector<16xf32>,
          %get3A_388 = vector.shape_cast %get3A_387 : vector<16xf32> to vector<16xf32>
          %swap3A_389 = arith.index_cast %scan3A_244 : i32 to index
          %swap3A_390 = arith.constant 272 : index
          %swap3A_391 = tpu.vector_load %arg6[%swap3A_389, %swap3A_390] {strides = array<i32>} : memref<32x768xf32, #tpu.memory_space<vmem>>, vector<1x16xf32>,
          %swap3A_392 = vector.shape_cast %swap3A_391 : vector<1x16xf32> to vector<16xf32>
          %swap3A_393 = vector.shape_cast %get3A_388 : vector<16xf32> to vector<1x16xf32>
          tpu.vector_store %arg6[%swap3A_389, %swap3A_390], %swap3A_393 {strides = array<i32>} : memref<32x768xf32, #tpu.memory_space<vmem>>, vector<1x16xf32>,
          %get3A_394 = arith.constant 288 : index
          %get3A_395 = tpu.vector_load %arg14[%get3A_394] {strides = array<i32>} : memref<768xf32, #tpu.memory_space<vmem>>, vector<16xf32>,
          %get3A_396 = vector.shape_cast %get3A_395 : vector<16xf32> to vector<16xf32>
          %swap3A_397 = arith.index_cast %scan3A_244 : i32 to index
          %swap3A_398 = arith.constant 288 : index
          %swap3A_399 = tpu.vector_load %arg6[%swap3A_397, %swap3A_398] {strides = array<i32>} : memref<32x768xf32, #tpu.memory_space<vmem>>, vector<1x16xf32>,
          %swap3A_400 = vector.shape_cast %swap3A_399 : vector<1x16xf32> to vector<16xf32>
          %swap3A_401 = vector.shape_cast %get3A_396 : vector<16xf32> to vector<1x16xf32>
          tpu.vector_store %arg6[%swap3A_397, %swap3A_398], %swap3A_401 {strides = array<i32>} : memref<32x768xf32, #tpu.memory_space<vmem>>, vector<1x16xf32>,
          %get3A_402 = arith.constant 304 : index
          %get3A_403 = tpu.vector_load %arg14[%get3A_402] {strides = array<i32>} : memref<768xf32, #tpu.memory_space<vmem>>, vector<16xf32>,
          %get3A_404 = vector.shape_cast %get3A_403 : vector<16xf32> to vector<16xf32>
          %swap3A_405 = arith.index_cast %scan3A_244 : i32 to index
          %swap3A_406 = arith.constant 304 : index
          %swap3A_407 = tpu.vector_load %arg6[%swap3A_405, %swap3A_406] {strides = array<i32>} : memref<32x768xf32, #tpu.memory_space<vmem>>, vector<1x16xf32>,
          %swap3A_408 = vector.shape_cast %swap3A_407 : vector<1x16xf32> to vector<16xf32>
          %swap3A_409 = vector.shape_cast %get3A_404 : vector<16xf32> to vector<1x16xf32>
          tpu.vector_store %arg6[%swap3A_405, %swap3A_406], %swap3A_409 {strides = array<i32>} : memref<32x768xf32, #tpu.memory_space<vmem>>, vector<1x16xf32>,
          %get3A_410 = arith.constant 320 : index
          %get3A_411 = tpu.vector_load %arg14[%get3A_410] {strides = array<i32>} : memref<768xf32, #tpu.memory_space<vmem>>, vector<16xf32>,
          %get3A_412 = vector.shape_cast %get3A_411 : vector<16xf32> to vector<16xf32>
          %swap3A_413 = arith.index_cast %scan3A_244 : i32 to index
          %swap3A_414 = arith.constant 320 : index
          %swap3A_415 = tpu.vector_load %arg6[%swap3A_413, %swap3A_414] {strides = array<i32>} : memref<32x768xf32, #tpu.memory_space<vmem>>, vector<1x16xf32>,
          %swap3A_416 = vector.shape_cast %swap3A_415 : vector<1x16xf32> to vector<16xf32>
          %swap3A_417 = vector.shape_cast %get3A_412 : vector<16xf32> to vector<1x16xf32>
          tpu.vector_store %arg6[%swap3A_413, %swap3A_414], %swap3A_417 {strides = array<i32>} : memref<32x768xf32, #tpu.memory_space<vmem>>, vector<1x16xf32>,
          %get3A_418 = arith.constant 336 : index
          %get3A_419 = tpu.vector_load %arg14[%get3A_418] {strides = array<i32>} : memref<768xf32, #tpu.memory_space<vmem>>, vector<16xf32>,
          %get3A_420 = vector.shape_cast %get3A_419 : vector<16xf32> to vector<16xf32>
          %swap3A_421 = arith.index_cast %scan3A_244 : i32 to index
          %swap3A_422 = arith.constant 336 : index
          %swap3A_423 = tpu.vector_load %arg6[%swap3A_421, %swap3A_422] {strides = array<i32>} : memref<32x768xf32, #tpu.memory_space<vmem>>, vector<1x16xf32>,
          %swap3A_424 = vector.shape_cast %swap3A_423 : vector<1x16xf32> to vector<16xf32>
          %swap3A_425 = vector.shape_cast %get3A_420 : vector<16xf32> to vector<1x16xf32>
          tpu.vector_store %arg6[%swap3A_421, %swap3A_422], %swap3A_425 {strides = array<i32>} : memref<32x768xf32, #tpu.memory_space<vmem>>, vector<1x16xf32>,
          %get3A_426 = arith.constant 352 : index
          %get3A_427 = tpu.vector_load %arg14[%get3A_426] {strides = array<i32>} : memref<768xf32, #tpu.memory_space<vmem>>, vector<16xf32>,
          %get3A_428 = vector.shape_cast %get3A_427 : vector<16xf32> to vector<16xf32>
          %swap3A_429 = arith.index_cast %scan3A_244 : i32 to index
          %swap3A_430 = arith.constant 352 : index
          %swap3A_431 = tpu.vector_load %arg6[%swap3A_429, %swap3A_430] {strides = array<i32>} : memref<32x768xf32, #tpu.memory_space<vmem>>, vector<1x16xf32>,
          %swap3A_432 = vector.shape_cast %swap3A_431 : vector<1x16xf32> to vector<16xf32>
          %swap3A_433 = vector.shape_cast %get3A_428 : vector<16xf32> to vector<1x16xf32>
          tpu.vector_store %arg6[%swap3A_429, %swap3A_430], %swap3A_433 {strides = array<i32>} : memref<32x768xf32, #tpu.memory_space<vmem>>, vector<1x16xf32>,
          %get3A_434 = arith.constant 368 : index
          %get3A_435 = tpu.vector_load %arg14[%get3A_434] {strides = array<i32>} : memref<768xf32, #tpu.memory_space<vmem>>, vector<16xf32>,
          %get3A_436 = vector.shape_cast %get3A_435 : vector<16xf32> to vector<16xf32>
          %swap3A_437 = arith.index_cast %scan3A_244 : i32 to index
          %swap3A_438 = arith.constant 368 : index
          %swap3A_439 = tpu.vector_load %arg6[%swap3A_437, %swap3A_438] {strides = array<i32>} : memref<32x768xf32, #tpu.memory_space<vmem>>, vector<1x16xf32>,
          %swap3A_440 = vector.shape_cast %swap3A_439 : vector<1x16xf32> to vector<16xf32>
          %swap3A_441 = vector.shape_cast %get3A_436 : vector<16xf32> to vector<1x16xf32>
          tpu.vector_store %arg6[%swap3A_437, %swap3A_438], %swap3A_441 {strides = array<i32>} : memref<32x768xf32, #tpu.memory_space<vmem>>, vector<1x16xf32>,
          %get3A_442 = arith.constant 384 : index
          %get3A_443 = tpu.vector_load %arg14[%get3A_442] {strides = array<i32>} : memref<768xf32, #tpu.memory_space<vmem>>, vector<16xf32>,
          %get3A_444 = vector.shape_cast %get3A_443 : vector<16xf32> to vector<16xf32>
          %swap3A_445 = arith.index_cast %scan3A_244 : i32 to index
          %swap3A_446 = arith.constant 384 : index
          %swap3A_447 = tpu.vector_load %arg6[%swap3A_445, %swap3A_446] {strides = array<i32>} : memref<32x768xf32, #tpu.memory_space<vmem>>, vector<1x16xf32>,
          %swap3A_448 = vector.shape_cast %swap3A_447 : vector<1x16xf32> to vector<16xf32>
          %swap3A_449 = vector.shape_cast %get3A_444 : vector<16xf32> to vector<1x16xf32>
          tpu.vector_store %arg6[%swap3A_445, %swap3A_446], %swap3A_449 {strides = array<i32>} : memref<32x768xf32, #tpu.memory_space<vmem>>, vector<1x16xf32>,
          %get3A_450 = arith.constant 400 : index
          %get3A_451 = tpu.vector_load %arg14[%get3A_450] {strides = array<i32>} : memref<768xf32, #tpu.memory_space<vmem>>, vector<16xf32>,
          %get3A_452 = vector.shape_cast %get3A_451 : vector<16xf32> to vector<16xf32>
          %swap3A_453 = arith.index_cast %scan3A_244 : i32 to index
          %swap3A_454 = arith.constant 400 : index
          %swap3A_455 = tpu.vector_load %arg6[%swap3A_453, %swap3A_454] {strides = array<i32>} : memref<32x768xf32, #tpu.memory_space<vmem>>, vector<1x16xf32>,
          %swap3A_456 = vector.shape_cast %swap3A_455 : vector<1x16xf32> to vector<16xf32>
          %swap3A_457 = vector.shape_cast %get3A_452 : vector<16xf32> to vector<1x16xf32>
          tpu.vector_store %arg6[%swap3A_453, %swap3A_454], %swap3A_457 {strides = array<i32>} : memref<32x768xf32, #tpu.memory_space<vmem>>, vector<1x16xf32>,
          %get3A_458 = arith.constant 416 : index
          %get3A_459 = tpu.vector_load %arg14[%get3A_458] {strides = array<i32>} : memref<768xf32, #tpu.memory_space<vmem>>, vector<16xf32>,
          %get3A_460 = vector.shape_cast %get3A_459 : vector<16xf32> to vector<16xf32>
          %swap3A_461 = arith.index_cast %scan3A_244 : i32 to index
          %swap3A_462 = arith.constant 416 : index
          %swap3A_463 = tpu.vector_load %arg6[%swap3A_461, %swap3A_462] {strides = array<i32>} : memref<32x768xf32, #tpu.memory_space<vmem>>, vector<1x16xf32>,
          %swap3A_464 = vector.shape_cast %swap3A_463 : vector<1x16xf32> to vector<16xf32>
          %swap3A_465 = vector.shape_cast %get3A_460 : vector<16xf32> to vector<1x16xf32>
          tpu.vector_store %arg6[%swap3A_461, %swap3A_462], %swap3A_465 {strides = array<i32>} : memref<32x768xf32, #tpu.memory_space<vmem>>, vector<1x16xf32>,
          %get3A_466 = arith.constant 432 : index
          %get3A_467 = tpu.vector_load %arg14[%get3A_466] {strides = array<i32>} : memref<768xf32, #tpu.memory_space<vmem>>, vector<16xf32>,
          %get3A_468 = vector.shape_cast %get3A_467 : vector<16xf32> to vector<16xf32>
          %swap3A_469 = arith.index_cast %scan3A_244 : i32 to index
          %swap3A_470 = arith.constant 432 : index
          %swap3A_471 = tpu.vector_load %arg6[%swap3A_469, %swap3A_470] {strides = array<i32>} : memref<32x768xf32, #tpu.memory_space<vmem>>, vector<1x16xf32>,
          %swap3A_472 = vector.shape_cast %swap3A_471 : vector<1x16xf32> to vector<16xf32>
          %swap3A_473 = vector.shape_cast %get3A_468 : vector<16xf32> to vector<1x16xf32>
          tpu.vector_store %arg6[%swap3A_469, %swap3A_470], %swap3A_473 {strides = array<i32>} : memref<32x768xf32, #tpu.memory_space<vmem>>, vector<1x16xf32>,
          %get3A_474 = arith.constant 448 : index
          %get3A_475 = tpu.vector_load %arg14[%get3A_474] {strides = array<i32>} : memref<768xf32, #tpu.memory_space<vmem>>, vector<16xf32>,
          %get3A_476 = vector.shape_cast %get3A_475 : vector<16xf32> to vector<16xf32>
          %swap3A_477 = arith.index_cast %scan3A_244 : i32 to index
          %swap3A_478 = arith.constant 448 : index
          %swap3A_479 = tpu.vector_load %arg6[%swap3A_477, %swap3A_478] {strides = array<i32>} : memref<32x768xf32, #tpu.memory_space<vmem>>, vector<1x16xf32>,
          %swap3A_480 = vector.shape_cast %swap3A_479 : vector<1x16xf32> to vector<16xf32>
          %swap3A_481 = vector.shape_cast %get3A_476 : vector<16xf32> to vector<1x16xf32>
          tpu.vector_store %arg6[%swap3A_477, %swap3A_478], %swap3A_481 {strides = array<i32>} : memref<32x768xf32, #tpu.memory_space<vmem>>, vector<1x16xf32>,
          %get3A_482 = arith.constant 464 : index
          %get3A_483 = tpu.vector_load %arg14[%get3A_482] {strides = array<i32>} : memref<768xf32, #tpu.memory_space<vmem>>, vector<16xf32>,
          %get3A_484 = vector.shape_cast %get3A_483 : vector<16xf32> to vector<16xf32>
          %swap3A_485 = arith.index_cast %scan3A_244 : i32 to index
          %swap3A_486 = arith.constant 464 : index
          %swap3A_487 = tpu.vector_load %arg6[%swap3A_485, %swap3A_486] {strides = array<i32>} : memref<32x768xf32, #tpu.memory_space<vmem>>, vector<1x16xf32>,
          %swap3A_488 = vector.shape_cast %swap3A_487 : vector<1x16xf32> to vector<16xf32>
          %swap3A_489 = vector.shape_cast %get3A_484 : vector<16xf32> to vector<1x16xf32>
          tpu.vector_store %arg6[%swap3A_485, %swap3A_486], %swap3A_489 {strides = array<i32>} : memref<32x768xf32, #tpu.memory_space<vmem>>, vector<1x16xf32>,
          %get3A_490 = arith.constant 480 : index
          %get3A_491 = tpu.vector_load %arg14[%get3A_490] {strides = array<i32>} : memref<768xf32, #tpu.memory_space<vmem>>, vector<16xf32>,
          %get3A_492 = vector.shape_cast %get3A_491 : vector<16xf32> to vector<16xf32>
          %swap3A_493 = arith.index_cast %scan3A_244 : i32 to index
          %swap3A_494 = arith.constant 480 : index
          %swap3A_495 = tpu.vector_load %arg6[%swap3A_493, %swap3A_494] {strides = array<i32>} : memref<32x768xf32, #tpu.memory_space<vmem>>, vector<1x16xf32>,
          %swap3A_496 = vector.shape_cast %swap3A_495 : vector<1x16xf32> to vector<16xf32>
          %swap3A_497 = vector.shape_cast %get3A_492 : vector<16xf32> to vector<1x16xf32>
          tpu.vector_store %arg6[%swap3A_493, %swap3A_494], %swap3A_497 {strides = array<i32>} : memref<32x768xf32, #tpu.memory_space<vmem>>, vector<1x16xf32>,
          %get3A_498 = arith.constant 496 : index
          %get3A_499 = tpu.vector_load %arg14[%get3A_498] {strides = array<i32>} : memref<768xf32, #tpu.memory_space<vmem>>, vector<16xf32>,
          %get3A_500 = vector.shape_cast %get3A_499 : vector<16xf32> to vector<16xf32>
          %swap3A_501 = arith.index_cast %scan3A_244 : i32 to index
          %swap3A_502 = arith.constant 496 : index
          %swap3A_503 = tpu.vector_load %arg6[%swap3A_501, %swap3A_502] {strides = array<i32>} : memref<32x768xf32, #tpu.memory_space<vmem>>, vector<1x16xf32>,
          %swap3A_504 = vector.shape_cast %swap3A_503 : vector<1x16xf32> to vector<16xf32>
          %swap3A_505 = vector.shape_cast %get3A_500 : vector<16xf32> to vector<1x16xf32>
          tpu.vector_store %arg6[%swap3A_501, %swap3A_502], %swap3A_505 {strides = array<i32>} : memref<32x768xf32, #tpu.memory_space<vmem>>, vector<1x16xf32>,
          %get3A_506 = arith.constant 512 : index
          %get3A_507 = tpu.vector_load %arg14[%get3A_506] {strides = array<i32>} : memref<768xf32, #tpu.memory_space<vmem>>, vector<16xf32>,
          %get3A_508 = vector.shape_cast %get3A_507 : vector<16xf32> to vector<16xf32>
          %swap3A_509 = arith.index_cast %scan3A_244 : i32 to index
          %swap3A_510 = arith.constant 512 : index
          %swap3A_511 = tpu.vector_load %arg6[%swap3A_509, %swap3A_510] {strides = array<i32>} : memref<32x768xf32, #tpu.memory_space<vmem>>, vector<1x16xf32>,
          %swap3A_512 = vector.shape_cast %swap3A_511 : vector<1x16xf32> to vector<16xf32>
          %swap3A_513 = vector.shape_cast %get3A_508 : vector<16xf32> to vector<1x16xf32>
          tpu.vector_store %arg6[%swap3A_509, %swap3A_510], %swap3A_513 {strides = array<i32>} : memref<32x768xf32, #tpu.memory_space<vmem>>, vector<1x16xf32>,
          %get3A_514 = arith.constant 528 : index
          %get3A_515 = tpu.vector_load %arg14[%get3A_514] {strides = array<i32>} : memref<768xf32, #tpu.memory_space<vmem>>, vector<16xf32>,
          %get3A_516 = vector.shape_cast %get3A_515 : vector<16xf32> to vector<16xf32>
          %swap3A_517 = arith.index_cast %scan3A_244 : i32 to index
          %swap3A_518 = arith.constant 528 : index
          %swap3A_519 = tpu.vector_load %arg6[%swap3A_517, %swap3A_518] {strides = array<i32>} : memref<32x768xf32, #tpu.memory_space<vmem>>, vector<1x16xf32>,
          %swap3A_520 = vector.shape_cast %swap3A_519 : vector<1x16xf32> to vector<16xf32>
          %swap3A_521 = vector.shape_cast %get3A_516 : vector<16xf32> to vector<1x16xf32>
          tpu.vector_store %arg6[%swap3A_517, %swap3A_518], %swap3A_521 {strides = array<i32>} : memref<32x768xf32, #tpu.memory_space<vmem>>, vector<1x16xf32>,
          %get3A_522 = arith.constant 544 : index
          %get3A_523 = tpu.vector_load %arg14[%get3A_522] {strides = array<i32>} : memref<768xf32, #tpu.memory_space<vmem>>, vector<16xf32>,
          %get3A_524 = vector.shape_cast %get3A_523 : vector<16xf32> to vector<16xf32>
          %swap3A_525 = arith.index_cast %scan3A_244 : i32 to index
          %swap3A_526 = arith.constant 544 : index
          %swap3A_527 = tpu.vector_load %arg6[%swap3A_525, %swap3A_526] {strides = array<i32>} : memref<32x768xf32, #tpu.memory_space<vmem>>, vector<1x16xf32>,
          %swap3A_528 = vector.shape_cast %swap3A_527 : vector<1x16xf32> to vector<16xf32>
          %swap3A_529 = vector.shape_cast %get3A_524 : vector<16xf32> to vector<1x16xf32>
          tpu.vector_store %arg6[%swap3A_525, %swap3A_526], %swap3A_529 {strides = array<i32>} : memref<32x768xf32, #tpu.memory_space<vmem>>, vector<1x16xf32>,
          %get3A_530 = arith.constant 560 : index
          %get3A_531 = tpu.vector_load %arg14[%get3A_530] {strides = array<i32>} : memref<768xf32, #tpu.memory_space<vmem>>, vector<16xf32>,
          %get3A_532 = vector.shape_cast %get3A_531 : vector<16xf32> to vector<16xf32>
          %swap3A_533 = arith.index_cast %scan3A_244 : i32 to index
          %swap3A_534 = arith.constant 560 : index
          %swap3A_535 = tpu.vector_load %arg6[%swap3A_533, %swap3A_534] {strides = array<i32>} : memref<32x768xf32, #tpu.memory_space<vmem>>, vector<1x16xf32>,
          %swap3A_536 = vector.shape_cast %swap3A_535 : vector<1x16xf32> to vector<16xf32>
          %swap3A_537 = vector.shape_cast %get3A_532 : vector<16xf32> to vector<1x16xf32>
          tpu.vector_store %arg6[%swap3A_533, %swap3A_534], %swap3A_537 {strides = array<i32>} : memref<32x768xf32, #tpu.memory_space<vmem>>, vector<1x16xf32>,
          %get3A_538 = arith.constant 576 : index
          %get3A_539 = tpu.vector_load %arg14[%get3A_538] {strides = array<i32>} : memref<768xf32, #tpu.memory_space<vmem>>, vector<16xf32>,
          %get3A_540 = vector.shape_cast %get3A_539 : vector<16xf32> to vector<16xf32>
          %swap3A_541 = arith.index_cast %scan3A_244 : i32 to index
          %swap3A_542 = arith.constant 576 : index
          %swap3A_543 = tpu.vector_load %arg6[%swap3A_541, %swap3A_542] {strides = array<i32>} : memref<32x768xf32, #tpu.memory_space<vmem>>, vector<1x16xf32>,
          %swap3A_544 = vector.shape_cast %swap3A_543 : vector<1x16xf32> to vector<16xf32>
          %swap3A_545 = vector.shape_cast %get3A_540 : vector<16xf32> to vector<1x16xf32>
          tpu.vector_store %arg6[%swap3A_541, %swap3A_542], %swap3A_545 {strides = array<i32>} : memref<32x768xf32, #tpu.memory_space<vmem>>, vector<1x16xf32>,
          %get3A_546 = arith.constant 592 : index
          %get3A_547 = tpu.vector_load %arg14[%get3A_546] {strides = array<i32>} : memref<768xf32, #tpu.memory_space<vmem>>, vector<16xf32>,
          %get3A_548 = vector.shape_cast %get3A_547 : vector<16xf32> to vector<16xf32>
          %swap3A_549 = arith.index_cast %scan3A_244 : i32 to index
          %swap3A_550 = arith.constant 592 : index
          %swap3A_551 = tpu.vector_load %arg6[%swap3A_549, %swap3A_550] {strides = array<i32>} : memref<32x768xf32, #tpu.memory_space<vmem>>, vector<1x16xf32>,
          %swap3A_552 = vector.shape_cast %swap3A_551 : vector<1x16xf32> to vector<16xf32>
          %swap3A_553 = vector.shape_cast %get3A_548 : vector<16xf32> to vector<1x16xf32>
          tpu.vector_store %arg6[%swap3A_549, %swap3A_550], %swap3A_553 {strides = array<i32>} : memref<32x768xf32, #tpu.memory_space<vmem>>, vector<1x16xf32>,
          %get3A_554 = arith.constant 608 : index
          %get3A_555 = tpu.vector_load %arg14[%get3A_554] {strides = array<i32>} : memref<768xf32, #tpu.memory_space<vmem>>, vector<16xf32>,
          %get3A_556 = vector.shape_cast %get3A_555 : vector<16xf32> to vector<16xf32>
          %swap3A_557 = arith.index_cast %scan3A_244 : i32 to index
          %swap3A_558 = arith.constant 608 : index
          %swap3A_559 = tpu.vector_load %arg6[%swap3A_557, %swap3A_558] {strides = array<i32>} : memref<32x768xf32, #tpu.memory_space<vmem>>, vector<1x16xf32>,
          %swap3A_560 = vector.shape_cast %swap3A_559 : vector<1x16xf32> to vector<16xf32>
          %swap3A_561 = vector.shape_cast %get3A_556 : vector<16xf32> to vector<1x16xf32>
          tpu.vector_store %arg6[%swap3A_557, %swap3A_558], %swap3A_561 {strides = array<i32>} : memref<32x768xf32, #tpu.memory_space<vmem>>, vector<1x16xf32>,
          %get3A_562 = arith.constant 624 : index
          %get3A_563 = tpu.vector_load %arg14[%get3A_562] {strides = array<i32>} : memref<768xf32, #tpu.memory_space<vmem>>, vector<16xf32>,
          %get3A_564 = vector.shape_cast %get3A_563 : vector<16xf32> to vector<16xf32>
          %swap3A_565 = arith.index_cast %scan3A_244 : i32 to index
          %swap3A_566 = arith.constant 624 : index
          %swap3A_567 = tpu.vector_load %arg6[%swap3A_565, %swap3A_566] {strides = array<i32>} : memref<32x768xf32, #tpu.memory_space<vmem>>, vector<1x16xf32>,
          %swap3A_568 = vector.shape_cast %swap3A_567 : vector<1x16xf32> to vector<16xf32>
          %swap3A_569 = vector.shape_cast %get3A_564 : vector<16xf32> to vector<1x16xf32>
          tpu.vector_store %arg6[%swap3A_565, %swap3A_566], %swap3A_569 {strides = array<i32>} : memref<32x768xf32, #tpu.memory_space<vmem>>, vector<1x16xf32>,
          %get3A_570 = arith.constant 640 : index
          %get3A_571 = tpu.vector_load %arg14[%get3A_570] {strides = array<i32>} : memref<768xf32, #tpu.memory_space<vmem>>, vector<16xf32>,
          %get3A_572 = vector.shape_cast %get3A_571 : vector<16xf32> to vector<16xf32>
          %swap3A_573 = arith.index_cast %scan3A_244 : i32 to index
          %swap3A_574 = arith.constant 640 : index
          %swap3A_575 = tpu.vector_load %arg6[%swap3A_573, %swap3A_574] {strides = array<i32>} : memref<32x768xf32, #tpu.memory_space<vmem>>, vector<1x16xf32>,
          %swap3A_576 = vector.shape_cast %swap3A_575 : vector<1x16xf32> to vector<16xf32>
          %swap3A_577 = vector.shape_cast %get3A_572 : vector<16xf32> to vector<1x16xf32>
          tpu.vector_store %arg6[%swap3A_573, %swap3A_574], %swap3A_577 {strides = array<i32>} : memref<32x768xf32, #tpu.memory_space<vmem>>, vector<1x16xf32>,
          %get3A_578 = arith.constant 656 : index
          %get3A_579 = tpu.vector_load %arg14[%get3A_578] {strides = array<i32>} : memref<768xf32, #tpu.memory_space<vmem>>, vector<16xf32>,
          %get3A_580 = vector.shape_cast %get3A_579 : vector<16xf32> to vector<16xf32>
          %swap3A_581 = arith.index_cast %scan3A_244 : i32 to index
          %swap3A_582 = arith.constant 656 : index
          %swap3A_583 = tpu.vector_load %arg6[%swap3A_581, %swap3A_582] {strides = array<i32>} : memref<32x768xf32, #tpu.memory_space<vmem>>, vector<1x16xf32>,
          %swap3A_584 = vector.shape_cast %swap3A_583 : vector<1x16xf32> to vector<16xf32>
          %swap3A_585 = vector.shape_cast %get3A_580 : vector<16xf32> to vector<1x16xf32>
          tpu.vector_store %arg6[%swap3A_581, %swap3A_582], %swap3A_585 {strides = array<i32>} : memref<32x768xf32, #tpu.memory_space<vmem>>, vector<1x16xf32>,
          %get3A_586 = arith.constant 672 : index
          %get3A_587 = tpu.vector_load %arg14[%get3A_586] {strides = array<i32>} : memref<768xf32, #tpu.memory_space<vmem>>, vector<16xf32>,
          %get3A_588 = vector.shape_cast %get3A_587 : vector<16xf32> to vector<16xf32>
          %swap3A_589 = arith.index_cast %scan3A_244 : i32 to index
          %swap3A_590 = arith.constant 672 : index
          %swap3A_591 = tpu.vector_load %arg6[%swap3A_589, %swap3A_590] {strides = array<i32>} : memref<32x768xf32, #tpu.memory_space<vmem>>, vector<1x16xf32>,
          %swap3A_592 = vector.shape_cast %swap3A_591 : vector<1x16xf32> to vector<16xf32>
          %swap3A_593 = vector.shape_cast %get3A_588 : vector<16xf32> to vector<1x16xf32>
          tpu.vector_store %arg6[%swap3A_589, %swap3A_590], %swap3A_593 {strides = array<i32>} : memref<32x768xf32, #tpu.memory_space<vmem>>, vector<1x16xf32>,
          %get3A_594 = arith.constant 688 : index
          %get3A_595 = tpu.vector_load %arg14[%get3A_594] {strides = array<i32>} : memref<768xf32, #tpu.memory_space<vmem>>, vector<16xf32>,
          %get3A_596 = vector.shape_cast %get3A_595 : vector<16xf32> to vector<16xf32>
          %swap3A_597 = arith.index_cast %scan3A_244 : i32 to index
          %swap3A_598 = arith.constant 688 : index
          %swap3A_599 = tpu.vector_load %arg6[%swap3A_597, %swap3A_598] {strides = array<i32>} : memref<32x768xf32, #tpu.memory_space<vmem>>, vector<1x16xf32>,
          %swap3A_600 = vector.shape_cast %swap3A_599 : vector<1x16xf32> to vector<16xf32>
          %swap3A_601 = vector.shape_cast %get3A_596 : vector<16xf32> to vector<1x16xf32>
          tpu.vector_store %arg6[%swap3A_597, %swap3A_598], %swap3A_601 {strides = array<i32>} : memref<32x768xf32, #tpu.memory_space<vmem>>, vector<1x16xf32>,
          %get3A_602 = arith.constant 704 : index
          %get3A_603 = tpu.vector_load %arg14[%get3A_602] {strides = array<i32>} : memref<768xf32, #tpu.memory_space<vmem>>, vector<16xf32>,
          %get3A_604 = vector.shape_cast %get3A_603 : vector<16xf32> to vector<16xf32>
          %swap3A_605 = arith.index_cast %scan3A_244 : i32 to index
          %swap3A_606 = arith.constant 704 : index
          %swap3A_607 = tpu.vector_load %arg6[%swap3A_605, %swap3A_606] {strides = array<i32>} : memref<32x768xf32, #tpu.memory_space<vmem>>, vector<1x16xf32>,
          %swap3A_608 = vector.shape_cast %swap3A_607 : vector<1x16xf32> to vector<16xf32>
          %swap3A_609 = vector.shape_cast %get3A_604 : vector<16xf32> to vector<1x16xf32>
          tpu.vector_store %arg6[%swap3A_605, %swap3A_606], %swap3A_609 {strides = array<i32>} : memref<32x768xf32, #tpu.memory_space<vmem>>, vector<1x16xf32>,
          %get3A_610 = arith.constant 720 : index
          %get3A_611 = tpu.vector_load %arg14[%get3A_610] {strides = array<i32>} : memref<768xf32, #tpu.memory_space<vmem>>, vector<16xf32>,
          %get3A_612 = vector.shape_cast %get3A_611 : vector<16xf32> to vector<16xf32>
          %swap3A_613 = arith.index_cast %scan3A_244 : i32 to index
          %swap3A_614 = arith.constant 720 : index
          %swap3A_615 = tpu.vector_load %arg6[%swap3A_613, %swap3A_614] {strides = array<i32>} : memref<32x768xf32, #tpu.memory_space<vmem>>, vector<1x16xf32>,
          %swap3A_616 = vector.shape_cast %swap3A_615 : vector<1x16xf32> to vector<16xf32>
          %swap3A_617 = vector.shape_cast %get3A_612 : vector<16xf32> to vector<1x16xf32>
          tpu.vector_store %arg6[%swap3A_613, %swap3A_614], %swap3A_617 {strides = array<i32>} : memref<32x768xf32, #tpu.memory_space<vmem>>, vector<1x16xf32>,
          %get3A_618 = arith.constant 736 : index
          %get3A_619 = tpu.vector_load %arg14[%get3A_618] {strides = array<i32>} : memref<768xf32, #tpu.memory_space<vmem>>, vector<16xf32>,
          %get3A_620 = vector.shape_cast %get3A_619 : vector<16xf32> to vector<16xf32>
          %swap3A_621 = arith.index_cast %scan3A_244 : i32 to index
          %swap3A_622 = arith.constant 736 : index
          %swap3A_623 = tpu.vector_load %arg6[%swap3A_621, %swap3A_622] {strides = array<i32>} : memref<32x768xf32, #tpu.memory_space<vmem>>, vector<1x16xf32>,
          %swap3A_624 = vector.shape_cast %swap3A_623 : vector<1x16xf32> to vector<16xf32>
          %swap3A_625 = vector.shape_cast %get3A_620 : vector<16xf32> to vector<1x16xf32>
          tpu.vector_store %arg6[%swap3A_621, %swap3A_622], %swap3A_625 {strides = array<i32>} : memref<32x768xf32, #tpu.memory_space<vmem>>, vector<1x16xf32>,
          %get3A_626 = arith.constant 752 : index
          %get3A_627 = tpu.vector_load %arg14[%get3A_626] {strides = array<i32>} : memref<768xf32, #tpu.memory_space<vmem>>, vector<16xf32>,
          %get3A_628 = vector.shape_cast %get3A_627 : vector<16xf32> to vector<16xf32>
          %swap3A_629 = arith.index_cast %scan3A_244 : i32 to index
          %swap3A_630 = arith.constant 752 : index
          %swap3A_631 = tpu.vector_load %arg6[%swap3A_629, %swap3A_630] {strides = array<i32>} : memref<32x768xf32, #tpu.memory_space<vmem>>, vector<1x16xf32>,
          %swap3A_632 = vector.shape_cast %swap3A_631 : vector<1x16xf32> to vector<16xf32>
          %swap3A_633 = vector.shape_cast %get3A_628 : vector<16xf32> to vector<1x16xf32>
          tpu.vector_store %arg6[%swap3A_629, %swap3A_630], %swap3A_633 {strides = array<i32>} : memref<32x768xf32, #tpu.memory_space<vmem>>, vector<1x16xf32>,
        } else {
        }
      }
      %scan3A_130 = arith.constant 32 : i32
      %mul3A_131 = arith.constant 4 : i32
      %mul3A_132 = arith.muli %scan3A_23, %mul3A_131 : i32
      %add3A_133 = arith.constant 0 : i32
      %add3A_134 = arith.addi %mul3A_132, %add3A_133 : i32
      %mul3A_135 = arith.constant 32 : i32
      %mul3A_136 = arith.muli %add3A_134, %mul3A_135 : i32
      %add3A_137 = arith.addi %mul3A_2, %mul3A_136 : i32
      %dma_start3A_138 = arith.constant 0 : i32
      %dma_start3A_139 = tpu.memref_slice %arg5[%add3A_137, %dma_start3A_138] : memref<36864x768xf32, #tpu.memory_space<hbm>> -> memref<32x768xf32, #tpu.memory_space<hbm>>
      %dma_start3A_140 = arith.constant 0 : i32
      %dma_start3A_141 = tpu.memref_slice %arg5[%add3A_137, %dma_start3A_140] : memref<36864x768xf32, #tpu.memory_space<hbm>> -> memref<32x768xf32, #tpu.memory_space<hbm>>
      tpu.enqueue_dma source(%arg6 : memref<32x768xf32, #tpu.memory_space<vmem>>) target(%dma_start3A_141 : memref<32x768xf32, #tpu.memory_space<hbm>>) target_semaphore(%arg23 : memref<!tpu.dma_semaphore, #tpu.memory_space<semaphore_mem>>)
      %mul3A_142 = arith.constant 4 : i32
      %mul3A_143 = arith.muli %scan3A_23, %mul3A_142 : i32
      %add3A_144 = arith.constant 1 : i32
      %add3A_145 = arith.addi %mul3A_143, %add3A_144 : i32
      %mul3A_146 = arith.constant 32 : i32
      %mul3A_147 = arith.muli %add3A_145, %mul3A_146 : i32
      %add3A_148 = arith.addi %mul3A_2, %mul3A_147 : i32
      %dma_wait3A_149 = arith.constant 0 : i32
      %dma_wait3A_150 = tpu.memref_slice %arg2[%add3A_148, %dma_wait3A_149] : memref<36864x768xf32, #tpu.memory_space<hbm>> -> memref<32x768xf32, #tpu.memory_space<hbm>>
      %dma_wait3A_151 = arith.constant 0 : i32
      %dma_wait3A_152 = tpu.memref_slice %arg2[%add3A_148, %dma_wait3A_151] : memref<36864x768xf32, #tpu.memory_space<hbm>> -> memref<32x768xf32, #tpu.memory_space<hbm>>
      tpu.wait_dma2 semaphore(%arg16 : memref<!tpu.dma_semaphore, #tpu.memory_space<semaphore_mem>>) src(%dma_wait3A_152 : memref<32x768xf32, #tpu.memory_space<hbm>>) dst(%arg7 : memref<32x768xf32, #tpu.memory_space<vmem>>)
      %dma_wait3A_153 = arith.constant 0 : i32
      %dma_wait3A_154 = tpu.memref_slice %arg11[%dma_wait3A_153] : memref<48xi32, #tpu.memory_space<vmem>> -> memref<32xi32, #tpu.memory_space<vmem>>
      %dma_wait3A_155 = tpu.memref_slice %arg3[%add3A_148] : memref<36864xi32, #tpu.memory_space<hbm>> -> memref<32xi32, #tpu.memory_space<hbm>>
      %dma_wait3A_156 = arith.constant 0 : i32
      %dma_wait3A_157 = tpu.memref_slice %arg11[%dma_wait3A_156] : memref<48xi32, #tpu.memory_space<vmem>> -> memref<32xi32, #tpu.memory_space<vmem>>
      %dma_wait3A_158 = tpu.memref_slice %arg3[%add3A_148] : memref<36864xi32, #tpu.memory_space<hbm>> -> memref<32xi32, #tpu.memory_space<hbm>>
      tpu.wait_dma2 semaphore(%arg20 : memref<!tpu.dma_semaphore, #tpu.memory_space<semaphore_mem>>) src(%dma_wait3A_158 : memref<32xi32, #tpu.memory_space<hbm>>) dst(%dma_wait3A_157 : memref<32xi32, #tpu.memory_space<vmem>>)
      %scan3A_159 = arith.constant 0 : i32
      %scan3A_160 = arith.constant 0 : i32
      %scan3A_161 = arith.constant 32 : i32
      %scan3A_162 = arith.addi %scan3A_160, %scan3A_161 : i32
      %scan3A_163 = arith.constant 1 : i32
      scf.for %scan3A_244 = %scan3A_160 to %scan3A_162 step %scan3A_163  : i32 {
        %get3A = arith.index_cast %scan3A_244 : i32 to index
        %get3A_245 = tpu.vector_load %arg11[%get3A] {strides = array<i32>} : memref<48xi32, #tpu.memory_space<vmem>>, vector<16xi32>,
        %get3A_246 = vector.shape_cast %get3A_245 : vector<16xi32> to vector<16xi32>
        %slice3A = vector.extract_strided_slice %get3A_246 {offsets = [0], sizes = [1], strides = [1]} : vector<16xi32> to vector<1xi32>
        %squeeze3A = vector.extract %slice3A[0] : i32 from vector<1xi32>
        %ne3A = arith.constant 0 : i32
        %ne3A_247 = arith.cmpi ne, %squeeze3A, %ne3A : i32
        %convert_element_type3A_248 = arith.extui %ne3A_247 : i1 to i32
        %cond3A_249 = arith.constant 0 : i32
        %cond3A_250 = arith.cmpi ne, %convert_element_type3A_248, %cond3A_249 : i32
        scf.if %cond3A_250 {
          %get3A_251 = arith.constant 0 : index
          %get3A_252 = tpu.vector_load %arg14[%get3A_251] {strides = array<i32>} : memref<768xf32, #tpu.memory_space<vmem>>, vector<16xf32>,
          %get3A_253 = vector.shape_cast %get3A_252 : vector<16xf32> to vector<16xf32>
          %swap3A = arith.index_cast %scan3A_244 : i32 to index
          %swap3A_254 = arith.constant 0 : index
          %swap3A_255 = tpu.vector_load %arg7[%swap3A, %swap3A_254] {strides = array<i32>} : memref<32x768xf32, #tpu.memory_space<vmem>>, vector<1x16xf32>,
          %swap3A_256 = vector.shape_cast %swap3A_255 : vector<1x16xf32> to vector<16xf32>
          %swap3A_257 = vector.shape_cast %get3A_253 : vector<16xf32> to vector<1x16xf32>
          tpu.vector_store %arg7[%swap3A, %swap3A_254], %swap3A_257 {strides = array<i32>} : memref<32x768xf32, #tpu.memory_space<vmem>>, vector<1x16xf32>,
          %get3A_258 = arith.constant 16 : index
          %get3A_259 = tpu.vector_load %arg14[%get3A_258] {strides = array<i32>} : memref<768xf32, #tpu.memory_space<vmem>>, vector<16xf32>,
          %get3A_260 = vector.shape_cast %get3A_259 : vector<16xf32> to vector<16xf32>
          %swap3A_261 = arith.index_cast %scan3A_244 : i32 to index
          %swap3A_262 = arith.constant 16 : index
          %swap3A_263 = tpu.vector_load %arg7[%swap3A_261, %swap3A_262] {strides = array<i32>} : memref<32x768xf32, #tpu.memory_space<vmem>>, vector<1x16xf32>,
          %swap3A_264 = vector.shape_cast %swap3A_263 : vector<1x16xf32> to vector<16xf32>
          %swap3A_265 = vector.shape_cast %get3A_260 : vector<16xf32> to vector<1x16xf32>
          tpu.vector_store %arg7[%swap3A_261, %swap3A_262], %swap3A_265 {strides = array<i32>} : memref<32x768xf32, #tpu.memory_space<vmem>>, vector<1x16xf32>,
          %get3A_266 = arith.constant 32 : index
          %get3A_267 = tpu.vector_load %arg14[%get3A_266] {strides = array<i32>} : memref<768xf32, #tpu.memory_space<vmem>>, vector<16xf32>,
          %get3A_268 = vector.shape_cast %get3A_267 : vector<16xf32> to vector<16xf32>
          %swap3A_269 = arith.index_cast %scan3A_244 : i32 to index
          %swap3A_270 = arith.constant 32 : index
          %swap3A_271 = tpu.vector_load %arg7[%swap3A_269, %swap3A_270] {strides = array<i32>} : memref<32x768xf32, #tpu.memory_space<vmem>>, vector<1x16xf32>,
          %swap3A_272 = vector.shape_cast %swap3A_271 : vector<1x16xf32> to vector<16xf32>
          %swap3A_273 = vector.shape_cast %get3A_268 : vector<16xf32> to vector<1x16xf32>
          tpu.vector_store %arg7[%swap3A_269, %swap3A_270], %swap3A_273 {strides = array<i32>} : memref<32x768xf32, #tpu.memory_space<vmem>>, vector<1x16xf32>,
          %get3A_274 = arith.constant 48 : index
          %get3A_275 = tpu.vector_load %arg14[%get3A_274] {strides = array<i32>} : memref<768xf32, #tpu.memory_space<vmem>>, vector<16xf32>,
          %get3A_276 = vector.shape_cast %get3A_275 : vector<16xf32> to vector<16xf32>
          %swap3A_277 = arith.index_cast %scan3A_244 : i32 to index
          %swap3A_278 = arith.constant 48 : index
          %swap3A_279 = tpu.vector_load %arg7[%swap3A_277, %swap3A_278] {strides = array<i32>} : memref<32x768xf32, #tpu.memory_space<vmem>>, vector<1x16xf32>,
          %swap3A_280 = vector.shape_cast %swap3A_279 : vector<1x16xf32> to vector<16xf32>
          %swap3A_281 = vector.shape_cast %get3A_276 : vector<16xf32> to vector<1x16xf32>
          tpu.vector_store %arg7[%swap3A_277, %swap3A_278], %swap3A_281 {strides = array<i32>} : memref<32x768xf32, #tpu.memory_space<vmem>>, vector<1x16xf32>,
          %get3A_282 = arith.constant 64 : index
          %get3A_283 = tpu.vector_load %arg14[%get3A_282] {strides = array<i32>} : memref<768xf32, #tpu.memory_space<vmem>>, vector<16xf32>,
          %get3A_284 = vector.shape_cast %get3A_283 : vector<16xf32> to vector<16xf32>
          %swap3A_285 = arith.index_cast %scan3A_244 : i32 to index
          %swap3A_286 = arith.constant 64 : index
          %swap3A_287 = tpu.vector_load %arg7[%swap3A_285, %swap3A_286] {strides = array<i32>} : memref<32x768xf32, #tpu.memory_space<vmem>>, vector<1x16xf32>,
          %swap3A_288 = vector.shape_cast %swap3A_287 : vector<1x16xf32> to vector<16xf32>
          %swap3A_289 = vector.shape_cast %get3A_284 : vector<16xf32> to vector<1x16xf32>
          tpu.vector_store %arg7[%swap3A_285, %swap3A_286], %swap3A_289 {strides = array<i32>} : memref<32x768xf32, #tpu.memory_space<vmem>>, vector<1x16xf32>,
          %get3A_290 = arith.constant 80 : index
          %get3A_291 = tpu.vector_load %arg14[%get3A_290] {strides = array<i32>} : memref<768xf32, #tpu.memory_space<vmem>>, vector<16xf32>,
          %get3A_292 = vector.shape_cast %get3A_291 : vector<16xf32> to vector<16xf32>
          %swap3A_293 = arith.index_cast %scan3A_244 : i32 to index
          %swap3A_294 = arith.constant 80 : index
          %swap3A_295 = tpu.vector_load %arg7[%swap3A_293, %swap3A_294] {strides = array<i32>} : memref<32x768xf32, #tpu.memory_space<vmem>>, vector<1x16xf32>,
          %swap3A_296 = vector.shape_cast %swap3A_295 : vector<1x16xf32> to vector<16xf32>
          %swap3A_297 = vector.shape_cast %get3A_292 : vector<16xf32> to vector<1x16xf32>
          tpu.vector_store %arg7[%swap3A_293, %swap3A_294], %swap3A_297 {strides = array<i32>} : memref<32x768xf32, #tpu.memory_space<vmem>>, vector<1x16xf32>,
          %get3A_298 = arith.constant 96 : index
          %get3A_299 = tpu.vector_load %arg14[%get3A_298] {strides = array<i32>} : memref<768xf32, #tpu.memory_space<vmem>>, vector<16xf32>,
          %get3A_300 = vector.shape_cast %get3A_299 : vector<16xf32> to vector<16xf32>
          %swap3A_301 = arith.index_cast %scan3A_244 : i32 to index
          %swap3A_302 = arith.constant 96 : index
          %swap3A_303 = tpu.vector_load %arg7[%swap3A_301, %swap3A_302] {strides = array<i32>} : memref<32x768xf32, #tpu.memory_space<vmem>>, vector<1x16xf32>,
          %swap3A_304 = vector.shape_cast %swap3A_303 : vector<1x16xf32> to vector<16xf32>
          %swap3A_305 = vector.shape_cast %get3A_300 : vector<16xf32> to vector<1x16xf32>
          tpu.vector_store %arg7[%swap3A_301, %swap3A_302], %swap3A_305 {strides = array<i32>} : memref<32x768xf32, #tpu.memory_space<vmem>>, vector<1x16xf32>,
          %get3A_306 = arith.constant 112 : index
          %get3A_307 = tpu.vector_load %arg14[%get3A_306] {strides = array<i32>} : memref<768xf32, #tpu.memory_space<vmem>>, vector<16xf32>,
          %get3A_308 = vector.shape_cast %get3A_307 : vector<16xf32> to vector<16xf32>
          %swap3A_309 = arith.index_cast %scan3A_244 : i32 to index
          %swap3A_310 = arith.constant 112 : index
          %swap3A_311 = tpu.vector_load %arg7[%swap3A_309, %swap3A_310] {strides = array<i32>} : memref<32x768xf32, #tpu.memory_space<vmem>>, vector<1x16xf32>,
          %swap3A_312 = vector.shape_cast %swap3A_311 : vector<1x16xf32> to vector<16xf32>
          %swap3A_313 = vector.shape_cast %get3A_308 : vector<16xf32> to vector<1x16xf32>
          tpu.vector_store %arg7[%swap3A_309, %swap3A_310], %swap3A_313 {strides = array<i32>} : memref<32x768xf32, #tpu.memory_space<vmem>>, vector<1x16xf32>,
          %get3A_314 = arith.constant 128 : index
          %get3A_315 = tpu.vector_load %arg14[%get3A_314] {strides = array<i32>} : memref<768xf32, #tpu.memory_space<vmem>>, vector<16xf32>,
          %get3A_316 = vector.shape_cast %get3A_315 : vector<16xf32> to vector<16xf32>
          %swap3A_317 = arith.index_cast %scan3A_244 : i32 to index
          %swap3A_318 = arith.constant 128 : index
          %swap3A_319 = tpu.vector_load %arg7[%swap3A_317, %swap3A_318] {strides = array<i32>} : memref<32x768xf32, #tpu.memory_space<vmem>>, vector<1x16xf32>,
          %swap3A_320 = vector.shape_cast %swap3A_319 : vector<1x16xf32> to vector<16xf32>
          %swap3A_321 = vector.shape_cast %get3A_316 : vector<16xf32> to vector<1x16xf32>
          tpu.vector_store %arg7[%swap3A_317, %swap3A_318], %swap3A_321 {strides = array<i32>} : memref<32x768xf32, #tpu.memory_space<vmem>>, vector<1x16xf32>,
          %get3A_322 = arith.constant 144 : index
          %get3A_323 = tpu.vector_load %arg14[%get3A_322] {strides = array<i32>} : memref<768xf32, #tpu.memory_space<vmem>>, vector<16xf32>,
          %get3A_324 = vector.shape_cast %get3A_323 : vector<16xf32> to vector<16xf32>
          %swap3A_325 = arith.index_cast %scan3A_244 : i32 to index
          %swap3A_326 = arith.constant 144 : index
          %swap3A_327 = tpu.vector_load %arg7[%swap3A_325, %swap3A_326] {strides = array<i32>} : memref<32x768xf32, #tpu.memory_space<vmem>>, vector<1x16xf32>,
          %swap3A_328 = vector.shape_cast %swap3A_327 : vector<1x16xf32> to vector<16xf32>
          %swap3A_329 = vector.shape_cast %get3A_324 : vector<16xf32> to vector<1x16xf32>
          tpu.vector_store %arg7[%swap3A_325, %swap3A_326], %swap3A_329 {strides = array<i32>} : memref<32x768xf32, #tpu.memory_space<vmem>>, vector<1x16xf32>,
          %get3A_330 = arith.constant 160 : index
          %get3A_331 = tpu.vector_load %arg14[%get3A_330] {strides = array<i32>} : memref<768xf32, #tpu.memory_space<vmem>>, vector<16xf32>,
          %get3A_332 = vector.shape_cast %get3A_331 : vector<16xf32> to vector<16xf32>
          %swap3A_333 = arith.index_cast %scan3A_244 : i32 to index
          %swap3A_334 = arith.constant 160 : index
          %swap3A_335 = tpu.vector_load %arg7[%swap3A_333, %swap3A_334] {strides = array<i32>} : memref<32x768xf32, #tpu.memory_space<vmem>>, vector<1x16xf32>,
          %swap3A_336 = vector.shape_cast %swap3A_335 : vector<1x16xf32> to vector<16xf32>
          %swap3A_337 = vector.shape_cast %get3A_332 : vector<16xf32> to vector<1x16xf32>
          tpu.vector_store %arg7[%swap3A_333, %swap3A_334], %swap3A_337 {strides = array<i32>} : memref<32x768xf32, #tpu.memory_space<vmem>>, vector<1x16xf32>,
          %get3A_338 = arith.constant 176 : index
          %get3A_339 = tpu.vector_load %arg14[%get3A_338] {strides = array<i32>} : memref<768xf32, #tpu.memory_space<vmem>>, vector<16xf32>,
          %get3A_340 = vector.shape_cast %get3A_339 : vector<16xf32> to vector<16xf32>
          %swap3A_341 = arith.index_cast %scan3A_244 : i32 to index
          %swap3A_342 = arith.constant 176 : index
          %swap3A_343 = tpu.vector_load %arg7[%swap3A_341, %swap3A_342] {strides = array<i32>} : memref<32x768xf32, #tpu.memory_space<vmem>>, vector<1x16xf32>,
          %swap3A_344 = vector.shape_cast %swap3A_343 : vector<1x16xf32> to vector<16xf32>
          %swap3A_345 = vector.shape_cast %get3A_340 : vector<16xf32> to vector<1x16xf32>
          tpu.vector_store %arg7[%swap3A_341, %swap3A_342], %swap3A_345 {strides = array<i32>} : memref<32x768xf32, #tpu.memory_space<vmem>>, vector<1x16xf32>,
          %get3A_346 = arith.constant 192 : index
          %get3A_347 = tpu.vector_load %arg14[%get3A_346] {strides = array<i32>} : memref<768xf32, #tpu.memory_space<vmem>>, vector<16xf32>,
          %get3A_348 = vector.shape_cast %get3A_347 : vector<16xf32> to vector<16xf32>
          %swap3A_349 = arith.index_cast %scan3A_244 : i32 to index
          %swap3A_350 = arith.constant 192 : index
          %swap3A_351 = tpu.vector_load %arg7[%swap3A_349, %swap3A_350] {strides = array<i32>} : memref<32x768xf32, #tpu.memory_space<vmem>>, vector<1x16xf32>,
          %swap3A_352 = vector.shape_cast %swap3A_351 : vector<1x16xf32> to vector<16xf32>
          %swap3A_353 = vector.shape_cast %get3A_348 : vector<16xf32> to vector<1x16xf32>
          tpu.vector_store %arg7[%swap3A_349, %swap3A_350], %swap3A_353 {strides = array<i32>} : memref<32x768xf32, #tpu.memory_space<vmem>>, vector<1x16xf32>,
          %get3A_354 = arith.constant 208 : index
          %get3A_355 = tpu.vector_load %arg14[%get3A_354] {strides = array<i32>} : memref<768xf32, #tpu.memory_space<vmem>>, vector<16xf32>,
          %get3A_356 = vector.shape_cast %get3A_355 : vector<16xf32> to vector<16xf32>
          %swap3A_357 = arith.index_cast %scan3A_244 : i32 to index
          %swap3A_358 = arith.constant 208 : index
          %swap3A_359 = tpu.vector_load %arg7[%swap3A_357, %swap3A_358] {strides = array<i32>} : memref<32x768xf32, #tpu.memory_space<vmem>>, vector<1x16xf32>,
          %swap3A_360 = vector.shape_cast %swap3A_359 : vector<1x16xf32> to vector<16xf32>
          %swap3A_361 = vector.shape_cast %get3A_356 : vector<16xf32> to vector<1x16xf32>
          tpu.vector_store %arg7[%swap3A_357, %swap3A_358], %swap3A_361 {strides = array<i32>} : memref<32x768xf32, #tpu.memory_space<vmem>>, vector<1x16xf32>,
          %get3A_362 = arith.constant 224 : index
          %get3A_363 = tpu.vector_load %arg14[%get3A_362] {strides = array<i32>} : memref<768xf32, #tpu.memory_space<vmem>>, vector<16xf32>,
          %get3A_364 = vector.shape_cast %get3A_363 : vector<16xf32> to vector<16xf32>
          %swap3A_365 = arith.index_cast %scan3A_244 : i32 to index
          %swap3A_366 = arith.constant 224 : index
          %swap3A_367 = tpu.vector_load %arg7[%swap3A_365, %swap3A_366] {strides = array<i32>} : memref<32x768xf32, #tpu.memory_space<vmem>>, vector<1x16xf32>,
          %swap3A_368 = vector.shape_cast %swap3A_367 : vector<1x16xf32> to vector<16xf32>
          %swap3A_369 = vector.shape_cast %get3A_364 : vector<16xf32> to vector<1x16xf32>
          tpu.vector_store %arg7[%swap3A_365, %swap3A_366], %swap3A_369 {strides = array<i32>} : memref<32x768xf32, #tpu.memory_space<vmem>>, vector<1x16xf32>,
          %get3A_370 = arith.constant 240 : index
          %get3A_371 = tpu.vector_load %arg14[%get3A_370] {strides = array<i32>} : memref<768xf32, #tpu.memory_space<vmem>>, vector<16xf32>,
          %get3A_372 = vector.shape_cast %get3A_371 : vector<16xf32> to vector<16xf32>
          %swap3A_373 = arith.index_cast %scan3A_244 : i32 to index
          %swap3A_374 = arith.constant 240 : index
          %swap3A_375 = tpu.vector_load %arg7[%swap3A_373, %swap3A_374] {strides = array<i32>} : memref<32x768xf32, #tpu.memory_space<vmem>>, vector<1x16xf32>,
          %swap3A_376 = vector.shape_cast %swap3A_375 : vector<1x16xf32> to vector<16xf32>
          %swap3A_377 = vector.shape_cast %get3A_372 : vector<16xf32> to vector<1x16xf32>
          tpu.vector_store %arg7[%swap3A_373, %swap3A_374], %swap3A_377 {strides = array<i32>} : memref<32x768xf32, #tpu.memory_space<vmem>>, vector<1x16xf32>,
          %get3A_378 = arith.constant 256 : index
          %get3A_379 = tpu.vector_load %arg14[%get3A_378] {strides = array<i32>} : memref<768xf32, #tpu.memory_space<vmem>>, vector<16xf32>,
          %get3A_380 = vector.shape_cast %get3A_379 : vector<16xf32> to vector<16xf32>
          %swap3A_381 = arith.index_cast %scan3A_244 : i32 to index
          %swap3A_382 = arith.constant 256 : index
          %swap3A_383 = tpu.vector_load %arg7[%swap3A_381, %swap3A_382] {strides = array<i32>} : memref<32x768xf32, #tpu.memory_space<vmem>>, vector<1x16xf32>,
          %swap3A_384 = vector.shape_cast %swap3A_383 : vector<1x16xf32> to vector<16xf32>
          %swap3A_385 = vector.shape_cast %get3A_380 : vector<16xf32> to vector<1x16xf32>
          tpu.vector_store %arg7[%swap3A_381, %swap3A_382], %swap3A_385 {strides = array<i32>} : memref<32x768xf32, #tpu.memory_space<vmem>>, vector<1x16xf32>,
          %get3A_386 = arith.constant 272 : index
          %get3A_387 = tpu.vector_load %arg14[%get3A_386] {strides = array<i32>} : memref<768xf32, #tpu.memory_space<vmem>>, vector<16xf32>,
          %get3A_388 = vector.shape_cast %get3A_387 : vector<16xf32> to vector<16xf32>
          %swap3A_389 = arith.index_cast %scan3A_244 : i32 to index
          %swap3A_390 = arith.constant 272 : index
          %swap3A_391 = tpu.vector_load %arg7[%swap3A_389, %swap3A_390] {strides = array<i32>} : memref<32x768xf32, #tpu.memory_space<vmem>>, vector<1x16xf32>,
          %swap3A_392 = vector.shape_cast %swap3A_391 : vector<1x16xf32> to vector<16xf32>
          %swap3A_393 = vector.shape_cast %get3A_388 : vector<16xf32> to vector<1x16xf32>
          tpu.vector_store %arg7[%swap3A_389, %swap3A_390], %swap3A_393 {strides = array<i32>} : memref<32x768xf32, #tpu.memory_space<vmem>>, vector<1x16xf32>,
          %get3A_394 = arith.constant 288 : index
          %get3A_395 = tpu.vector_load %arg14[%get3A_394] {strides = array<i32>} : memref<768xf32, #tpu.memory_space<vmem>>, vector<16xf32>,
          %get3A_396 = vector.shape_cast %get3A_395 : vector<16xf32> to vector<16xf32>
          %swap3A_397 = arith.index_cast %scan3A_244 : i32 to index
          %swap3A_398 = arith.constant 288 : index
          %swap3A_399 = tpu.vector_load %arg7[%swap3A_397, %swap3A_398] {strides = array<i32>} : memref<32x768xf32, #tpu.memory_space<vmem>>, vector<1x16xf32>,
          %swap3A_400 = vector.shape_cast %swap3A_399 : vector<1x16xf32> to vector<16xf32>
          %swap3A_401 = vector.shape_cast %get3A_396 : vector<16xf32> to vector<1x16xf32>
          tpu.vector_store %arg7[%swap3A_397, %swap3A_398], %swap3A_401 {strides = array<i32>} : memref<32x768xf32, #tpu.memory_space<vmem>>, vector<1x16xf32>,
          %get3A_402 = arith.constant 304 : index
          %get3A_403 = tpu.vector_load %arg14[%get3A_402] {strides = array<i32>} : memref<768xf32, #tpu.memory_space<vmem>>, vector<16xf32>,
          %get3A_404 = vector.shape_cast %get3A_403 : vector<16xf32> to vector<16xf32>
          %swap3A_405 = arith.index_cast %scan3A_244 : i32 to index
          %swap3A_406 = arith.constant 304 : index
          %swap3A_407 = tpu.vector_load %arg7[%swap3A_405, %swap3A_406] {strides = array<i32>} : memref<32x768xf32, #tpu.memory_space<vmem>>, vector<1x16xf32>,
          %swap3A_408 = vector.shape_cast %swap3A_407 : vector<1x16xf32> to vector<16xf32>
          %swap3A_409 = vector.shape_cast %get3A_404 : vector<16xf32> to vector<1x16xf32>
          tpu.vector_store %arg7[%swap3A_405, %swap3A_406], %swap3A_409 {strides = array<i32>} : memref<32x768xf32, #tpu.memory_space<vmem>>, vector<1x16xf32>,
          %get3A_410 = arith.constant 320 : index
          %get3A_411 = tpu.vector_load %arg14[%get3A_410] {strides = array<i32>} : memref<768xf32, #tpu.memory_space<vmem>>, vector<16xf32>,
          %get3A_412 = vector.shape_cast %get3A_411 : vector<16xf32> to vector<16xf32>
          %swap3A_413 = arith.index_cast %scan3A_244 : i32 to index
          %swap3A_414 = arith.constant 320 : index
          %swap3A_415 = tpu.vector_load %arg7[%swap3A_413, %swap3A_414] {strides = array<i32>} : memref<32x768xf32, #tpu.memory_space<vmem>>, vector<1x16xf32>,
          %swap3A_416 = vector.shape_cast %swap3A_415 : vector<1x16xf32> to vector<16xf32>
          %swap3A_417 = vector.shape_cast %get3A_412 : vector<16xf32> to vector<1x16xf32>
          tpu.vector_store %arg7[%swap3A_413, %swap3A_414], %swap3A_417 {strides = array<i32>} : memref<32x768xf32, #tpu.memory_space<vmem>>, vector<1x16xf32>,
          %get3A_418 = arith.constant 336 : index
          %get3A_419 = tpu.vector_load %arg14[%get3A_418] {strides = array<i32>} : memref<768xf32, #tpu.memory_space<vmem>>, vector<16xf32>,
          %get3A_420 = vector.shape_cast %get3A_419 : vector<16xf32> to vector<16xf32>
          %swap3A_421 = arith.index_cast %scan3A_244 : i32 to index
          %swap3A_422 = arith.constant 336 : index
          %swap3A_423 = tpu.vector_load %arg7[%swap3A_421, %swap3A_422] {strides = array<i32>} : memref<32x768xf32, #tpu.memory_space<vmem>>, vector<1x16xf32>,
          %swap3A_424 = vector.shape_cast %swap3A_423 : vector<1x16xf32> to vector<16xf32>
          %swap3A_425 = vector.shape_cast %get3A_420 : vector<16xf32> to vector<1x16xf32>
          tpu.vector_store %arg7[%swap3A_421, %swap3A_422], %swap3A_425 {strides = array<i32>} : memref<32x768xf32, #tpu.memory_space<vmem>>, vector<1x16xf32>,
          %get3A_426 = arith.constant 352 : index
          %get3A_427 = tpu.vector_load %arg14[%get3A_426] {strides = array<i32>} : memref<768xf32, #tpu.memory_space<vmem>>, vector<16xf32>,
          %get3A_428 = vector.shape_cast %get3A_427 : vector<16xf32> to vector<16xf32>
          %swap3A_429 = arith.index_cast %scan3A_244 : i32 to index
          %swap3A_430 = arith.constant 352 : index
          %swap3A_431 = tpu.vector_load %arg7[%swap3A_429, %swap3A_430] {strides = array<i32>} : memref<32x768xf32, #tpu.memory_space<vmem>>, vector<1x16xf32>,
          %swap3A_432 = vector.shape_cast %swap3A_431 : vector<1x16xf32> to vector<16xf32>
          %swap3A_433 = vector.shape_cast %get3A_428 : vector<16xf32> to vector<1x16xf32>
          tpu.vector_store %arg7[%swap3A_429, %swap3A_430], %swap3A_433 {strides = array<i32>} : memref<32x768xf32, #tpu.memory_space<vmem>>, vector<1x16xf32>,
          %get3A_434 = arith.constant 368 : index
          %get3A_435 = tpu.vector_load %arg14[%get3A_434] {strides = array<i32>} : memref<768xf32, #tpu.memory_space<vmem>>, vector<16xf32>,
          %get3A_436 = vector.shape_cast %get3A_435 : vector<16xf32> to vector<16xf32>
          %swap3A_437 = arith.index_cast %scan3A_244 : i32 to index
          %swap3A_438 = arith.constant 368 : index
          %swap3A_439 = tpu.vector_load %arg7[%swap3A_437, %swap3A_438] {strides = array<i32>} : memref<32x768xf32, #tpu.memory_space<vmem>>, vector<1x16xf32>,
          %swap3A_440 = vector.shape_cast %swap3A_439 : vector<1x16xf32> to vector<16xf32>
          %swap3A_441 = vector.shape_cast %get3A_436 : vector<16xf32> to vector<1x16xf32>
          tpu.vector_store %arg7[%swap3A_437, %swap3A_438], %swap3A_441 {strides = array<i32>} : memref<32x768xf32, #tpu.memory_space<vmem>>, vector<1x16xf32>,
          %get3A_442 = arith.constant 384 : index
          %get3A_443 = tpu.vector_load %arg14[%get3A_442] {strides = array<i32>} : memref<768xf32, #tpu.memory_space<vmem>>, vector<16xf32>,
          %get3A_444 = vector.shape_cast %get3A_443 : vector<16xf32> to vector<16xf32>
          %swap3A_445 = arith.index_cast %scan3A_244 : i32 to index
          %swap3A_446 = arith.constant 384 : index
          %swap3A_447 = tpu.vector_load %arg7[%swap3A_445, %swap3A_446] {strides = array<i32>} : memref<32x768xf32, #tpu.memory_space<vmem>>, vector<1x16xf32>,
          %swap3A_448 = vector.shape_cast %swap3A_447 : vector<1x16xf32> to vector<16xf32>
          %swap3A_449 = vector.shape_cast %get3A_444 : vector<16xf32> to vector<1x16xf32>
          tpu.vector_store %arg7[%swap3A_445, %swap3A_446], %swap3A_449 {strides = array<i32>} : memref<32x768xf32, #tpu.memory_space<vmem>>, vector<1x16xf32>,
          %get3A_450 = arith.constant 400 : index
          %get3A_451 = tpu.vector_load %arg14[%get3A_450] {strides = array<i32>} : memref<768xf32, #tpu.memory_space<vmem>>, vector<16xf32>,
          %get3A_452 = vector.shape_cast %get3A_451 : vector<16xf32> to vector<16xf32>
          %swap3A_453 = arith.index_cast %scan3A_244 : i32 to index
          %swap3A_454 = arith.constant 400 : index
          %swap3A_455 = tpu.vector_load %arg7[%swap3A_453, %swap3A_454] {strides = array<i32>} : memref<32x768xf32, #tpu.memory_space<vmem>>, vector<1x16xf32>,
          %swap3A_456 = vector.shape_cast %swap3A_455 : vector<1x16xf32> to vector<16xf32>
          %swap3A_457 = vector.shape_cast %get3A_452 : vector<16xf32> to vector<1x16xf32>
          tpu.vector_store %arg7[%swap3A_453, %swap3A_454], %swap3A_457 {strides = array<i32>} : memref<32x768xf32, #tpu.memory_space<vmem>>, vector<1x16xf32>,
          %get3A_458 = arith.constant 416 : index
          %get3A_459 = tpu.vector_load %arg14[%get3A_458] {strides = array<i32>} : memref<768xf32, #tpu.memory_space<vmem>>, vector<16xf32>,
          %get3A_460 = vector.shape_cast %get3A_459 : vector<16xf32> to vector<16xf32>
          %swap3A_461 = arith.index_cast %scan3A_244 : i32 to index
          %swap3A_462 = arith.constant 416 : index
          %swap3A_463 = tpu.vector_load %arg7[%swap3A_461, %swap3A_462] {strides = array<i32>} : memref<32x768xf32, #tpu.memory_space<vmem>>, vector<1x16xf32>,
          %swap3A_464 = vector.shape_cast %swap3A_463 : vector<1x16xf32> to vector<16xf32>
          %swap3A_465 = vector.shape_cast %get3A_460 : vector<16xf32> to vector<1x16xf32>
          tpu.vector_store %arg7[%swap3A_461, %swap3A_462], %swap3A_465 {strides = array<i32>} : memref<32x768xf32, #tpu.memory_space<vmem>>, vector<1x16xf32>,
          %get3A_466 = arith.constant 432 : index
          %get3A_467 = tpu.vector_load %arg14[%get3A_466] {strides = array<i32>} : memref<768xf32, #tpu.memory_space<vmem>>, vector<16xf32>,
          %get3A_468 = vector.shape_cast %get3A_467 : vector<16xf32> to vector<16xf32>
          %swap3A_469 = arith.index_cast %scan3A_244 : i32 to index
          %swap3A_470 = arith.constant 432 : index
          %swap3A_471 = tpu.vector_load %arg7[%swap3A_469, %swap3A_470] {strides = array<i32>} : memref<32x768xf32, #tpu.memory_space<vmem>>, vector<1x16xf32>,
          %swap3A_472 = vector.shape_cast %swap3A_471 : vector<1x16xf32> to vector<16xf32>
          %swap3A_473 = vector.shape_cast %get3A_468 : vector<16xf32> to vector<1x16xf32>
          tpu.vector_store %arg7[%swap3A_469, %swap3A_470], %swap3A_473 {strides = array<i32>} : memref<32x768xf32, #tpu.memory_space<vmem>>, vector<1x16xf32>,
          %get3A_474 = arith.constant 448 : index
          %get3A_475 = tpu.vector_load %arg14[%get3A_474] {strides = array<i32>} : memref<768xf32, #tpu.memory_space<vmem>>, vector<16xf32>,
          %get3A_476 = vector.shape_cast %get3A_475 : vector<16xf32> to vector<16xf32>
          %swap3A_477 = arith.index_cast %scan3A_244 : i32 to index
          %swap3A_478 = arith.constant 448 : index
          %swap3A_479 = tpu.vector_load %arg7[%swap3A_477, %swap3A_478] {strides = array<i32>} : memref<32x768xf32, #tpu.memory_space<vmem>>, vector<1x16xf32>,
          %swap3A_480 = vector.shape_cast %swap3A_479 : vector<1x16xf32> to vector<16xf32>
          %swap3A_481 = vector.shape_cast %get3A_476 : vector<16xf32> to vector<1x16xf32>
          tpu.vector_store %arg7[%swap3A_477, %swap3A_478], %swap3A_481 {strides = array<i32>} : memref<32x768xf32, #tpu.memory_space<vmem>>, vector<1x16xf32>,
          %get3A_482 = arith.constant 464 : index
          %get3A_483 = tpu.vector_load %arg14[%get3A_482] {strides = array<i32>} : memref<768xf32, #tpu.memory_space<vmem>>, vector<16xf32>,
          %get3A_484 = vector.shape_cast %get3A_483 : vector<16xf32> to vector<16xf32>
          %swap3A_485 = arith.index_cast %scan3A_244 : i32 to index
          %swap3A_486 = arith.constant 464 : index
          %swap3A_487 = tpu.vector_load %arg7[%swap3A_485, %swap3A_486] {strides = array<i32>} : memref<32x768xf32, #tpu.memory_space<vmem>>, vector<1x16xf32>,
          %swap3A_488 = vector.shape_cast %swap3A_487 : vector<1x16xf32> to vector<16xf32>
          %swap3A_489 = vector.shape_cast %get3A_484 : vector<16xf32> to vector<1x16xf32>
          tpu.vector_store %arg7[%swap3A_485, %swap3A_486], %swap3A_489 {strides = array<i32>} : memref<32x768xf32, #tpu.memory_space<vmem>>, vector<1x16xf32>,
          %get3A_490 = arith.constant 480 : index
          %get3A_491 = tpu.vector_load %arg14[%get3A_490] {strides = array<i32>} : memref<768xf32, #tpu.memory_space<vmem>>, vector<16xf32>,
          %get3A_492 = vector.shape_cast %get3A_491 : vector<16xf32> to vector<16xf32>
          %swap3A_493 = arith.index_cast %scan3A_244 : i32 to index
          %swap3A_494 = arith.constant 480 : index
          %swap3A_495 = tpu.vector_load %arg7[%swap3A_493, %swap3A_494] {strides = array<i32>} : memref<32x768xf32, #tpu.memory_space<vmem>>, vector<1x16xf32>,
          %swap3A_496 = vector.shape_cast %swap3A_495 : vector<1x16xf32> to vector<16xf32>
          %swap3A_497 = vector.shape_cast %get3A_492 : vector<16xf32> to vector<1x16xf32>
          tpu.vector_store %arg7[%swap3A_493, %swap3A_494], %swap3A_497 {strides = array<i32>} : memref<32x768xf32, #tpu.memory_space<vmem>>, vector<1x16xf32>,
          %get3A_498 = arith.constant 496 : index
          %get3A_499 = tpu.vector_load %arg14[%get3A_498] {strides = array<i32>} : memref<768xf32, #tpu.memory_space<vmem>>, vector<16xf32>,
          %get3A_500 = vector.shape_cast %get3A_499 : vector<16xf32> to vector<16xf32>
          %swap3A_501 = arith.index_cast %scan3A_244 : i32 to index
          %swap3A_502 = arith.constant 496 : index
          %swap3A_503 = tpu.vector_load %arg7[%swap3A_501, %swap3A_502] {strides = array<i32>} : memref<32x768xf32, #tpu.memory_space<vmem>>, vector<1x16xf32>,
          %swap3A_504 = vector.shape_cast %swap3A_503 : vector<1x16xf32> to vector<16xf32>
          %swap3A_505 = vector.shape_cast %get3A_500 : vector<16xf32> to vector<1x16xf32>
          tpu.vector_store %arg7[%swap3A_501, %swap3A_502], %swap3A_505 {strides = array<i32>} : memref<32x768xf32, #tpu.memory_space<vmem>>, vector<1x16xf32>,
          %get3A_506 = arith.constant 512 : index
          %get3A_507 = tpu.vector_load %arg14[%get3A_506] {strides = array<i32>} : memref<768xf32, #tpu.memory_space<vmem>>, vector<16xf32>,
          %get3A_508 = vector.shape_cast %get3A_507 : vector<16xf32> to vector<16xf32>
          %swap3A_509 = arith.index_cast %scan3A_244 : i32 to index
          %swap3A_510 = arith.constant 512 : index
          %swap3A_511 = tpu.vector_load %arg7[%swap3A_509, %swap3A_510] {strides = array<i32>} : memref<32x768xf32, #tpu.memory_space<vmem>>, vector<1x16xf32>,
          %swap3A_512 = vector.shape_cast %swap3A_511 : vector<1x16xf32> to vector<16xf32>
          %swap3A_513 = vector.shape_cast %get3A_508 : vector<16xf32> to vector<1x16xf32>
          tpu.vector_store %arg7[%swap3A_509, %swap3A_510], %swap3A_513 {strides = array<i32>} : memref<32x768xf32, #tpu.memory_space<vmem>>, vector<1x16xf32>,
          %get3A_514 = arith.constant 528 : index
          %get3A_515 = tpu.vector_load %arg14[%get3A_514] {strides = array<i32>} : memref<768xf32, #tpu.memory_space<vmem>>, vector<16xf32>,
          %get3A_516 = vector.shape_cast %get3A_515 : vector<16xf32> to vector<16xf32>
          %swap3A_517 = arith.index_cast %scan3A_244 : i32 to index
          %swap3A_518 = arith.constant 528 : index
          %swap3A_519 = tpu.vector_load %arg7[%swap3A_517, %swap3A_518] {strides = array<i32>} : memref<32x768xf32, #tpu.memory_space<vmem>>, vector<1x16xf32>,
          %swap3A_520 = vector.shape_cast %swap3A_519 : vector<1x16xf32> to vector<16xf32>
          %swap3A_521 = vector.shape_cast %get3A_516 : vector<16xf32> to vector<1x16xf32>
          tpu.vector_store %arg7[%swap3A_517, %swap3A_518], %swap3A_521 {strides = array<i32>} : memref<32x768xf32, #tpu.memory_space<vmem>>, vector<1x16xf32>,
          %get3A_522 = arith.constant 544 : index
          %get3A_523 = tpu.vector_load %arg14[%get3A_522] {strides = array<i32>} : memref<768xf32, #tpu.memory_space<vmem>>, vector<16xf32>,
          %get3A_524 = vector.shape_cast %get3A_523 : vector<16xf32> to vector<16xf32>
          %swap3A_525 = arith.index_cast %scan3A_244 : i32 to index
          %swap3A_526 = arith.constant 544 : index
          %swap3A_527 = tpu.vector_load %arg7[%swap3A_525, %swap3A_526] {strides = array<i32>} : memref<32x768xf32, #tpu.memory_space<vmem>>, vector<1x16xf32>,
          %swap3A_528 = vector.shape_cast %swap3A_527 : vector<1x16xf32> to vector<16xf32>
          %swap3A_529 = vector.shape_cast %get3A_524 : vector<16xf32> to vector<1x16xf32>
          tpu.vector_store %arg7[%swap3A_525, %swap3A_526], %swap3A_529 {strides = array<i32>} : memref<32x768xf32, #tpu.memory_space<vmem>>, vector<1x16xf32>,
          %get3A_530 = arith.constant 560 : index
          %get3A_531 = tpu.vector_load %arg14[%get3A_530] {strides = array<i32>} : memref<768xf32, #tpu.memory_space<vmem>>, vector<16xf32>,
          %get3A_532 = vector.shape_cast %get3A_531 : vector<16xf32> to vector<16xf32>
          %swap3A_533 = arith.index_cast %scan3A_244 : i32 to index
          %swap3A_534 = arith.constant 560 : index
          %swap3A_535 = tpu.vector_load %arg7[%swap3A_533, %swap3A_534] {strides = array<i32>} : memref<32x768xf32, #tpu.memory_space<vmem>>, vector<1x16xf32>,
          %swap3A_536 = vector.shape_cast %swap3A_535 : vector<1x16xf32> to vector<16xf32>
          %swap3A_537 = vector.shape_cast %get3A_532 : vector<16xf32> to vector<1x16xf32>
          tpu.vector_store %arg7[%swap3A_533, %swap3A_534], %swap3A_537 {strides = array<i32>} : memref<32x768xf32, #tpu.memory_space<vmem>>, vector<1x16xf32>,
          %get3A_538 = arith.constant 576 : index
          %get3A_539 = tpu.vector_load %arg14[%get3A_538] {strides = array<i32>} : memref<768xf32, #tpu.memory_space<vmem>>, vector<16xf32>,
          %get3A_540 = vector.shape_cast %get3A_539 : vector<16xf32> to vector<16xf32>
          %swap3A_541 = arith.index_cast %scan3A_244 : i32 to index
          %swap3A_542 = arith.constant 576 : index
          %swap3A_543 = tpu.vector_load %arg7[%swap3A_541, %swap3A_542] {strides = array<i32>} : memref<32x768xf32, #tpu.memory_space<vmem>>, vector<1x16xf32>,
          %swap3A_544 = vector.shape_cast %swap3A_543 : vector<1x16xf32> to vector<16xf32>
          %swap3A_545 = vector.shape_cast %get3A_540 : vector<16xf32> to vector<1x16xf32>
          tpu.vector_store %arg7[%swap3A_541, %swap3A_542], %swap3A_545 {strides = array<i32>} : memref<32x768xf32, #tpu.memory_space<vmem>>, vector<1x16xf32>,
          %get3A_546 = arith.constant 592 : index
          %get3A_547 = tpu.vector_load %arg14[%get3A_546] {strides = array<i32>} : memref<768xf32, #tpu.memory_space<vmem>>, vector<16xf32>,
          %get3A_548 = vector.shape_cast %get3A_547 : vector<16xf32> to vector<16xf32>
          %swap3A_549 = arith.index_cast %scan3A_244 : i32 to index
          %swap3A_550 = arith.constant 592 : index
          %swap3A_551 = tpu.vector_load %arg7[%swap3A_549, %swap3A_550] {strides = array<i32>} : memref<32x768xf32, #tpu.memory_space<vmem>>, vector<1x16xf32>,
          %swap3A_552 = vector.shape_cast %swap3A_551 : vector<1x16xf32> to vector<16xf32>
          %swap3A_553 = vector.shape_cast %get3A_548 : vector<16xf32> to vector<1x16xf32>
          tpu.vector_store %arg7[%swap3A_549, %swap3A_550], %swap3A_553 {strides = array<i32>} : memref<32x768xf32, #tpu.memory_space<vmem>>, vector<1x16xf32>,
          %get3A_554 = arith.constant 608 : index
          %get3A_555 = tpu.vector_load %arg14[%get3A_554] {strides = array<i32>} : memref<768xf32, #tpu.memory_space<vmem>>, vector<16xf32>,
          %get3A_556 = vector.shape_cast %get3A_555 : vector<16xf32> to vector<16xf32>
          %swap3A_557 = arith.index_cast %scan3A_244 : i32 to index
          %swap3A_558 = arith.constant 608 : index
          %swap3A_559 = tpu.vector_load %arg7[%swap3A_557, %swap3A_558] {strides = array<i32>} : memref<32x768xf32, #tpu.memory_space<vmem>>, vector<1x16xf32>,
          %swap3A_560 = vector.shape_cast %swap3A_559 : vector<1x16xf32> to vector<16xf32>
          %swap3A_561 = vector.shape_cast %get3A_556 : vector<16xf32> to vector<1x16xf32>
          tpu.vector_store %arg7[%swap3A_557, %swap3A_558], %swap3A_561 {strides = array<i32>} : memref<32x768xf32, #tpu.memory_space<vmem>>, vector<1x16xf32>,
          %get3A_562 = arith.constant 624 : index
          %get3A_563 = tpu.vector_load %arg14[%get3A_562] {strides = array<i32>} : memref<768xf32, #tpu.memory_space<vmem>>, vector<16xf32>,
          %get3A_564 = vector.shape_cast %get3A_563 : vector<16xf32> to vector<16xf32>
          %swap3A_565 = arith.index_cast %scan3A_244 : i32 to index
          %swap3A_566 = arith.constant 624 : index
          %swap3A_567 = tpu.vector_load %arg7[%swap3A_565, %swap3A_566] {strides = array<i32>} : memref<32x768xf32, #tpu.memory_space<vmem>>, vector<1x16xf32>,
          %swap3A_568 = vector.shape_cast %swap3A_567 : vector<1x16xf32> to vector<16xf32>
          %swap3A_569 = vector.shape_cast %get3A_564 : vector<16xf32> to vector<1x16xf32>
          tpu.vector_store %arg7[%swap3A_565, %swap3A_566], %swap3A_569 {strides = array<i32>} : memref<32x768xf32, #tpu.memory_space<vmem>>, vector<1x16xf32>,
          %get3A_570 = arith.constant 640 : index
          %get3A_571 = tpu.vector_load %arg14[%get3A_570] {strides = array<i32>} : memref<768xf32, #tpu.memory_space<vmem>>, vector<16xf32>,
          %get3A_572 = vector.shape_cast %get3A_571 : vector<16xf32> to vector<16xf32>
          %swap3A_573 = arith.index_cast %scan3A_244 : i32 to index
          %swap3A_574 = arith.constant 640 : index
          %swap3A_575 = tpu.vector_load %arg7[%swap3A_573, %swap3A_574] {strides = array<i32>} : memref<32x768xf32, #tpu.memory_space<vmem>>, vector<1x16xf32>,
          %swap3A_576 = vector.shape_cast %swap3A_575 : vector<1x16xf32> to vector<16xf32>
          %swap3A_577 = vector.shape_cast %get3A_572 : vector<16xf32> to vector<1x16xf32>
          tpu.vector_store %arg7[%swap3A_573, %swap3A_574], %swap3A_577 {strides = array<i32>} : memref<32x768xf32, #tpu.memory_space<vmem>>, vector<1x16xf32>,
          %get3A_578 = arith.constant 656 : index
          %get3A_579 = tpu.vector_load %arg14[%get3A_578] {strides = array<i32>} : memref<768xf32, #tpu.memory_space<vmem>>, vector<16xf32>,
          %get3A_580 = vector.shape_cast %get3A_579 : vector<16xf32> to vector<16xf32>
          %swap3A_581 = arith.index_cast %scan3A_244 : i32 to index
          %swap3A_582 = arith.constant 656 : index
          %swap3A_583 = tpu.vector_load %arg7[%swap3A_581, %swap3A_582] {strides = array<i32>} : memref<32x768xf32, #tpu.memory_space<vmem>>, vector<1x16xf32>,
          %swap3A_584 = vector.shape_cast %swap3A_583 : vector<1x16xf32> to vector<16xf32>
          %swap3A_585 = vector.shape_cast %get3A_580 : vector<16xf32> to vector<1x16xf32>
          tpu.vector_store %arg7[%swap3A_581, %swap3A_582], %swap3A_585 {strides = array<i32>} : memref<32x768xf32, #tpu.memory_space<vmem>>, vector<1x16xf32>,
          %get3A_586 = arith.constant 672 : index
          %get3A_587 = tpu.vector_load %arg14[%get3A_586] {strides = array<i32>} : memref<768xf32, #tpu.memory_space<vmem>>, vector<16xf32>,
          %get3A_588 = vector.shape_cast %get3A_587 : vector<16xf32> to vector<16xf32>
          %swap3A_589 = arith.index_cast %scan3A_244 : i32 to index
          %swap3A_590 = arith.constant 672 : index
          %swap3A_591 = tpu.vector_load %arg7[%swap3A_589, %swap3A_590] {strides = array<i32>} : memref<32x768xf32, #tpu.memory_space<vmem>>, vector<1x16xf32>,
          %swap3A_592 = vector.shape_cast %swap3A_591 : vector<1x16xf32> to vector<16xf32>
          %swap3A_593 = vector.shape_cast %get3A_588 : vector<16xf32> to vector<1x16xf32>
          tpu.vector_store %arg7[%swap3A_589, %swap3A_590], %swap3A_593 {strides = array<i32>} : memref<32x768xf32, #tpu.memory_space<vmem>>, vector<1x16xf32>,
          %get3A_594 = arith.constant 688 : index
          %get3A_595 = tpu.vector_load %arg14[%get3A_594] {strides = array<i32>} : memref<768xf32, #tpu.memory_space<vmem>>, vector<16xf32>,
          %get3A_596 = vector.shape_cast %get3A_595 : vector<16xf32> to vector<16xf32>
          %swap3A_597 = arith.index_cast %scan3A_244 : i32 to index
          %swap3A_598 = arith.constant 688 : index
          %swap3A_599 = tpu.vector_load %arg7[%swap3A_597, %swap3A_598] {strides = array<i32>} : memref<32x768xf32, #tpu.memory_space<vmem>>, vector<1x16xf32>,
          %swap3A_600 = vector.shape_cast %swap3A_599 : vector<1x16xf32> to vector<16xf32>
          %swap3A_601 = vector.shape_cast %get3A_596 : vector<16xf32> to vector<1x16xf32>
          tpu.vector_store %arg7[%swap3A_597, %swap3A_598], %swap3A_601 {strides = array<i32>} : memref<32x768xf32, #tpu.memory_space<vmem>>, vector<1x16xf32>,
          %get3A_602 = arith.constant 704 : index
          %get3A_603 = tpu.vector_load %arg14[%get3A_602] {strides = array<i32>} : memref<768xf32, #tpu.memory_space<vmem>>, vector<16xf32>,
          %get3A_604 = vector.shape_cast %get3A_603 : vector<16xf32> to vector<16xf32>
          %swap3A_605 = arith.index_cast %scan3A_244 : i32 to index
          %swap3A_606 = arith.constant 704 : index
          %swap3A_607 = tpu.vector_load %arg7[%swap3A_605, %swap3A_606] {strides = array<i32>} : memref<32x768xf32, #tpu.memory_space<vmem>>, vector<1x16xf32>,
          %swap3A_608 = vector.shape_cast %swap3A_607 : vector<1x16xf32> to vector<16xf32>
          %swap3A_609 = vector.shape_cast %get3A_604 : vector<16xf32> to vector<1x16xf32>
          tpu.vector_store %arg7[%swap3A_605, %swap3A_606], %swap3A_609 {strides = array<i32>} : memref<32x768xf32, #tpu.memory_space<vmem>>, vector<1x16xf32>,
          %get3A_610 = arith.constant 720 : index
          %get3A_611 = tpu.vector_load %arg14[%get3A_610] {strides = array<i32>} : memref<768xf32, #tpu.memory_space<vmem>>, vector<16xf32>,
          %get3A_612 = vector.shape_cast %get3A_611 : vector<16xf32> to vector<16xf32>
          %swap3A_613 = arith.index_cast %scan3A_244 : i32 to index
          %swap3A_614 = arith.constant 720 : index
          %swap3A_615 = tpu.vector_load %arg7[%swap3A_613, %swap3A_614] {strides = array<i32>} : memref<32x768xf32, #tpu.memory_space<vmem>>, vector<1x16xf32>,
          %swap3A_616 = vector.shape_cast %swap3A_615 : vector<1x16xf32> to vector<16xf32>
          %swap3A_617 = vector.shape_cast %get3A_612 : vector<16xf32> to vector<1x16xf32>
          tpu.vector_store %arg7[%swap3A_613, %swap3A_614], %swap3A_617 {strides = array<i32>} : memref<32x768xf32, #tpu.memory_space<vmem>>, vector<1x16xf32>,
          %get3A_618 = arith.constant 736 : index
          %get3A_619 = tpu.vector_load %arg14[%get3A_618] {strides = array<i32>} : memref<768xf32, #tpu.memory_space<vmem>>, vector<16xf32>,
          %get3A_620 = vector.shape_cast %get3A_619 : vector<16xf32> to vector<16xf32>
          %swap3A_621 = arith.index_cast %scan3A_244 : i32 to index
          %swap3A_622 = arith.constant 736 : index
          %swap3A_623 = tpu.vector_load %arg7[%swap3A_621, %swap3A_622] {strides = array<i32>} : memref<32x768xf32, #tpu.memory_space<vmem>>, vector<1x16xf32>,
          %swap3A_624 = vector.shape_cast %swap3A_623 : vector<1x16xf32> to vector<16xf32>
          %swap3A_625 = vector.shape_cast %get3A_620 : vector<16xf32> to vector<1x16xf32>
          tpu.vector_store %arg7[%swap3A_621, %swap3A_622], %swap3A_625 {strides = array<i32>} : memref<32x768xf32, #tpu.memory_space<vmem>>, vector<1x16xf32>,
          %get3A_626 = arith.constant 752 : index
          %get3A_627 = tpu.vector_load %arg14[%get3A_626] {strides = array<i32>} : memref<768xf32, #tpu.memory_space<vmem>>, vector<16xf32>,
          %get3A_628 = vector.shape_cast %get3A_627 : vector<16xf32> to vector<16xf32>
          %swap3A_629 = arith.index_cast %scan3A_244 : i32 to index
          %swap3A_630 = arith.constant 752 : index
          %swap3A_631 = tpu.vector_load %arg7[%swap3A_629, %swap3A_630] {strides = array<i32>} : memref<32x768xf32, #tpu.memory_space<vmem>>, vector<1x16xf32>,
          %swap3A_632 = vector.shape_cast %swap3A_631 : vector<1x16xf32> to vector<16xf32>
          %swap3A_633 = vector.shape_cast %get3A_628 : vector<16xf32> to vector<1x16xf32>
          tpu.vector_store %arg7[%swap3A_629, %swap3A_630], %swap3A_633 {strides = array<i32>} : memref<32x768xf32, #tpu.memory_space<vmem>>, vector<1x16xf32>,
        } else {
        }
      }
      %scan3A_164 = arith.constant 32 : i32
      %mul3A_165 = arith.constant 4 : i32
      %mul3A_166 = arith.muli %scan3A_23, %mul3A_165 : i32
      %add3A_167 = arith.constant 1 : i32
      %add3A_168 = arith.addi %mul3A_166, %add3A_167 : i32
      %mul3A_169 = arith.constant 32 : i32
      %mul3A_170 = arith.muli %add3A_168, %mul3A_169 : i32
      %add3A_171 = arith.addi %mul3A_2, %mul3A_170 : i32
      %dma_start3A_172 = arith.constant 0 : i32
      %dma_start3A_173 = tpu.memref_slice %arg5[%add3A_171, %dma_start3A_172] : memref<36864x768xf32, #tpu.memory_space<hbm>> -> memref<32x768xf32, #tpu.memory_space<hbm>>
      %dma_start3A_174 = arith.constant 0 : i32
      %dma_start3A_175 = tpu.memref_slice %arg5[%add3A_171, %dma_start3A_174] : memref<36864x768xf32, #tpu.memory_space<hbm>> -> memref<32x768xf32, #tpu.memory_space<hbm>>
      tpu.enqueue_dma source(%arg7 : memref<32x768xf32, #tpu.memory_space<vmem>>) target(%dma_start3A_175 : memref<32x768xf32, #tpu.memory_space<hbm>>) target_semaphore(%arg24 : memref<!tpu.dma_semaphore, #tpu.memory_space<semaphore_mem>>)
      %mul3A_176 = arith.constant 4 : i32
      %mul3A_177 = arith.muli %scan3A_23, %mul3A_176 : i32
      %add3A_178 = arith.constant 2 : i32
      %add3A_179 = arith.addi %mul3A_177, %add3A_178 : i32
      %mul3A_180 = arith.constant 32 : i32
      %mul3A_181 = arith.muli %add3A_179, %mul3A_180 : i32
      %add3A_182 = arith.addi %mul3A_2, %mul3A_181 : i32
      %dma_wait3A_183 = arith.constant 0 : i32
      %dma_wait3A_184 = tpu.memref_slice %arg2[%add3A_182, %dma_wait3A_183] : memref<36864x768xf32, #tpu.memory_space<hbm>> -> memref<32x768xf32, #tpu.memory_space<hbm>>
      %dma_wait3A_185 = arith.constant 0 : i32
      %dma_wait3A_186 = tpu.memref_slice %arg2[%add3A_182, %dma_wait3A_185] : memref<36864x768xf32, #tpu.memory_space<hbm>> -> memref<32x768xf32, #tpu.memory_space<hbm>>
      tpu.wait_dma2 semaphore(%arg17 : memref<!tpu.dma_semaphore, #tpu.memory_space<semaphore_mem>>) src(%dma_wait3A_186 : memref<32x768xf32, #tpu.memory_space<hbm>>) dst(%arg8 : memref<32x768xf32, #tpu.memory_space<vmem>>)
      %dma_wait3A_187 = arith.constant 0 : i32
      %dma_wait3A_188 = tpu.memref_slice %arg12[%dma_wait3A_187] : memref<48xi32, #tpu.memory_space<vmem>> -> memref<32xi32, #tpu.memory_space<vmem>>
      %dma_wait3A_189 = tpu.memref_slice %arg3[%add3A_182] : memref<36864xi32, #tpu.memory_space<hbm>> -> memref<32xi32, #tpu.memory_space<hbm>>
      %dma_wait3A_190 = arith.constant 0 : i32
      %dma_wait3A_191 = tpu.memref_slice %arg12[%dma_wait3A_190] : memref<48xi32, #tpu.memory_space<vmem>> -> memref<32xi32, #tpu.memory_space<vmem>>
      %dma_wait3A_192 = tpu.memref_slice %arg3[%add3A_182] : memref<36864xi32, #tpu.memory_space<hbm>> -> memref<32xi32, #tpu.memory_space<hbm>>
      tpu.wait_dma2 semaphore(%arg21 : memref<!tpu.dma_semaphore, #tpu.memory_space<semaphore_mem>>) src(%dma_wait3A_192 : memref<32xi32, #tpu.memory_space<hbm>>) dst(%dma_wait3A_191 : memref<32xi32, #tpu.memory_space<vmem>>)
      %scan3A_193 = arith.constant 0 : i32
      %scan3A_194 = arith.constant 0 : i32
      %scan3A_195 = arith.constant 32 : i32
      %scan3A_196 = arith.addi %scan3A_194, %scan3A_195 : i32
      %scan3A_197 = arith.constant 1 : i32
      scf.for %scan3A_244 = %scan3A_194 to %scan3A_196 step %scan3A_197  : i32 {
        %get3A = arith.index_cast %scan3A_244 : i32 to index
        %get3A_245 = tpu.vector_load %arg12[%get3A] {strides = array<i32>} : memref<48xi32, #tpu.memory_space<vmem>>, vector<16xi32>,
        %get3A_246 = vector.shape_cast %get3A_245 : vector<16xi32> to vector<16xi32>
        %slice3A = vector.extract_strided_slice %get3A_246 {offsets = [0], sizes = [1], strides = [1]} : vector<16xi32> to vector<1xi32>
        %squeeze3A = vector.extract %slice3A[0] : i32 from vector<1xi32>
        %ne3A = arith.constant 0 : i32
        %ne3A_247 = arith.cmpi ne, %squeeze3A, %ne3A : i32
        %convert_element_type3A_248 = arith.extui %ne3A_247 : i1 to i32
        %cond3A_249 = arith.constant 0 : i32
        %cond3A_250 = arith.cmpi ne, %convert_element_type3A_248, %cond3A_249 : i32
        scf.if %cond3A_250 {
          %get3A_251 = arith.constant 0 : index
          %get3A_252 = tpu.vector_load %arg14[%get3A_251] {strides = array<i32>} : memref<768xf32, #tpu.memory_space<vmem>>, vector<16xf32>,
          %get3A_253 = vector.shape_cast %get3A_252 : vector<16xf32> to vector<16xf32>
          %swap3A = arith.index_cast %scan3A_244 : i32 to index
          %swap3A_254 = arith.constant 0 : index
          %swap3A_255 = tpu.vector_load %arg8[%swap3A, %swap3A_254] {strides = array<i32>} : memref<32x768xf32, #tpu.memory_space<vmem>>, vector<1x16xf32>,
          %swap3A_256 = vector.shape_cast %swap3A_255 : vector<1x16xf32> to vector<16xf32>
          %swap3A_257 = vector.shape_cast %get3A_253 : vector<16xf32> to vector<1x16xf32>
          tpu.vector_store %arg8[%swap3A, %swap3A_254], %swap3A_257 {strides = array<i32>} : memref<32x768xf32, #tpu.memory_space<vmem>>, vector<1x16xf32>,
          %get3A_258 = arith.constant 16 : index
          %get3A_259 = tpu.vector_load %arg14[%get3A_258] {strides = array<i32>} : memref<768xf32, #tpu.memory_space<vmem>>, vector<16xf32>,
          %get3A_260 = vector.shape_cast %get3A_259 : vector<16xf32> to vector<16xf32>
          %swap3A_261 = arith.index_cast %scan3A_244 : i32 to index
          %swap3A_262 = arith.constant 16 : index
          %swap3A_263 = tpu.vector_load %arg8[%swap3A_261, %swap3A_262] {strides = array<i32>} : memref<32x768xf32, #tpu.memory_space<vmem>>, vector<1x16xf32>,
          %swap3A_264 = vector.shape_cast %swap3A_263 : vector<1x16xf32> to vector<16xf32>
          %swap3A_265 = vector.shape_cast %get3A_260 : vector<16xf32> to vector<1x16xf32>
          tpu.vector_store %arg8[%swap3A_261, %swap3A_262], %swap3A_265 {strides = array<i32>} : memref<32x768xf32, #tpu.memory_space<vmem>>, vector<1x16xf32>,
          %get3A_266 = arith.constant 32 : index
          %get3A_267 = tpu.vector_load %arg14[%get3A_266] {strides = array<i32>} : memref<768xf32, #tpu.memory_space<vmem>>, vector<16xf32>,
          %get3A_268 = vector.shape_cast %get3A_267 : vector<16xf32> to vector<16xf32>
          %swap3A_269 = arith.index_cast %scan3A_244 : i32 to index
          %swap3A_270 = arith.constant 32 : index
          %swap3A_271 = tpu.vector_load %arg8[%swap3A_269, %swap3A_270] {strides = array<i32>} : memref<32x768xf32, #tpu.memory_space<vmem>>, vector<1x16xf32>,
          %swap3A_272 = vector.shape_cast %swap3A_271 : vector<1x16xf32> to vector<16xf32>
          %swap3A_273 = vector.shape_cast %get3A_268 : vector<16xf32> to vector<1x16xf32>
          tpu.vector_store %arg8[%swap3A_269, %swap3A_270], %swap3A_273 {strides = array<i32>} : memref<32x768xf32, #tpu.memory_space<vmem>>, vector<1x16xf32>,
          %get3A_274 = arith.constant 48 : index
          %get3A_275 = tpu.vector_load %arg14[%get3A_274] {strides = array<i32>} : memref<768xf32, #tpu.memory_space<vmem>>, vector<16xf32>,
          %get3A_276 = vector.shape_cast %get3A_275 : vector<16xf32> to vector<16xf32>
          %swap3A_277 = arith.index_cast %scan3A_244 : i32 to index
          %swap3A_278 = arith.constant 48 : index
          %swap3A_279 = tpu.vector_load %arg8[%swap3A_277, %swap3A_278] {strides = array<i32>} : memref<32x768xf32, #tpu.memory_space<vmem>>, vector<1x16xf32>,
          %swap3A_280 = vector.shape_cast %swap3A_279 : vector<1x16xf32> to vector<16xf32>
          %swap3A_281 = vector.shape_cast %get3A_276 : vector<16xf32> to vector<1x16xf32>
          tpu.vector_store %arg8[%swap3A_277, %swap3A_278], %swap3A_281 {strides = array<i32>} : memref<32x768xf32, #tpu.memory_space<vmem>>, vector<1x16xf32>,
          %get3A_282 = arith.constant 64 : index
          %get3A_283 = tpu.vector_load %arg14[%get3A_282] {strides = array<i32>} : memref<768xf32, #tpu.memory_space<vmem>>, vector<16xf32>,
          %get3A_284 = vector.shape_cast %get3A_283 : vector<16xf32> to vector<16xf32>
          %swap3A_285 = arith.index_cast %scan3A_244 : i32 to index
          %swap3A_286 = arith.constant 64 : index
          %swap3A_287 = tpu.vector_load %arg8[%swap3A_285, %swap3A_286] {strides = array<i32>} : memref<32x768xf32, #tpu.memory_space<vmem>>, vector<1x16xf32>,
          %swap3A_288 = vector.shape_cast %swap3A_287 : vector<1x16xf32> to vector<16xf32>
          %swap3A_289 = vector.shape_cast %get3A_284 : vector<16xf32> to vector<1x16xf32>
          tpu.vector_store %arg8[%swap3A_285, %swap3A_286], %swap3A_289 {strides = array<i32>} : memref<32x768xf32, #tpu.memory_space<vmem>>, vector<1x16xf32>,
          %get3A_290 = arith.constant 80 : index
          %get3A_291 = tpu.vector_load %arg14[%get3A_290] {strides = array<i32>} : memref<768xf32, #tpu.memory_space<vmem>>, vector<16xf32>,
          %get3A_292 = vector.shape_cast %get3A_291 : vector<16xf32> to vector<16xf32>
          %swap3A_293 = arith.index_cast %scan3A_244 : i32 to index
          %swap3A_294 = arith.constant 80 : index
          %swap3A_295 = tpu.vector_load %arg8[%swap3A_293, %swap3A_294] {strides = array<i32>} : memref<32x768xf32, #tpu.memory_space<vmem>>, vector<1x16xf32>,
          %swap3A_296 = vector.shape_cast %swap3A_295 : vector<1x16xf32> to vector<16xf32>
          %swap3A_297 = vector.shape_cast %get3A_292 : vector<16xf32> to vector<1x16xf32>
          tpu.vector_store %arg8[%swap3A_293, %swap3A_294], %swap3A_297 {strides = array<i32>} : memref<32x768xf32, #tpu.memory_space<vmem>>, vector<1x16xf32>,
          %get3A_298 = arith.constant 96 : index
          %get3A_299 = tpu.vector_load %arg14[%get3A_298] {strides = array<i32>} : memref<768xf32, #tpu.memory_space<vmem>>, vector<16xf32>,
          %get3A_300 = vector.shape_cast %get3A_299 : vector<16xf32> to vector<16xf32>
          %swap3A_301 = arith.index_cast %scan3A_244 : i32 to index
          %swap3A_302 = arith.constant 96 : index
          %swap3A_303 = tpu.vector_load %arg8[%swap3A_301, %swap3A_302] {strides = array<i32>} : memref<32x768xf32, #tpu.memory_space<vmem>>, vector<1x16xf32>,
          %swap3A_304 = vector.shape_cast %swap3A_303 : vector<1x16xf32> to vector<16xf32>
          %swap3A_305 = vector.shape_cast %get3A_300 : vector<16xf32> to vector<1x16xf32>
          tpu.vector_store %arg8[%swap3A_301, %swap3A_302], %swap3A_305 {strides = array<i32>} : memref<32x768xf32, #tpu.memory_space<vmem>>, vector<1x16xf32>,
          %get3A_306 = arith.constant 112 : index
          %get3A_307 = tpu.vector_load %arg14[%get3A_306] {strides = array<i32>} : memref<768xf32, #tpu.memory_space<vmem>>, vector<16xf32>,
          %get3A_308 = vector.shape_cast %get3A_307 : vector<16xf32> to vector<16xf32>
          %swap3A_309 = arith.index_cast %scan3A_244 : i32 to index
          %swap3A_310 = arith.constant 112 : index
          %swap3A_311 = tpu.vector_load %arg8[%swap3A_309, %swap3A_310] {strides = array<i32>} : memref<32x768xf32, #tpu.memory_space<vmem>>, vector<1x16xf32>,
          %swap3A_312 = vector.shape_cast %swap3A_311 : vector<1x16xf32> to vector<16xf32>
          %swap3A_313 = vector.shape_cast %get3A_308 : vector<16xf32> to vector<1x16xf32>
          tpu.vector_store %arg8[%swap3A_309, %swap3A_310], %swap3A_313 {strides = array<i32>} : memref<32x768xf32, #tpu.memory_space<vmem>>, vector<1x16xf32>,
          %get3A_314 = arith.constant 128 : index
          %get3A_315 = tpu.vector_load %arg14[%get3A_314] {strides = array<i32>} : memref<768xf32, #tpu.memory_space<vmem>>, vector<16xf32>,
          %get3A_316 = vector.shape_cast %get3A_315 : vector<16xf32> to vector<16xf32>
          %swap3A_317 = arith.index_cast %scan3A_244 : i32 to index
          %swap3A_318 = arith.constant 128 : index
          %swap3A_319 = tpu.vector_load %arg8[%swap3A_317, %swap3A_318] {strides = array<i32>} : memref<32x768xf32, #tpu.memory_space<vmem>>, vector<1x16xf32>,
          %swap3A_320 = vector.shape_cast %swap3A_319 : vector<1x16xf32> to vector<16xf32>
          %swap3A_321 = vector.shape_cast %get3A_316 : vector<16xf32> to vector<1x16xf32>
          tpu.vector_store %arg8[%swap3A_317, %swap3A_318], %swap3A_321 {strides = array<i32>} : memref<32x768xf32, #tpu.memory_space<vmem>>, vector<1x16xf32>,
          %get3A_322 = arith.constant 144 : index
          %get3A_323 = tpu.vector_load %arg14[%get3A_322] {strides = array<i32>} : memref<768xf32, #tpu.memory_space<vmem>>, vector<16xf32>,
          %get3A_324 = vector.shape_cast %get3A_323 : vector<16xf32> to vector<16xf32>
          %swap3A_325 = arith.index_cast %scan3A_244 : i32 to index
          %swap3A_326 = arith.constant 144 : index
          %swap3A_327 = tpu.vector_load %arg8[%swap3A_325, %swap3A_326] {strides = array<i32>} : memref<32x768xf32, #tpu.memory_space<vmem>>, vector<1x16xf32>,
          %swap3A_328 = vector.shape_cast %swap3A_327 : vector<1x16xf32> to vector<16xf32>
          %swap3A_329 = vector.shape_cast %get3A_324 : vector<16xf32> to vector<1x16xf32>
          tpu.vector_store %arg8[%swap3A_325, %swap3A_326], %swap3A_329 {strides = array<i32>} : memref<32x768xf32, #tpu.memory_space<vmem>>, vector<1x16xf32>,
          %get3A_330 = arith.constant 160 : index
          %get3A_331 = tpu.vector_load %arg14[%get3A_330] {strides = array<i32>} : memref<768xf32, #tpu.memory_space<vmem>>, vector<16xf32>,
          %get3A_332 = vector.shape_cast %get3A_331 : vector<16xf32> to vector<16xf32>
          %swap3A_333 = arith.index_cast %scan3A_244 : i32 to index
          %swap3A_334 = arith.constant 160 : index
          %swap3A_335 = tpu.vector_load %arg8[%swap3A_333, %swap3A_334] {strides = array<i32>} : memref<32x768xf32, #tpu.memory_space<vmem>>, vector<1x16xf32>,
          %swap3A_336 = vector.shape_cast %swap3A_335 : vector<1x16xf32> to vector<16xf32>
          %swap3A_337 = vector.shape_cast %get3A_332 : vector<16xf32> to vector<1x16xf32>
          tpu.vector_store %arg8[%swap3A_333, %swap3A_334], %swap3A_337 {strides = array<i32>} : memref<32x768xf32, #tpu.memory_space<vmem>>, vector<1x16xf32>,
          %get3A_338 = arith.constant 176 : index
          %get3A_339 = tpu.vector_load %arg14[%get3A_338] {strides = array<i32>} : memref<768xf32, #tpu.memory_space<vmem>>, vector<16xf32>,
          %get3A_340 = vector.shape_cast %get3A_339 : vector<16xf32> to vector<16xf32>
          %swap3A_341 = arith.index_cast %scan3A_244 : i32 to index
          %swap3A_342 = arith.constant 176 : index
          %swap3A_343 = tpu.vector_load %arg8[%swap3A_341, %swap3A_342] {strides = array<i32>} : memref<32x768xf32, #tpu.memory_space<vmem>>, vector<1x16xf32>,
          %swap3A_344 = vector.shape_cast %swap3A_343 : vector<1x16xf32> to vector<16xf32>
          %swap3A_345 = vector.shape_cast %get3A_340 : vector<16xf32> to vector<1x16xf32>
          tpu.vector_store %arg8[%swap3A_341, %swap3A_342], %swap3A_345 {strides = array<i32>} : memref<32x768xf32, #tpu.memory_space<vmem>>, vector<1x16xf32>,
          %get3A_346 = arith.constant 192 : index
          %get3A_347 = tpu.vector_load %arg14[%get3A_346] {strides = array<i32>} : memref<768xf32, #tpu.memory_space<vmem>>, vector<16xf32>,
          %get3A_348 = vector.shape_cast %get3A_347 : vector<16xf32> to vector<16xf32>
          %swap3A_349 = arith.index_cast %scan3A_244 : i32 to index
          %swap3A_350 = arith.constant 192 : index
          %swap3A_351 = tpu.vector_load %arg8[%swap3A_349, %swap3A_350] {strides = array<i32>} : memref<32x768xf32, #tpu.memory_space<vmem>>, vector<1x16xf32>,
          %swap3A_352 = vector.shape_cast %swap3A_351 : vector<1x16xf32> to vector<16xf32>
          %swap3A_353 = vector.shape_cast %get3A_348 : vector<16xf32> to vector<1x16xf32>
          tpu.vector_store %arg8[%swap3A_349, %swap3A_350], %swap3A_353 {strides = array<i32>} : memref<32x768xf32, #tpu.memory_space<vmem>>, vector<1x16xf32>,
          %get3A_354 = arith.constant 208 : index
          %get3A_355 = tpu.vector_load %arg14[%get3A_354] {strides = array<i32>} : memref<768xf32, #tpu.memory_space<vmem>>, vector<16xf32>,
          %get3A_356 = vector.shape_cast %get3A_355 : vector<16xf32> to vector<16xf32>
          %swap3A_357 = arith.index_cast %scan3A_244 : i32 to index
          %swap3A_358 = arith.constant 208 : index
          %swap3A_359 = tpu.vector_load %arg8[%swap3A_357, %swap3A_358] {strides = array<i32>} : memref<32x768xf32, #tpu.memory_space<vmem>>, vector<1x16xf32>,
          %swap3A_360 = vector.shape_cast %swap3A_359 : vector<1x16xf32> to vector<16xf32>
          %swap3A_361 = vector.shape_cast %get3A_356 : vector<16xf32> to vector<1x16xf32>
          tpu.vector_store %arg8[%swap3A_357, %swap3A_358], %swap3A_361 {strides = array<i32>} : memref<32x768xf32, #tpu.memory_space<vmem>>, vector<1x16xf32>,
          %get3A_362 = arith.constant 224 : index
          %get3A_363 = tpu.vector_load %arg14[%get3A_362] {strides = array<i32>} : memref<768xf32, #tpu.memory_space<vmem>>, vector<16xf32>,
          %get3A_364 = vector.shape_cast %get3A_363 : vector<16xf32> to vector<16xf32>
          %swap3A_365 = arith.index_cast %scan3A_244 : i32 to index
          %swap3A_366 = arith.constant 224 : index
          %swap3A_367 = tpu.vector_load %arg8[%swap3A_365, %swap3A_366] {strides = array<i32>} : memref<32x768xf32, #tpu.memory_space<vmem>>, vector<1x16xf32>,
          %swap3A_368 = vector.shape_cast %swap3A_367 : vector<1x16xf32> to vector<16xf32>
          %swap3A_369 = vector.shape_cast %get3A_364 : vector<16xf32> to vector<1x16xf32>
          tpu.vector_store %arg8[%swap3A_365, %swap3A_366], %swap3A_369 {strides = array<i32>} : memref<32x768xf32, #tpu.memory_space<vmem>>, vector<1x16xf32>,
          %get3A_370 = arith.constant 240 : index
          %get3A_371 = tpu.vector_load %arg14[%get3A_370] {strides = array<i32>} : memref<768xf32, #tpu.memory_space<vmem>>, vector<16xf32>,
          %get3A_372 = vector.shape_cast %get3A_371 : vector<16xf32> to vector<16xf32>
          %swap3A_373 = arith.index_cast %scan3A_244 : i32 to index
          %swap3A_374 = arith.constant 240 : index
          %swap3A_375 = tpu.vector_load %arg8[%swap3A_373, %swap3A_374] {strides = array<i32>} : memref<32x768xf32, #tpu.memory_space<vmem>>, vector<1x16xf32>,
          %swap3A_376 = vector.shape_cast %swap3A_375 : vector<1x16xf32> to vector<16xf32>
          %swap3A_377 = vector.shape_cast %get3A_372 : vector<16xf32> to vector<1x16xf32>
          tpu.vector_store %arg8[%swap3A_373, %swap3A_374], %swap3A_377 {strides = array<i32>} : memref<32x768xf32, #tpu.memory_space<vmem>>, vector<1x16xf32>,
          %get3A_378 = arith.constant 256 : index
          %get3A_379 = tpu.vector_load %arg14[%get3A_378] {strides = array<i32>} : memref<768xf32, #tpu.memory_space<vmem>>, vector<16xf32>,
          %get3A_380 = vector.shape_cast %get3A_379 : vector<16xf32> to vector<16xf32>
          %swap3A_381 = arith.index_cast %scan3A_244 : i32 to index
          %swap3A_382 = arith.constant 256 : index
          %swap3A_383 = tpu.vector_load %arg8[%swap3A_381, %swap3A_382] {strides = array<i32>} : memref<32x768xf32, #tpu.memory_space<vmem>>, vector<1x16xf32>,
          %swap3A_384 = vector.shape_cast %swap3A_383 : vector<1x16xf32> to vector<16xf32>
          %swap3A_385 = vector.shape_cast %get3A_380 : vector<16xf32> to vector<1x16xf32>
          tpu.vector_store %arg8[%swap3A_381, %swap3A_382], %swap3A_385 {strides = array<i32>} : memref<32x768xf32, #tpu.memory_space<vmem>>, vector<1x16xf32>,
          %get3A_386 = arith.constant 272 : index
          %get3A_387 = tpu.vector_load %arg14[%get3A_386] {strides = array<i32>} : memref<768xf32, #tpu.memory_space<vmem>>, vector<16xf32>,
          %get3A_388 = vector.shape_cast %get3A_387 : vector<16xf32> to vector<16xf32>
          %swap3A_389 = arith.index_cast %scan3A_244 : i32 to index
          %swap3A_390 = arith.constant 272 : index
          %swap3A_391 = tpu.vector_load %arg8[%swap3A_389, %swap3A_390] {strides = array<i32>} : memref<32x768xf32, #tpu.memory_space<vmem>>, vector<1x16xf32>,
          %swap3A_392 = vector.shape_cast %swap3A_391 : vector<1x16xf32> to vector<16xf32>
          %swap3A_393 = vector.shape_cast %get3A_388 : vector<16xf32> to vector<1x16xf32>
          tpu.vector_store %arg8[%swap3A_389, %swap3A_390], %swap3A_393 {strides = array<i32>} : memref<32x768xf32, #tpu.memory_space<vmem>>, vector<1x16xf32>,
          %get3A_394 = arith.constant 288 : index
          %get3A_395 = tpu.vector_load %arg14[%get3A_394] {strides = array<i32>} : memref<768xf32, #tpu.memory_space<vmem>>, vector<16xf32>,
          %get3A_396 = vector.shape_cast %get3A_395 : vector<16xf32> to vector<16xf32>
          %swap3A_397 = arith.index_cast %scan3A_244 : i32 to index
          %swap3A_398 = arith.constant 288 : index
          %swap3A_399 = tpu.vector_load %arg8[%swap3A_397, %swap3A_398] {strides = array<i32>} : memref<32x768xf32, #tpu.memory_space<vmem>>, vector<1x16xf32>,
          %swap3A_400 = vector.shape_cast %swap3A_399 : vector<1x16xf32> to vector<16xf32>
          %swap3A_401 = vector.shape_cast %get3A_396 : vector<16xf32> to vector<1x16xf32>
          tpu.vector_store %arg8[%swap3A_397, %swap3A_398], %swap3A_401 {strides = array<i32>} : memref<32x768xf32, #tpu.memory_space<vmem>>, vector<1x16xf32>,
          %get3A_402 = arith.constant 304 : index
          %get3A_403 = tpu.vector_load %arg14[%get3A_402] {strides = array<i32>} : memref<768xf32, #tpu.memory_space<vmem>>, vector<16xf32>,
          %get3A_404 = vector.shape_cast %get3A_403 : vector<16xf32> to vector<16xf32>
          %swap3A_405 = arith.index_cast %scan3A_244 : i32 to index
          %swap3A_406 = arith.constant 304 : index
          %swap3A_407 = tpu.vector_load %arg8[%swap3A_405, %swap3A_406] {strides = array<i32>} : memref<32x768xf32, #tpu.memory_space<vmem>>, vector<1x16xf32>,
          %swap3A_408 = vector.shape_cast %swap3A_407 : vector<1x16xf32> to vector<16xf32>
          %swap3A_409 = vector.shape_cast %get3A_404 : vector<16xf32> to vector<1x16xf32>
          tpu.vector_store %arg8[%swap3A_405, %swap3A_406], %swap3A_409 {strides = array<i32>} : memref<32x768xf32, #tpu.memory_space<vmem>>, vector<1x16xf32>,
          %get3A_410 = arith.constant 320 : index
          %get3A_411 = tpu.vector_load %arg14[%get3A_410] {strides = array<i32>} : memref<768xf32, #tpu.memory_space<vmem>>, vector<16xf32>,
          %get3A_412 = vector.shape_cast %get3A_411 : vector<16xf32> to vector<16xf32>
          %swap3A_413 = arith.index_cast %scan3A_244 : i32 to index
          %swap3A_414 = arith.constant 320 : index
          %swap3A_415 = tpu.vector_load %arg8[%swap3A_413, %swap3A_414] {strides = array<i32>} : memref<32x768xf32, #tpu.memory_space<vmem>>, vector<1x16xf32>,
          %swap3A_416 = vector.shape_cast %swap3A_415 : vector<1x16xf32> to vector<16xf32>
          %swap3A_417 = vector.shape_cast %get3A_412 : vector<16xf32> to vector<1x16xf32>
          tpu.vector_store %arg8[%swap3A_413, %swap3A_414], %swap3A_417 {strides = array<i32>} : memref<32x768xf32, #tpu.memory_space<vmem>>, vector<1x16xf32>,
          %get3A_418 = arith.constant 336 : index
          %get3A_419 = tpu.vector_load %arg14[%get3A_418] {strides = array<i32>} : memref<768xf32, #tpu.memory_space<vmem>>, vector<16xf32>,
          %get3A_420 = vector.shape_cast %get3A_419 : vector<16xf32> to vector<16xf32>
          %swap3A_421 = arith.index_cast %scan3A_244 : i32 to index
          %swap3A_422 = arith.constant 336 : index
          %swap3A_423 = tpu.vector_load %arg8[%swap3A_421, %swap3A_422] {strides = array<i32>} : memref<32x768xf32, #tpu.memory_space<vmem>>, vector<1x16xf32>,
          %swap3A_424 = vector.shape_cast %swap3A_423 : vector<1x16xf32> to vector<16xf32>
          %swap3A_425 = vector.shape_cast %get3A_420 : vector<16xf32> to vector<1x16xf32>
          tpu.vector_store %arg8[%swap3A_421, %swap3A_422], %swap3A_425 {strides = array<i32>} : memref<32x768xf32, #tpu.memory_space<vmem>>, vector<1x16xf32>,
          %get3A_426 = arith.constant 352 : index
          %get3A_427 = tpu.vector_load %arg14[%get3A_426] {strides = array<i32>} : memref<768xf32, #tpu.memory_space<vmem>>, vector<16xf32>,
          %get3A_428 = vector.shape_cast %get3A_427 : vector<16xf32> to vector<16xf32>
          %swap3A_429 = arith.index_cast %scan3A_244 : i32 to index
          %swap3A_430 = arith.constant 352 : index
          %swap3A_431 = tpu.vector_load %arg8[%swap3A_429, %swap3A_430] {strides = array<i32>} : memref<32x768xf32, #tpu.memory_space<vmem>>, vector<1x16xf32>,
          %swap3A_432 = vector.shape_cast %swap3A_431 : vector<1x16xf32> to vector<16xf32>
          %swap3A_433 = vector.shape_cast %get3A_428 : vector<16xf32> to vector<1x16xf32>
          tpu.vector_store %arg8[%swap3A_429, %swap3A_430], %swap3A_433 {strides = array<i32>} : memref<32x768xf32, #tpu.memory_space<vmem>>, vector<1x16xf32>,
          %get3A_434 = arith.constant 368 : index
          %get3A_435 = tpu.vector_load %arg14[%get3A_434] {strides = array<i32>} : memref<768xf32, #tpu.memory_space<vmem>>, vector<16xf32>,
          %get3A_436 = vector.shape_cast %get3A_435 : vector<16xf32> to vector<16xf32>
          %swap3A_437 = arith.index_cast %scan3A_244 : i32 to index
          %swap3A_438 = arith.constant 368 : index
          %swap3A_439 = tpu.vector_load %arg8[%swap3A_437, %swap3A_438] {strides = array<i32>} : memref<32x768xf32, #tpu.memory_space<vmem>>, vector<1x16xf32>,
          %swap3A_440 = vector.shape_cast %swap3A_439 : vector<1x16xf32> to vector<16xf32>
          %swap3A_441 = vector.shape_cast %get3A_436 : vector<16xf32> to vector<1x16xf32>
          tpu.vector_store %arg8[%swap3A_437, %swap3A_438], %swap3A_441 {strides = array<i32>} : memref<32x768xf32, #tpu.memory_space<vmem>>, vector<1x16xf32>,
          %get3A_442 = arith.constant 384 : index
          %get3A_443 = tpu.vector_load %arg14[%get3A_442] {strides = array<i32>} : memref<768xf32, #tpu.memory_space<vmem>>, vector<16xf32>,
          %get3A_444 = vector.shape_cast %get3A_443 : vector<16xf32> to vector<16xf32>
          %swap3A_445 = arith.index_cast %scan3A_244 : i32 to index
          %swap3A_446 = arith.constant 384 : index
          %swap3A_447 = tpu.vector_load %arg8[%swap3A_445, %swap3A_446] {strides = array<i32>} : memref<32x768xf32, #tpu.memory_space<vmem>>, vector<1x16xf32>,
          %swap3A_448 = vector.shape_cast %swap3A_447 : vector<1x16xf32> to vector<16xf32>
          %swap3A_449 = vector.shape_cast %get3A_444 : vector<16xf32> to vector<1x16xf32>
          tpu.vector_store %arg8[%swap3A_445, %swap3A_446], %swap3A_449 {strides = array<i32>} : memref<32x768xf32, #tpu.memory_space<vmem>>, vector<1x16xf32>,
          %get3A_450 = arith.constant 400 : index
          %get3A_451 = tpu.vector_load %arg14[%get3A_450] {strides = array<i32>} : memref<768xf32, #tpu.memory_space<vmem>>, vector<16xf32>,
          %get3A_452 = vector.shape_cast %get3A_451 : vector<16xf32> to vector<16xf32>
          %swap3A_453 = arith.index_cast %scan3A_244 : i32 to index
          %swap3A_454 = arith.constant 400 : index
          %swap3A_455 = tpu.vector_load %arg8[%swap3A_453, %swap3A_454] {strides = array<i32>} : memref<32x768xf32, #tpu.memory_space<vmem>>, vector<1x16xf32>,
          %swap3A_456 = vector.shape_cast %swap3A_455 : vector<1x16xf32> to vector<16xf32>
          %swap3A_457 = vector.shape_cast %get3A_452 : vector<16xf32> to vector<1x16xf32>
          tpu.vector_store %arg8[%swap3A_453, %swap3A_454], %swap3A_457 {strides = array<i32>} : memref<32x768xf32, #tpu.memory_space<vmem>>, vector<1x16xf32>,
          %get3A_458 = arith.constant 416 : index
          %get3A_459 = tpu.vector_load %arg14[%get3A_458] {strides = array<i32>} : memref<768xf32, #tpu.memory_space<vmem>>, vector<16xf32>,
          %get3A_460 = vector.shape_cast %get3A_459 : vector<16xf32> to vector<16xf32>
          %swap3A_461 = arith.index_cast %scan3A_244 : i32 to index
          %swap3A_462 = arith.constant 416 : index
          %swap3A_463 = tpu.vector_load %arg8[%swap3A_461, %swap3A_462] {strides = array<i32>} : memref<32x768xf32, #tpu.memory_space<vmem>>, vector<1x16xf32>,
          %swap3A_464 = vector.shape_cast %swap3A_463 : vector<1x16xf32> to vector<16xf32>
          %swap3A_465 = vector.shape_cast %get3A_460 : vector<16xf32> to vector<1x16xf32>
          tpu.vector_store %arg8[%swap3A_461, %swap3A_462], %swap3A_465 {strides = array<i32>} : memref<32x768xf32, #tpu.memory_space<vmem>>, vector<1x16xf32>,
          %get3A_466 = arith.constant 432 : index
          %get3A_467 = tpu.vector_load %arg14[%get3A_466] {strides = array<i32>} : memref<768xf32, #tpu.memory_space<vmem>>, vector<16xf32>,
          %get3A_468 = vector.shape_cast %get3A_467 : vector<16xf32> to vector<16xf32>
          %swap3A_469 = arith.index_cast %scan3A_244 : i32 to index
          %swap3A_470 = arith.constant 432 : index
          %swap3A_471 = tpu.vector_load %arg8[%swap3A_469, %swap3A_470] {strides = array<i32>} : memref<32x768xf32, #tpu.memory_space<vmem>>, vector<1x16xf32>,
          %swap3A_472 = vector.shape_cast %swap3A_471 : vector<1x16xf32> to vector<16xf32>
          %swap3A_473 = vector.shape_cast %get3A_468 : vector<16xf32> to vector<1x16xf32>
          tpu.vector_store %arg8[%swap3A_469, %swap3A_470], %swap3A_473 {strides = array<i32>} : memref<32x768xf32, #tpu.memory_space<vmem>>, vector<1x16xf32>,
          %get3A_474 = arith.constant 448 : index
          %get3A_475 = tpu.vector_load %arg14[%get3A_474] {strides = array<i32>} : memref<768xf32, #tpu.memory_space<vmem>>, vector<16xf32>,
          %get3A_476 = vector.shape_cast %get3A_475 : vector<16xf32> to vector<16xf32>
          %swap3A_477 = arith.index_cast %scan3A_244 : i32 to index
          %swap3A_478 = arith.constant 448 : index
          %swap3A_479 = tpu.vector_load %arg8[%swap3A_477, %swap3A_478] {strides = array<i32>} : memref<32x768xf32, #tpu.memory_space<vmem>>, vector<1x16xf32>,
          %swap3A_480 = vector.shape_cast %swap3A_479 : vector<1x16xf32> to vector<16xf32>
          %swap3A_481 = vector.shape_cast %get3A_476 : vector<16xf32> to vector<1x16xf32>
          tpu.vector_store %arg8[%swap3A_477, %swap3A_478], %swap3A_481 {strides = array<i32>} : memref<32x768xf32, #tpu.memory_space<vmem>>, vector<1x16xf32>,
          %get3A_482 = arith.constant 464 : index
          %get3A_483 = tpu.vector_load %arg14[%get3A_482] {strides = array<i32>} : memref<768xf32, #tpu.memory_space<vmem>>, vector<16xf32>,
          %get3A_484 = vector.shape_cast %get3A_483 : vector<16xf32> to vector<16xf32>
          %swap3A_485 = arith.index_cast %scan3A_244 : i32 to index
          %swap3A_486 = arith.constant 464 : index
          %swap3A_487 = tpu.vector_load %arg8[%swap3A_485, %swap3A_486] {strides = array<i32>} : memref<32x768xf32, #tpu.memory_space<vmem>>, vector<1x16xf32>,
          %swap3A_488 = vector.shape_cast %swap3A_487 : vector<1x16xf32> to vector<16xf32>
          %swap3A_489 = vector.shape_cast %get3A_484 : vector<16xf32> to vector<1x16xf32>
          tpu.vector_store %arg8[%swap3A_485, %swap3A_486], %swap3A_489 {strides = array<i32>} : memref<32x768xf32, #tpu.memory_space<vmem>>, vector<1x16xf32>,
          %get3A_490 = arith.constant 480 : index
          %get3A_491 = tpu.vector_load %arg14[%get3A_490] {strides = array<i32>} : memref<768xf32, #tpu.memory_space<vmem>>, vector<16xf32>,
          %get3A_492 = vector.shape_cast %get3A_491 : vector<16xf32> to vector<16xf32>
          %swap3A_493 = arith.index_cast %scan3A_244 : i32 to index
          %swap3A_494 = arith.constant 480 : index
          %swap3A_495 = tpu.vector_load %arg8[%swap3A_493, %swap3A_494] {strides = array<i32>} : memref<32x768xf32, #tpu.memory_space<vmem>>, vector<1x16xf32>,
          %swap3A_496 = vector.shape_cast %swap3A_495 : vector<1x16xf32> to vector<16xf32>
          %swap3A_497 = vector.shape_cast %get3A_492 : vector<16xf32> to vector<1x16xf32>
          tpu.vector_store %arg8[%swap3A_493, %swap3A_494], %swap3A_497 {strides = array<i32>} : memref<32x768xf32, #tpu.memory_space<vmem>>, vector<1x16xf32>,
          %get3A_498 = arith.constant 496 : index
          %get3A_499 = tpu.vector_load %arg14[%get3A_498] {strides = array<i32>} : memref<768xf32, #tpu.memory_space<vmem>>, vector<16xf32>,
          %get3A_500 = vector.shape_cast %get3A_499 : vector<16xf32> to vector<16xf32>
          %swap3A_501 = arith.index_cast %scan3A_244 : i32 to index
          %swap3A_502 = arith.constant 496 : index
          %swap3A_503 = tpu.vector_load %arg8[%swap3A_501, %swap3A_502] {strides = array<i32>} : memref<32x768xf32, #tpu.memory_space<vmem>>, vector<1x16xf32>,
          %swap3A_504 = vector.shape_cast %swap3A_503 : vector<1x16xf32> to vector<16xf32>
          %swap3A_505 = vector.shape_cast %get3A_500 : vector<16xf32> to vector<1x16xf32>
          tpu.vector_store %arg8[%swap3A_501, %swap3A_502], %swap3A_505 {strides = array<i32>} : memref<32x768xf32, #tpu.memory_space<vmem>>, vector<1x16xf32>,
          %get3A_506 = arith.constant 512 : index
          %get3A_507 = tpu.vector_load %arg14[%get3A_506] {strides = array<i32>} : memref<768xf32, #tpu.memory_space<vmem>>, vector<16xf32>,
          %get3A_508 = vector.shape_cast %get3A_507 : vector<16xf32> to vector<16xf32>
          %swap3A_509 = arith.index_cast %scan3A_244 : i32 to index
          %swap3A_510 = arith.constant 512 : index
          %swap3A_511 = tpu.vector_load %arg8[%swap3A_509, %swap3A_510] {strides = array<i32>} : memref<32x768xf32, #tpu.memory_space<vmem>>, vector<1x16xf32>,
          %swap3A_512 = vector.shape_cast %swap3A_511 : vector<1x16xf32> to vector<16xf32>
          %swap3A_513 = vector.shape_cast %get3A_508 : vector<16xf32> to vector<1x16xf32>
          tpu.vector_store %arg8[%swap3A_509, %swap3A_510], %swap3A_513 {strides = array<i32>} : memref<32x768xf32, #tpu.memory_space<vmem>>, vector<1x16xf32>,
          %get3A_514 = arith.constant 528 : index
          %get3A_515 = tpu.vector_load %arg14[%get3A_514] {strides = array<i32>} : memref<768xf32, #tpu.memory_space<vmem>>, vector<16xf32>,
          %get3A_516 = vector.shape_cast %get3A_515 : vector<16xf32> to vector<16xf32>
          %swap3A_517 = arith.index_cast %scan3A_244 : i32 to index
          %swap3A_518 = arith.constant 528 : index
          %swap3A_519 = tpu.vector_load %arg8[%swap3A_517, %swap3A_518] {strides = array<i32>} : memref<32x768xf32, #tpu.memory_space<vmem>>, vector<1x16xf32>,
          %swap3A_520 = vector.shape_cast %swap3A_519 : vector<1x16xf32> to vector<16xf32>
          %swap3A_521 = vector.shape_cast %get3A_516 : vector<16xf32> to vector<1x16xf32>
          tpu.vector_store %arg8[%swap3A_517, %swap3A_518], %swap3A_521 {strides = array<i32>} : memref<32x768xf32, #tpu.memory_space<vmem>>, vector<1x16xf32>,
          %get3A_522 = arith.constant 544 : index
          %get3A_523 = tpu.vector_load %arg14[%get3A_522] {strides = array<i32>} : memref<768xf32, #tpu.memory_space<vmem>>, vector<16xf32>,
          %get3A_524 = vector.shape_cast %get3A_523 : vector<16xf32> to vector<16xf32>
          %swap3A_525 = arith.index_cast %scan3A_244 : i32 to index
          %swap3A_526 = arith.constant 544 : index
          %swap3A_527 = tpu.vector_load %arg8[%swap3A_525, %swap3A_526] {strides = array<i32>} : memref<32x768xf32, #tpu.memory_space<vmem>>, vector<1x16xf32>,
          %swap3A_528 = vector.shape_cast %swap3A_527 : vector<1x16xf32> to vector<16xf32>
          %swap3A_529 = vector.shape_cast %get3A_524 : vector<16xf32> to vector<1x16xf32>
          tpu.vector_store %arg8[%swap3A_525, %swap3A_526], %swap3A_529 {strides = array<i32>} : memref<32x768xf32, #tpu.memory_space<vmem>>, vector<1x16xf32>,
          %get3A_530 = arith.constant 560 : index
          %get3A_531 = tpu.vector_load %arg14[%get3A_530] {strides = array<i32>} : memref<768xf32, #tpu.memory_space<vmem>>, vector<16xf32>,
          %get3A_532 = vector.shape_cast %get3A_531 : vector<16xf32> to vector<16xf32>
          %swap3A_533 = arith.index_cast %scan3A_244 : i32 to index
          %swap3A_534 = arith.constant 560 : index
          %swap3A_535 = tpu.vector_load %arg8[%swap3A_533, %swap3A_534] {strides = array<i32>} : memref<32x768xf32, #tpu.memory_space<vmem>>, vector<1x16xf32>,
          %swap3A_536 = vector.shape_cast %swap3A_535 : vector<1x16xf32> to vector<16xf32>
          %swap3A_537 = vector.shape_cast %get3A_532 : vector<16xf32> to vector<1x16xf32>
          tpu.vector_store %arg8[%swap3A_533, %swap3A_534], %swap3A_537 {strides = array<i32>} : memref<32x768xf32, #tpu.memory_space<vmem>>, vector<1x16xf32>,
          %get3A_538 = arith.constant 576 : index
          %get3A_539 = tpu.vector_load %arg14[%get3A_538] {strides = array<i32>} : memref<768xf32, #tpu.memory_space<vmem>>, vector<16xf32>,
          %get3A_540 = vector.shape_cast %get3A_539 : vector<16xf32> to vector<16xf32>
          %swap3A_541 = arith.index_cast %scan3A_244 : i32 to index
          %swap3A_542 = arith.constant 576 : index
          %swap3A_543 = tpu.vector_load %arg8[%swap3A_541, %swap3A_542] {strides = array<i32>} : memref<32x768xf32, #tpu.memory_space<vmem>>, vector<1x16xf32>,
          %swap3A_544 = vector.shape_cast %swap3A_543 : vector<1x16xf32> to vector<16xf32>
          %swap3A_545 = vector.shape_cast %get3A_540 : vector<16xf32> to vector<1x16xf32>
          tpu.vector_store %arg8[%swap3A_541, %swap3A_542], %swap3A_545 {strides = array<i32>} : memref<32x768xf32, #tpu.memory_space<vmem>>, vector<1x16xf32>,
          %get3A_546 = arith.constant 592 : index
          %get3A_547 = tpu.vector_load %arg14[%get3A_546] {strides = array<i32>} : memref<768xf32, #tpu.memory_space<vmem>>, vector<16xf32>,
          %get3A_548 = vector.shape_cast %get3A_547 : vector<16xf32> to vector<16xf32>
          %swap3A_549 = arith.index_cast %scan3A_244 : i32 to index
          %swap3A_550 = arith.constant 592 : index
          %swap3A_551 = tpu.vector_load %arg8[%swap3A_549, %swap3A_550] {strides = array<i32>} : memref<32x768xf32, #tpu.memory_space<vmem>>, vector<1x16xf32>,
          %swap3A_552 = vector.shape_cast %swap3A_551 : vector<1x16xf32> to vector<16xf32>
          %swap3A_553 = vector.shape_cast %get3A_548 : vector<16xf32> to vector<1x16xf32>
          tpu.vector_store %arg8[%swap3A_549, %swap3A_550], %swap3A_553 {strides = array<i32>} : memref<32x768xf32, #tpu.memory_space<vmem>>, vector<1x16xf32>,
          %get3A_554 = arith.constant 608 : index
          %get3A_555 = tpu.vector_load %arg14[%get3A_554] {strides = array<i32>} : memref<768xf32, #tpu.memory_space<vmem>>, vector<16xf32>,
          %get3A_556 = vector.shape_cast %get3A_555 : vector<16xf32> to vector<16xf32>
          %swap3A_557 = arith.index_cast %scan3A_244 : i32 to index
          %swap3A_558 = arith.constant 608 : index
          %swap3A_559 = tpu.vector_load %arg8[%swap3A_557, %swap3A_558] {strides = array<i32>} : memref<32x768xf32, #tpu.memory_space<vmem>>, vector<1x16xf32>,
          %swap3A_560 = vector.shape_cast %swap3A_559 : vector<1x16xf32> to vector<16xf32>
          %swap3A_561 = vector.shape_cast %get3A_556 : vector<16xf32> to vector<1x16xf32>
          tpu.vector_store %arg8[%swap3A_557, %swap3A_558], %swap3A_561 {strides = array<i32>} : memref<32x768xf32, #tpu.memory_space<vmem>>, vector<1x16xf32>,
          %get3A_562 = arith.constant 624 : index
          %get3A_563 = tpu.vector_load %arg14[%get3A_562] {strides = array<i32>} : memref<768xf32, #tpu.memory_space<vmem>>, vector<16xf32>,
          %get3A_564 = vector.shape_cast %get3A_563 : vector<16xf32> to vector<16xf32>
          %swap3A_565 = arith.index_cast %scan3A_244 : i32 to index
          %swap3A_566 = arith.constant 624 : index
          %swap3A_567 = tpu.vector_load %arg8[%swap3A_565, %swap3A_566] {strides = array<i32>} : memref<32x768xf32, #tpu.memory_space<vmem>>, vector<1x16xf32>,
          %swap3A_568 = vector.shape_cast %swap3A_567 : vector<1x16xf32> to vector<16xf32>
          %swap3A_569 = vector.shape_cast %get3A_564 : vector<16xf32> to vector<1x16xf32>
          tpu.vector_store %arg8[%swap3A_565, %swap3A_566], %swap3A_569 {strides = array<i32>} : memref<32x768xf32, #tpu.memory_space<vmem>>, vector<1x16xf32>,
          %get3A_570 = arith.constant 640 : index
          %get3A_571 = tpu.vector_load %arg14[%get3A_570] {strides = array<i32>} : memref<768xf32, #tpu.memory_space<vmem>>, vector<16xf32>,
          %get3A_572 = vector.shape_cast %get3A_571 : vector<16xf32> to vector<16xf32>
          %swap3A_573 = arith.index_cast %scan3A_244 : i32 to index
          %swap3A_574 = arith.constant 640 : index
          %swap3A_575 = tpu.vector_load %arg8[%swap3A_573, %swap3A_574] {strides = array<i32>} : memref<32x768xf32, #tpu.memory_space<vmem>>, vector<1x16xf32>,
          %swap3A_576 = vector.shape_cast %swap3A_575 : vector<1x16xf32> to vector<16xf32>
          %swap3A_577 = vector.shape_cast %get3A_572 : vector<16xf32> to vector<1x16xf32>
          tpu.vector_store %arg8[%swap3A_573, %swap3A_574], %swap3A_577 {strides = array<i32>} : memref<32x768xf32, #tpu.memory_space<vmem>>, vector<1x16xf32>,
          %get3A_578 = arith.constant 656 : index
          %get3A_579 = tpu.vector_load %arg14[%get3A_578] {strides = array<i32>} : memref<768xf32, #tpu.memory_space<vmem>>, vector<16xf32>,
          %get3A_580 = vector.shape_cast %get3A_579 : vector<16xf32> to vector<16xf32>
          %swap3A_581 = arith.index_cast %scan3A_244 : i32 to index
          %swap3A_582 = arith.constant 656 : index
          %swap3A_583 = tpu.vector_load %arg8[%swap3A_581, %swap3A_582] {strides = array<i32>} : memref<32x768xf32, #tpu.memory_space<vmem>>, vector<1x16xf32>,
          %swap3A_584 = vector.shape_cast %swap3A_583 : vector<1x16xf32> to vector<16xf32>
          %swap3A_585 = vector.shape_cast %get3A_580 : vector<16xf32> to vector<1x16xf32>
          tpu.vector_store %arg8[%swap3A_581, %swap3A_582], %swap3A_585 {strides = array<i32>} : memref<32x768xf32, #tpu.memory_space<vmem>>, vector<1x16xf32>,
          %get3A_586 = arith.constant 672 : index
          %get3A_587 = tpu.vector_load %arg14[%get3A_586] {strides = array<i32>} : memref<768xf32, #tpu.memory_space<vmem>>, vector<16xf32>,
          %get3A_588 = vector.shape_cast %get3A_587 : vector<16xf32> to vector<16xf32>
          %swap3A_589 = arith.index_cast %scan3A_244 : i32 to index
          %swap3A_590 = arith.constant 672 : index
          %swap3A_591 = tpu.vector_load %arg8[%swap3A_589, %swap3A_590] {strides = array<i32>} : memref<32x768xf32, #tpu.memory_space<vmem>>, vector<1x16xf32>,
          %swap3A_592 = vector.shape_cast %swap3A_591 : vector<1x16xf32> to vector<16xf32>
          %swap3A_593 = vector.shape_cast %get3A_588 : vector<16xf32> to vector<1x16xf32>
          tpu.vector_store %arg8[%swap3A_589, %swap3A_590], %swap3A_593 {strides = array<i32>} : memref<32x768xf32, #tpu.memory_space<vmem>>, vector<1x16xf32>,
          %get3A_594 = arith.constant 688 : index
          %get3A_595 = tpu.vector_load %arg14[%get3A_594] {strides = array<i32>} : memref<768xf32, #tpu.memory_space<vmem>>, vector<16xf32>,
          %get3A_596 = vector.shape_cast %get3A_595 : vector<16xf32> to vector<16xf32>
          %swap3A_597 = arith.index_cast %scan3A_244 : i32 to index
          %swap3A_598 = arith.constant 688 : index
          %swap3A_599 = tpu.vector_load %arg8[%swap3A_597, %swap3A_598] {strides = array<i32>} : memref<32x768xf32, #tpu.memory_space<vmem>>, vector<1x16xf32>,
          %swap3A_600 = vector.shape_cast %swap3A_599 : vector<1x16xf32> to vector<16xf32>
          %swap3A_601 = vector.shape_cast %get3A_596 : vector<16xf32> to vector<1x16xf32>
          tpu.vector_store %arg8[%swap3A_597, %swap3A_598], %swap3A_601 {strides = array<i32>} : memref<32x768xf32, #tpu.memory_space<vmem>>, vector<1x16xf32>,
          %get3A_602 = arith.constant 704 : index
          %get3A_603 = tpu.vector_load %arg14[%get3A_602] {strides = array<i32>} : memref<768xf32, #tpu.memory_space<vmem>>, vector<16xf32>,
          %get3A_604 = vector.shape_cast %get3A_603 : vector<16xf32> to vector<16xf32>
          %swap3A_605 = arith.index_cast %scan3A_244 : i32 to index
          %swap3A_606 = arith.constant 704 : index
          %swap3A_607 = tpu.vector_load %arg8[%swap3A_605, %swap3A_606] {strides = array<i32>} : memref<32x768xf32, #tpu.memory_space<vmem>>, vector<1x16xf32>,
          %swap3A_608 = vector.shape_cast %swap3A_607 : vector<1x16xf32> to vector<16xf32>
          %swap3A_609 = vector.shape_cast %get3A_604 : vector<16xf32> to vector<1x16xf32>
          tpu.vector_store %arg8[%swap3A_605, %swap3A_606], %swap3A_609 {strides = array<i32>} : memref<32x768xf32, #tpu.memory_space<vmem>>, vector<1x16xf32>,
          %get3A_610 = arith.constant 720 : index
          %get3A_611 = tpu.vector_load %arg14[%get3A_610] {strides = array<i32>} : memref<768xf32, #tpu.memory_space<vmem>>, vector<16xf32>,
          %get3A_612 = vector.shape_cast %get3A_611 : vector<16xf32> to vector<16xf32>
          %swap3A_613 = arith.index_cast %scan3A_244 : i32 to index
          %swap3A_614 = arith.constant 720 : index
          %swap3A_615 = tpu.vector_load %arg8[%swap3A_613, %swap3A_614] {strides = array<i32>} : memref<32x768xf32, #tpu.memory_space<vmem>>, vector<1x16xf32>,
          %swap3A_616 = vector.shape_cast %swap3A_615 : vector<1x16xf32> to vector<16xf32>
          %swap3A_617 = vector.shape_cast %get3A_612 : vector<16xf32> to vector<1x16xf32>
          tpu.vector_store %arg8[%swap3A_613, %swap3A_614], %swap3A_617 {strides = array<i32>} : memref<32x768xf32, #tpu.memory_space<vmem>>, vector<1x16xf32>,
          %get3A_618 = arith.constant 736 : index
          %get3A_619 = tpu.vector_load %arg14[%get3A_618] {strides = array<i32>} : memref<768xf32, #tpu.memory_space<vmem>>, vector<16xf32>,
          %get3A_620 = vector.shape_cast %get3A_619 : vector<16xf32> to vector<16xf32>
          %swap3A_621 = arith.index_cast %scan3A_244 : i32 to index
          %swap3A_622 = arith.constant 736 : index
          %swap3A_623 = tpu.vector_load %arg8[%swap3A_621, %swap3A_622] {strides = array<i32>} : memref<32x768xf32, #tpu.memory_space<vmem>>, vector<1x16xf32>,
          %swap3A_624 = vector.shape_cast %swap3A_623 : vector<1x16xf32> to vector<16xf32>
          %swap3A_625 = vector.shape_cast %get3A_620 : vector<16xf32> to vector<1x16xf32>
          tpu.vector_store %arg8[%swap3A_621, %swap3A_622], %swap3A_625 {strides = array<i32>} : memref<32x768xf32, #tpu.memory_space<vmem>>, vector<1x16xf32>,
          %get3A_626 = arith.constant 752 : index
          %get3A_627 = tpu.vector_load %arg14[%get3A_626] {strides = array<i32>} : memref<768xf32, #tpu.memory_space<vmem>>, vector<16xf32>,
          %get3A_628 = vector.shape_cast %get3A_627 : vector<16xf32> to vector<16xf32>
          %swap3A_629 = arith.index_cast %scan3A_244 : i32 to index
          %swap3A_630 = arith.constant 752 : index
          %swap3A_631 = tpu.vector_load %arg8[%swap3A_629, %swap3A_630] {strides = array<i32>} : memref<32x768xf32, #tpu.memory_space<vmem>>, vector<1x16xf32>,
          %swap3A_632 = vector.shape_cast %swap3A_631 : vector<1x16xf32> to vector<16xf32>
          %swap3A_633 = vector.shape_cast %get3A_628 : vector<16xf32> to vector<1x16xf32>
          tpu.vector_store %arg8[%swap3A_629, %swap3A_630], %swap3A_633 {strides = array<i32>} : memref<32x768xf32, #tpu.memory_space<vmem>>, vector<1x16xf32>,
        } else {
        }
      }
      %scan3A_198 = arith.constant 32 : i32
      %mul3A_199 = arith.constant 4 : i32
      %mul3A_200 = arith.muli %scan3A_23, %mul3A_199 : i32
      %add3A_201 = arith.constant 2 : i32
      %add3A_202 = arith.addi %mul3A_200, %add3A_201 : i32
      %mul3A_203 = arith.constant 32 : i32
      %mul3A_204 = arith.muli %add3A_202, %mul3A_203 : i32
      %add3A_205 = arith.addi %mul3A_2, %mul3A_204 : i32
      %dma_start3A_206 = arith.constant 0 : i32
      %dma_start3A_207 = tpu.memref_slice %arg5[%add3A_205, %dma_start3A_206] : memref<36864x768xf32, #tpu.memory_space<hbm>> -> memref<32x768xf32, #tpu.memory_space<hbm>>
      %dma_start3A_208 = arith.constant 0 : i32
      %dma_start3A_209 = tpu.memref_slice %arg5[%add3A_205, %dma_start3A_208] : memref<36864x768xf32, #tpu.memory_space<hbm>> -> memref<32x768xf32, #tpu.memory_space<hbm>>
      tpu.enqueue_dma source(%arg8 : memref<32x768xf32, #tpu.memory_space<vmem>>) target(%dma_start3A_209 : memref<32x768xf32, #tpu.memory_space<hbm>>) target_semaphore(%arg25 : memref<!tpu.dma_semaphore, #tpu.memory_space<semaphore_mem>>)
      %mul3A_210 = arith.constant 4 : i32
      %mul3A_211 = arith.muli %scan3A_23, %mul3A_210 : i32
      %add3A_212 = arith.constant 3 : i32
      %add3A_213 = arith.addi %mul3A_211, %add3A_212 : i32
      %mul3A_214 = arith.constant 32 : i32
      %mul3A_215 = arith.muli %add3A_213, %mul3A_214 : i32
      %add3A_216 = arith.addi %mul3A_2, %mul3A_215 : i32
      %dma_wait3A_217 = arith.constant 0 : i32
      %dma_wait3A_218 = tpu.memref_slice %arg2[%add3A_216, %dma_wait3A_217] : memref<36864x768xf32, #tpu.memory_space<hbm>> -> memref<32x768xf32, #tpu.memory_space<hbm>>
      %dma_wait3A_219 = arith.constant 0 : i32
      %dma_wait3A_220 = tpu.memref_slice %arg2[%add3A_216, %dma_wait3A_219] : memref<36864x768xf32, #tpu.memory_space<hbm>> -> memref<32x768xf32, #tpu.memory_space<hbm>>
      tpu.wait_dma2 semaphore(%arg18 : memref<!tpu.dma_semaphore, #tpu.memory_space<semaphore_mem>>) src(%dma_wait3A_220 : memref<32x768xf32, #tpu.memory_space<hbm>>) dst(%arg9 : memref<32x768xf32, #tpu.memory_space<vmem>>)
      %dma_wait3A_221 = arith.constant 0 : i32
      %dma_wait3A_222 = tpu.memref_slice %arg13[%dma_wait3A_221] : memref<48xi32, #tpu.memory_space<vmem>> -> memref<32xi32, #tpu.memory_space<vmem>>
      %dma_wait3A_223 = tpu.memref_slice %arg3[%add3A_216] : memref<36864xi32, #tpu.memory_space<hbm>> -> memref<32xi32, #tpu.memory_space<hbm>>
      %dma_wait3A_224 = arith.constant 0 : i32
      %dma_wait3A_225 = tpu.memref_slice %arg13[%dma_wait3A_224] : memref<48xi32, #tpu.memory_space<vmem>> -> memref<32xi32, #tpu.memory_space<vmem>>
      %dma_wait3A_226 = tpu.memref_slice %arg3[%add3A_216] : memref<36864xi32, #tpu.memory_space<hbm>> -> memref<32xi32, #tpu.memory_space<hbm>>
      tpu.wait_dma2 semaphore(%arg22 : memref<!tpu.dma_semaphore, #tpu.memory_space<semaphore_mem>>) src(%dma_wait3A_226 : memref<32xi32, #tpu.memory_space<hbm>>) dst(%dma_wait3A_225 : memref<32xi32, #tpu.memory_space<vmem>>)
      %scan3A_227 = arith.constant 0 : i32
      %scan3A_228 = arith.constant 0 : i32
      %scan3A_229 = arith.constant 32 : i32
      %scan3A_230 = arith.addi %scan3A_228, %scan3A_229 : i32
      %scan3A_231 = arith.constant 1 : i32
      scf.for %scan3A_244 = %scan3A_228 to %scan3A_230 step %scan3A_231  : i32 {
        %get3A = arith.index_cast %scan3A_244 : i32 to index
        %get3A_245 = tpu.vector_load %arg13[%get3A] {strides = array<i32>} : memref<48xi32, #tpu.memory_space<vmem>>, vector<16xi32>,
        %get3A_246 = vector.shape_cast %get3A_245 : vector<16xi32> to vector<16xi32>
        %slice3A = vector.extract_strided_slice %get3A_246 {offsets = [0], sizes = [1], strides = [1]} : vector<16xi32> to vector<1xi32>
        %squeeze3A = vector.extract %slice3A[0] : i32 from vector<1xi32>
        %ne3A = arith.constant 0 : i32
        %ne3A_247 = arith.cmpi ne, %squeeze3A, %ne3A : i32
        %convert_element_type3A_248 = arith.extui %ne3A_247 : i1 to i32
        %cond3A_249 = arith.constant 0 : i32
        %cond3A_250 = arith.cmpi ne, %convert_element_type3A_248, %cond3A_249 : i32
        scf.if %cond3A_250 {
          %get3A_251 = arith.constant 0 : index
          %get3A_252 = tpu.vector_load %arg14[%get3A_251] {strides = array<i32>} : memref<768xf32, #tpu.memory_space<vmem>>, vector<16xf32>,
          %get3A_253 = vector.shape_cast %get3A_252 : vector<16xf32> to vector<16xf32>
          %swap3A = arith.index_cast %scan3A_244 : i32 to index
          %swap3A_254 = arith.constant 0 : index
          %swap3A_255 = tpu.vector_load %arg9[%swap3A, %swap3A_254] {strides = array<i32>} : memref<32x768xf32, #tpu.memory_space<vmem>>, vector<1x16xf32>,
          %swap3A_256 = vector.shape_cast %swap3A_255 : vector<1x16xf32> to vector<16xf32>
          %swap3A_257 = vector.shape_cast %get3A_253 : vector<16xf32> to vector<1x16xf32>
          tpu.vector_store %arg9[%swap3A, %swap3A_254], %swap3A_257 {strides = array<i32>} : memref<32x768xf32, #tpu.memory_space<vmem>>, vector<1x16xf32>,
          %get3A_258 = arith.constant 16 : index
          %get3A_259 = tpu.vector_load %arg14[%get3A_258] {strides = array<i32>} : memref<768xf32, #tpu.memory_space<vmem>>, vector<16xf32>,
          %get3A_260 = vector.shape_cast %get3A_259 : vector<16xf32> to vector<16xf32>
          %swap3A_261 = arith.index_cast %scan3A_244 : i32 to index
          %swap3A_262 = arith.constant 16 : index
          %swap3A_263 = tpu.vector_load %arg9[%swap3A_261, %swap3A_262] {strides = array<i32>} : memref<32x768xf32, #tpu.memory_space<vmem>>, vector<1x16xf32>,
          %swap3A_264 = vector.shape_cast %swap3A_263 : vector<1x16xf32> to vector<16xf32>
          %swap3A_265 = vector.shape_cast %get3A_260 : vector<16xf32> to vector<1x16xf32>
          tpu.vector_store %arg9[%swap3A_261, %swap3A_262], %swap3A_265 {strides = array<i32>} : memref<32x768xf32, #tpu.memory_space<vmem>>, vector<1x16xf32>,
          %get3A_266 = arith.constant 32 : index
          %get3A_267 = tpu.vector_load %arg14[%get3A_266] {strides = array<i32>} : memref<768xf32, #tpu.memory_space<vmem>>, vector<16xf32>,
          %get3A_268 = vector.shape_cast %get3A_267 : vector<16xf32> to vector<16xf32>
          %swap3A_269 = arith.index_cast %scan3A_244 : i32 to index
          %swap3A_270 = arith.constant 32 : index
          %swap3A_271 = tpu.vector_load %arg9[%swap3A_269, %swap3A_270] {strides = array<i32>} : memref<32x768xf32, #tpu.memory_space<vmem>>, vector<1x16xf32>,
          %swap3A_272 = vector.shape_cast %swap3A_271 : vector<1x16xf32> to vector<16xf32>
          %swap3A_273 = vector.shape_cast %get3A_268 : vector<16xf32> to vector<1x16xf32>
          tpu.vector_store %arg9[%swap3A_269, %swap3A_270], %swap3A_273 {strides = array<i32>} : memref<32x768xf32, #tpu.memory_space<vmem>>, vector<1x16xf32>,
          %get3A_274 = arith.constant 48 : index
          %get3A_275 = tpu.vector_load %arg14[%get3A_274] {strides = array<i32>} : memref<768xf32, #tpu.memory_space<vmem>>, vector<16xf32>,
          %get3A_276 = vector.shape_cast %get3A_275 : vector<16xf32> to vector<16xf32>
          %swap3A_277 = arith.index_cast %scan3A_244 : i32 to index
          %swap3A_278 = arith.constant 48 : index
          %swap3A_279 = tpu.vector_load %arg9[%swap3A_277, %swap3A_278] {strides = array<i32>} : memref<32x768xf32, #tpu.memory_space<vmem>>, vector<1x16xf32>,
          %swap3A_280 = vector.shape_cast %swap3A_279 : vector<1x16xf32> to vector<16xf32>
          %swap3A_281 = vector.shape_cast %get3A_276 : vector<16xf32> to vector<1x16xf32>
          tpu.vector_store %arg9[%swap3A_277, %swap3A_278], %swap3A_281 {strides = array<i32>} : memref<32x768xf32, #tpu.memory_space<vmem>>, vector<1x16xf32>,
          %get3A_282 = arith.constant 64 : index
          %get3A_283 = tpu.vector_load %arg14[%get3A_282] {strides = array<i32>} : memref<768xf32, #tpu.memory_space<vmem>>, vector<16xf32>,
          %get3A_284 = vector.shape_cast %get3A_283 : vector<16xf32> to vector<16xf32>
          %swap3A_285 = arith.index_cast %scan3A_244 : i32 to index
          %swap3A_286 = arith.constant 64 : index
          %swap3A_287 = tpu.vector_load %arg9[%swap3A_285, %swap3A_286] {strides = array<i32>} : memref<32x768xf32, #tpu.memory_space<vmem>>, vector<1x16xf32>,
          %swap3A_288 = vector.shape_cast %swap3A_287 : vector<1x16xf32> to vector<16xf32>
          %swap3A_289 = vector.shape_cast %get3A_284 : vector<16xf32> to vector<1x16xf32>
          tpu.vector_store %arg9[%swap3A_285, %swap3A_286], %swap3A_289 {strides = array<i32>} : memref<32x768xf32, #tpu.memory_space<vmem>>, vector<1x16xf32>,
          %get3A_290 = arith.constant 80 : index
          %get3A_291 = tpu.vector_load %arg14[%get3A_290] {strides = array<i32>} : memref<768xf32, #tpu.memory_space<vmem>>, vector<16xf32>,
          %get3A_292 = vector.shape_cast %get3A_291 : vector<16xf32> to vector<16xf32>
          %swap3A_293 = arith.index_cast %scan3A_244 : i32 to index
          %swap3A_294 = arith.constant 80 : index
          %swap3A_295 = tpu.vector_load %arg9[%swap3A_293, %swap3A_294] {strides = array<i32>} : memref<32x768xf32, #tpu.memory_space<vmem>>, vector<1x16xf32>,
          %swap3A_296 = vector.shape_cast %swap3A_295 : vector<1x16xf32> to vector<16xf32>
          %swap3A_297 = vector.shape_cast %get3A_292 : vector<16xf32> to vector<1x16xf32>
          tpu.vector_store %arg9[%swap3A_293, %swap3A_294], %swap3A_297 {strides = array<i32>} : memref<32x768xf32, #tpu.memory_space<vmem>>, vector<1x16xf32>,
          %get3A_298 = arith.constant 96 : index
          %get3A_299 = tpu.vector_load %arg14[%get3A_298] {strides = array<i32>} : memref<768xf32, #tpu.memory_space<vmem>>, vector<16xf32>,
          %get3A_300 = vector.shape_cast %get3A_299 : vector<16xf32> to vector<16xf32>
          %swap3A_301 = arith.index_cast %scan3A_244 : i32 to index
          %swap3A_302 = arith.constant 96 : index
          %swap3A_303 = tpu.vector_load %arg9[%swap3A_301, %swap3A_302] {strides = array<i32>} : memref<32x768xf32, #tpu.memory_space<vmem>>, vector<1x16xf32>,
          %swap3A_304 = vector.shape_cast %swap3A_303 : vector<1x16xf32> to vector<16xf32>
          %swap3A_305 = vector.shape_cast %get3A_300 : vector<16xf32> to vector<1x16xf32>
          tpu.vector_store %arg9[%swap3A_301, %swap3A_302], %swap3A_305 {strides = array<i32>} : memref<32x768xf32, #tpu.memory_space<vmem>>, vector<1x16xf32>,
          %get3A_306 = arith.constant 112 : index
          %get3A_307 = tpu.vector_load %arg14[%get3A_306] {strides = array<i32>} : memref<768xf32, #tpu.memory_space<vmem>>, vector<16xf32>,
          %get3A_308 = vector.shape_cast %get3A_307 : vector<16xf32> to vector<16xf32>
          %swap3A_309 = arith.index_cast %scan3A_244 : i32 to index
          %swap3A_310 = arith.constant 112 : index
          %swap3A_311 = tpu.vector_load %arg9[%swap3A_309, %swap3A_310] {strides = array<i32>} : memref<32x768xf32, #tpu.memory_space<vmem>>, vector<1x16xf32>,
          %swap3A_312 = vector.shape_cast %swap3A_311 : vector<1x16xf32> to vector<16xf32>
          %swap3A_313 = vector.shape_cast %get3A_308 : vector<16xf32> to vector<1x16xf32>
          tpu.vector_store %arg9[%swap3A_309, %swap3A_310], %swap3A_313 {strides = array<i32>} : memref<32x768xf32, #tpu.memory_space<vmem>>, vector<1x16xf32>,
          %get3A_314 = arith.constant 128 : index
          %get3A_315 = tpu.vector_load %arg14[%get3A_314] {strides = array<i32>} : memref<768xf32, #tpu.memory_space<vmem>>, vector<16xf32>,
          %get3A_316 = vector.shape_cast %get3A_315 : vector<16xf32> to vector<16xf32>
          %swap3A_317 = arith.index_cast %scan3A_244 : i32 to index
          %swap3A_318 = arith.constant 128 : index
          %swap3A_319 = tpu.vector_load %arg9[%swap3A_317, %swap3A_318] {strides = array<i32>} : memref<32x768xf32, #tpu.memory_space<vmem>>, vector<1x16xf32>,
          %swap3A_320 = vector.shape_cast %swap3A_319 : vector<1x16xf32> to vector<16xf32>
          %swap3A_321 = vector.shape_cast %get3A_316 : vector<16xf32> to vector<1x16xf32>
          tpu.vector_store %arg9[%swap3A_317, %swap3A_318], %swap3A_321 {strides = array<i32>} : memref<32x768xf32, #tpu.memory_space<vmem>>, vector<1x16xf32>,
          %get3A_322 = arith.constant 144 : index
          %get3A_323 = tpu.vector_load %arg14[%get3A_322] {strides = array<i32>} : memref<768xf32, #tpu.memory_space<vmem>>, vector<16xf32>,
          %get3A_324 = vector.shape_cast %get3A_323 : vector<16xf32> to vector<16xf32>
          %swap3A_325 = arith.index_cast %scan3A_244 : i32 to index
          %swap3A_326 = arith.constant 144 : index
          %swap3A_327 = tpu.vector_load %arg9[%swap3A_325, %swap3A_326] {strides = array<i32>} : memref<32x768xf32, #tpu.memory_space<vmem>>, vector<1x16xf32>,
          %swap3A_328 = vector.shape_cast %swap3A_327 : vector<1x16xf32> to vector<16xf32>
          %swap3A_329 = vector.shape_cast %get3A_324 : vector<16xf32> to vector<1x16xf32>
          tpu.vector_store %arg9[%swap3A_325, %swap3A_326], %swap3A_329 {strides = array<i32>} : memref<32x768xf32, #tpu.memory_space<vmem>>, vector<1x16xf32>,
          %get3A_330 = arith.constant 160 : index
          %get3A_331 = tpu.vector_load %arg14[%get3A_330] {strides = array<i32>} : memref<768xf32, #tpu.memory_space<vmem>>, vector<16xf32>,
          %get3A_332 = vector.shape_cast %get3A_331 : vector<16xf32> to vector<16xf32>
          %swap3A_333 = arith.index_cast %scan3A_244 : i32 to index
          %swap3A_334 = arith.constant 160 : index
          %swap3A_335 = tpu.vector_load %arg9[%swap3A_333, %swap3A_334] {strides = array<i32>} : memref<32x768xf32, #tpu.memory_space<vmem>>, vector<1x16xf32>,
          %swap3A_336 = vector.shape_cast %swap3A_335 : vector<1x16xf32> to vector<16xf32>
          %swap3A_337 = vector.shape_cast %get3A_332 : vector<16xf32> to vector<1x16xf32>
          tpu.vector_store %arg9[%swap3A_333, %swap3A_334], %swap3A_337 {strides = array<i32>} : memref<32x768xf32, #tpu.memory_space<vmem>>, vector<1x16xf32>,
          %get3A_338 = arith.constant 176 : index
          %get3A_339 = tpu.vector_load %arg14[%get3A_338] {strides = array<i32>} : memref<768xf32, #tpu.memory_space<vmem>>, vector<16xf32>,
          %get3A_340 = vector.shape_cast %get3A_339 : vector<16xf32> to vector<16xf32>
          %swap3A_341 = arith.index_cast %scan3A_244 : i32 to index
          %swap3A_342 = arith.constant 176 : index
          %swap3A_343 = tpu.vector_load %arg9[%swap3A_341, %swap3A_342] {strides = array<i32>} : memref<32x768xf32, #tpu.memory_space<vmem>>, vector<1x16xf32>,
          %swap3A_344 = vector.shape_cast %swap3A_343 : vector<1x16xf32> to vector<16xf32>
          %swap3A_345 = vector.shape_cast %get3A_340 : vector<16xf32> to vector<1x16xf32>
          tpu.vector_store %arg9[%swap3A_341, %swap3A_342], %swap3A_345 {strides = array<i32>} : memref<32x768xf32, #tpu.memory_space<vmem>>, vector<1x16xf32>,
          %get3A_346 = arith.constant 192 : index
          %get3A_347 = tpu.vector_load %arg14[%get3A_346] {strides = array<i32>} : memref<768xf32, #tpu.memory_space<vmem>>, vector<16xf32>,
          %get3A_348 = vector.shape_cast %get3A_347 : vector<16xf32> to vector<16xf32>
          %swap3A_349 = arith.index_cast %scan3A_244 : i32 to index
          %swap3A_350 = arith.constant 192 : index
          %swap3A_351 = tpu.vector_load %arg9[%swap3A_349, %swap3A_350] {strides = array<i32>} : memref<32x768xf32, #tpu.memory_space<vmem>>, vector<1x16xf32>,
          %swap3A_352 = vector.shape_cast %swap3A_351 : vector<1x16xf32> to vector<16xf32>
          %swap3A_353 = vector.shape_cast %get3A_348 : vector<16xf32> to vector<1x16xf32>
          tpu.vector_store %arg9[%swap3A_349, %swap3A_350], %swap3A_353 {strides = array<i32>} : memref<32x768xf32, #tpu.memory_space<vmem>>, vector<1x16xf32>,
          %get3A_354 = arith.constant 208 : index
          %get3A_355 = tpu.vector_load %arg14[%get3A_354] {strides = array<i32>} : memref<768xf32, #tpu.memory_space<vmem>>, vector<16xf32>,
          %get3A_356 = vector.shape_cast %get3A_355 : vector<16xf32> to vector<16xf32>
          %swap3A_357 = arith.index_cast %scan3A_244 : i32 to index
          %swap3A_358 = arith.constant 208 : index
          %swap3A_359 = tpu.vector_load %arg9[%swap3A_357, %swap3A_358] {strides = array<i32>} : memref<32x768xf32, #tpu.memory_space<vmem>>, vector<1x16xf32>,
          %swap3A_360 = vector.shape_cast %swap3A_359 : vector<1x16xf32> to vector<16xf32>
          %swap3A_361 = vector.shape_cast %get3A_356 : vector<16xf32> to vector<1x16xf32>
          tpu.vector_store %arg9[%swap3A_357, %swap3A_358], %swap3A_361 {strides = array<i32>} : memref<32x768xf32, #tpu.memory_space<vmem>>, vector<1x16xf32>,
          %get3A_362 = arith.constant 224 : index
          %get3A_363 = tpu.vector_load %arg14[%get3A_362] {strides = array<i32>} : memref<768xf32, #tpu.memory_space<vmem>>, vector<16xf32>,
          %get3A_364 = vector.shape_cast %get3A_363 : vector<16xf32> to vector<16xf32>
          %swap3A_365 = arith.index_cast %scan3A_244 : i32 to index
          %swap3A_366 = arith.constant 224 : index
          %swap3A_367 = tpu.vector_load %arg9[%swap3A_365, %swap3A_366] {strides = array<i32>} : memref<32x768xf32, #tpu.memory_space<vmem>>, vector<1x16xf32>,
          %swap3A_368 = vector.shape_cast %swap3A_367 : vector<1x16xf32> to vector<16xf32>
          %swap3A_369 = vector.shape_cast %get3A_364 : vector<16xf32> to vector<1x16xf32>
          tpu.vector_store %arg9[%swap3A_365, %swap3A_366], %swap3A_369 {strides = array<i32>} : memref<32x768xf32, #tpu.memory_space<vmem>>, vector<1x16xf32>,
          %get3A_370 = arith.constant 240 : index
          %get3A_371 = tpu.vector_load %arg14[%get3A_370] {strides = array<i32>} : memref<768xf32, #tpu.memory_space<vmem>>, vector<16xf32>,
          %get3A_372 = vector.shape_cast %get3A_371 : vector<16xf32> to vector<16xf32>
          %swap3A_373 = arith.index_cast %scan3A_244 : i32 to index
          %swap3A_374 = arith.constant 240 : index
          %swap3A_375 = tpu.vector_load %arg9[%swap3A_373, %swap3A_374] {strides = array<i32>} : memref<32x768xf32, #tpu.memory_space<vmem>>, vector<1x16xf32>,
          %swap3A_376 = vector.shape_cast %swap3A_375 : vector<1x16xf32> to vector<16xf32>
          %swap3A_377 = vector.shape_cast %get3A_372 : vector<16xf32> to vector<1x16xf32>
          tpu.vector_store %arg9[%swap3A_373, %swap3A_374], %swap3A_377 {strides = array<i32>} : memref<32x768xf32, #tpu.memory_space<vmem>>, vector<1x16xf32>,
          %get3A_378 = arith.constant 256 : index
          %get3A_379 = tpu.vector_load %arg14[%get3A_378] {strides = array<i32>} : memref<768xf32, #tpu.memory_space<vmem>>, vector<16xf32>,
          %get3A_380 = vector.shape_cast %get3A_379 : vector<16xf32> to vector<16xf32>
          %swap3A_381 = arith.index_cast %scan3A_244 : i32 to index
          %swap3A_382 = arith.constant 256 : index
          %swap3A_383 = tpu.vector_load %arg9[%swap3A_381, %swap3A_382] {strides = array<i32>} : memref<32x768xf32, #tpu.memory_space<vmem>>, vector<1x16xf32>,
          %swap3A_384 = vector.shape_cast %swap3A_383 : vector<1x16xf32> to vector<16xf32>
          %swap3A_385 = vector.shape_cast %get3A_380 : vector<16xf32> to vector<1x16xf32>
          tpu.vector_store %arg9[%swap3A_381, %swap3A_382], %swap3A_385 {strides = array<i32>} : memref<32x768xf32, #tpu.memory_space<vmem>>, vector<1x16xf32>,
          %get3A_386 = arith.constant 272 : index
          %get3A_387 = tpu.vector_load %arg14[%get3A_386] {strides = array<i32>} : memref<768xf32, #tpu.memory_space<vmem>>, vector<16xf32>,
          %get3A_388 = vector.shape_cast %get3A_387 : vector<16xf32> to vector<16xf32>
          %swap3A_389 = arith.index_cast %scan3A_244 : i32 to index
          %swap3A_390 = arith.constant 272 : index
          %swap3A_391 = tpu.vector_load %arg9[%swap3A_389, %swap3A_390] {strides = array<i32>} : memref<32x768xf32, #tpu.memory_space<vmem>>, vector<1x16xf32>,
          %swap3A_392 = vector.shape_cast %swap3A_391 : vector<1x16xf32> to vector<16xf32>
          %swap3A_393 = vector.shape_cast %get3A_388 : vector<16xf32> to vector<1x16xf32>
          tpu.vector_store %arg9[%swap3A_389, %swap3A_390], %swap3A_393 {strides = array<i32>} : memref<32x768xf32, #tpu.memory_space<vmem>>, vector<1x16xf32>,
          %get3A_394 = arith.constant 288 : index
          %get3A_395 = tpu.vector_load %arg14[%get3A_394] {strides = array<i32>} : memref<768xf32, #tpu.memory_space<vmem>>, vector<16xf32>,
          %get3A_396 = vector.shape_cast %get3A_395 : vector<16xf32> to vector<16xf32>
          %swap3A_397 = arith.index_cast %scan3A_244 : i32 to index
          %swap3A_398 = arith.constant 288 : index
          %swap3A_399 = tpu.vector_load %arg9[%swap3A_397, %swap3A_398] {strides = array<i32>} : memref<32x768xf32, #tpu.memory_space<vmem>>, vector<1x16xf32>,
          %swap3A_400 = vector.shape_cast %swap3A_399 : vector<1x16xf32> to vector<16xf32>
          %swap3A_401 = vector.shape_cast %get3A_396 : vector<16xf32> to vector<1x16xf32>
          tpu.vector_store %arg9[%swap3A_397, %swap3A_398], %swap3A_401 {strides = array<i32>} : memref<32x768xf32, #tpu.memory_space<vmem>>, vector<1x16xf32>,
          %get3A_402 = arith.constant 304 : index
          %get3A_403 = tpu.vector_load %arg14[%get3A_402] {strides = array<i32>} : memref<768xf32, #tpu.memory_space<vmem>>, vector<16xf32>,
          %get3A_404 = vector.shape_cast %get3A_403 : vector<16xf32> to vector<16xf32>
          %swap3A_405 = arith.index_cast %scan3A_244 : i32 to index
          %swap3A_406 = arith.constant 304 : index
          %swap3A_407 = tpu.vector_load %arg9[%swap3A_405, %swap3A_406] {strides = array<i32>} : memref<32x768xf32, #tpu.memory_space<vmem>>, vector<1x16xf32>,
          %swap3A_408 = vector.shape_cast %swap3A_407 : vector<1x16xf32> to vector<16xf32>
          %swap3A_409 = vector.shape_cast %get3A_404 : vector<16xf32> to vector<1x16xf32>
          tpu.vector_store %arg9[%swap3A_405, %swap3A_406], %swap3A_409 {strides = array<i32>} : memref<32x768xf32, #tpu.memory_space<vmem>>, vector<1x16xf32>,
          %get3A_410 = arith.constant 320 : index
          %get3A_411 = tpu.vector_load %arg14[%get3A_410] {strides = array<i32>} : memref<768xf32, #tpu.memory_space<vmem>>, vector<16xf32>,
          %get3A_412 = vector.shape_cast %get3A_411 : vector<16xf32> to vector<16xf32>
          %swap3A_413 = arith.index_cast %scan3A_244 : i32 to index
          %swap3A_414 = arith.constant 320 : index
          %swap3A_415 = tpu.vector_load %arg9[%swap3A_413, %swap3A_414] {strides = array<i32>} : memref<32x768xf32, #tpu.memory_space<vmem>>, vector<1x16xf32>,
          %swap3A_416 = vector.shape_cast %swap3A_415 : vector<1x16xf32> to vector<16xf32>
          %swap3A_417 = vector.shape_cast %get3A_412 : vector<16xf32> to vector<1x16xf32>
          tpu.vector_store %arg9[%swap3A_413, %swap3A_414], %swap3A_417 {strides = array<i32>} : memref<32x768xf32, #tpu.memory_space<vmem>>, vector<1x16xf32>,
          %get3A_418 = arith.constant 336 : index
          %get3A_419 = tpu.vector_load %arg14[%get3A_418] {strides = array<i32>} : memref<768xf32, #tpu.memory_space<vmem>>, vector<16xf32>,
          %get3A_420 = vector.shape_cast %get3A_419 : vector<16xf32> to vector<16xf32>
          %swap3A_421 = arith.index_cast %scan3A_244 : i32 to index
          %swap3A_422 = arith.constant 336 : index
          %swap3A_423 = tpu.vector_load %arg9[%swap3A_421, %swap3A_422] {strides = array<i32>} : memref<32x768xf32, #tpu.memory_space<vmem>>, vector<1x16xf32>,
          %swap3A_424 = vector.shape_cast %swap3A_423 : vector<1x16xf32> to vector<16xf32>
          %swap3A_425 = vector.shape_cast %get3A_420 : vector<16xf32> to vector<1x16xf32>
          tpu.vector_store %arg9[%swap3A_421, %swap3A_422], %swap3A_425 {strides = array<i32>} : memref<32x768xf32, #tpu.memory_space<vmem>>, vector<1x16xf32>,
          %get3A_426 = arith.constant 352 : index
          %get3A_427 = tpu.vector_load %arg14[%get3A_426] {strides = array<i32>} : memref<768xf32, #tpu.memory_space<vmem>>, vector<16xf32>,
          %get3A_428 = vector.shape_cast %get3A_427 : vector<16xf32> to vector<16xf32>
          %swap3A_429 = arith.index_cast %scan3A_244 : i32 to index
          %swap3A_430 = arith.constant 352 : index
          %swap3A_431 = tpu.vector_load %arg9[%swap3A_429, %swap3A_430] {strides = array<i32>} : memref<32x768xf32, #tpu.memory_space<vmem>>, vector<1x16xf32>,
          %swap3A_432 = vector.shape_cast %swap3A_431 : vector<1x16xf32> to vector<16xf32>
          %swap3A_433 = vector.shape_cast %get3A_428 : vector<16xf32> to vector<1x16xf32>
          tpu.vector_store %arg9[%swap3A_429, %swap3A_430], %swap3A_433 {strides = array<i32>} : memref<32x768xf32, #tpu.memory_space<vmem>>, vector<1x16xf32>,
          %get3A_434 = arith.constant 368 : index
          %get3A_435 = tpu.vector_load %arg14[%get3A_434] {strides = array<i32>} : memref<768xf32, #tpu.memory_space<vmem>>, vector<16xf32>,
          %get3A_436 = vector.shape_cast %get3A_435 : vector<16xf32> to vector<16xf32>
          %swap3A_437 = arith.index_cast %scan3A_244 : i32 to index
          %swap3A_438 = arith.constant 368 : index
          %swap3A_439 = tpu.vector_load %arg9[%swap3A_437, %swap3A_438] {strides = array<i32>} : memref<32x768xf32, #tpu.memory_space<vmem>>, vector<1x16xf32>,
          %swap3A_440 = vector.shape_cast %swap3A_439 : vector<1x16xf32> to vector<16xf32>
          %swap3A_441 = vector.shape_cast %get3A_436 : vector<16xf32> to vector<1x16xf32>
          tpu.vector_store %arg9[%swap3A_437, %swap3A_438], %swap3A_441 {strides = array<i32>} : memref<32x768xf32, #tpu.memory_space<vmem>>, vector<1x16xf32>,
          %get3A_442 = arith.constant 384 : index
          %get3A_443 = tpu.vector_load %arg14[%get3A_442] {strides = array<i32>} : memref<768xf32, #tpu.memory_space<vmem>>, vector<16xf32>,
          %get3A_444 = vector.shape_cast %get3A_443 : vector<16xf32> to vector<16xf32>
          %swap3A_445 = arith.index_cast %scan3A_244 : i32 to index
          %swap3A_446 = arith.constant 384 : index
          %swap3A_447 = tpu.vector_load %arg9[%swap3A_445, %swap3A_446] {strides = array<i32>} : memref<32x768xf32, #tpu.memory_space<vmem>>, vector<1x16xf32>,
          %swap3A_448 = vector.shape_cast %swap3A_447 : vector<1x16xf32> to vector<16xf32>
          %swap3A_449 = vector.shape_cast %get3A_444 : vector<16xf32> to vector<1x16xf32>
          tpu.vector_store %arg9[%swap3A_445, %swap3A_446], %swap3A_449 {strides = array<i32>} : memref<32x768xf32, #tpu.memory_space<vmem>>, vector<1x16xf32>,
          %get3A_450 = arith.constant 400 : index
          %get3A_451 = tpu.vector_load %arg14[%get3A_450] {strides = array<i32>} : memref<768xf32, #tpu.memory_space<vmem>>, vector<16xf32>,
          %get3A_452 = vector.shape_cast %get3A_451 : vector<16xf32> to vector<16xf32>
          %swap3A_453 = arith.index_cast %scan3A_244 : i32 to index
          %swap3A_454 = arith.constant 400 : index
          %swap3A_455 = tpu.vector_load %arg9[%swap3A_453, %swap3A_454] {strides = array<i32>} : memref<32x768xf32, #tpu.memory_space<vmem>>, vector<1x16xf32>,
          %swap3A_456 = vector.shape_cast %swap3A_455 : vector<1x16xf32> to vector<16xf32>
          %swap3A_457 = vector.shape_cast %get3A_452 : vector<16xf32> to vector<1x16xf32>
          tpu.vector_store %arg9[%swap3A_453, %swap3A_454], %swap3A_457 {strides = array<i32>} : memref<32x768xf32, #tpu.memory_space<vmem>>, vector<1x16xf32>,
          %get3A_458 = arith.constant 416 : index
          %get3A_459 = tpu.vector_load %arg14[%get3A_458] {strides = array<i32>} : memref<768xf32, #tpu.memory_space<vmem>>, vector<16xf32>,
          %get3A_460 = vector.shape_cast %get3A_459 : vector<16xf32> to vector<16xf32>
          %swap3A_461 = arith.index_cast %scan3A_244 : i32 to index
          %swap3A_462 = arith.constant 416 : index
          %swap3A_463 = tpu.vector_load %arg9[%swap3A_461, %swap3A_462] {strides = array<i32>} : memref<32x768xf32, #tpu.memory_space<vmem>>, vector<1x16xf32>,
          %swap3A_464 = vector.shape_cast %swap3A_463 : vector<1x16xf32> to vector<16xf32>
          %swap3A_465 = vector.shape_cast %get3A_460 : vector<16xf32> to vector<1x16xf32>
          tpu.vector_store %arg9[%swap3A_461, %swap3A_462], %swap3A_465 {strides = array<i32>} : memref<32x768xf32, #tpu.memory_space<vmem>>, vector<1x16xf32>,
          %get3A_466 = arith.constant 432 : index
          %get3A_467 = tpu.vector_load %arg14[%get3A_466] {strides = array<i32>} : memref<768xf32, #tpu.memory_space<vmem>>, vector<16xf32>,
          %get3A_468 = vector.shape_cast %get3A_467 : vector<16xf32> to vector<16xf32>
          %swap3A_469 = arith.index_cast %scan3A_244 : i32 to index
          %swap3A_470 = arith.constant 432 : index
          %swap3A_471 = tpu.vector_load %arg9[%swap3A_469, %swap3A_470] {strides = array<i32>} : memref<32x768xf32, #tpu.memory_space<vmem>>, vector<1x16xf32>,
          %swap3A_472 = vector.shape_cast %swap3A_471 : vector<1x16xf32> to vector<16xf32>
          %swap3A_473 = vector.shape_cast %get3A_468 : vector<16xf32> to vector<1x16xf32>
          tpu.vector_store %arg9[%swap3A_469, %swap3A_470], %swap3A_473 {strides = array<i32>} : memref<32x768xf32, #tpu.memory_space<vmem>>, vector<1x16xf32>,
          %get3A_474 = arith.constant 448 : index
          %get3A_475 = tpu.vector_load %arg14[%get3A_474] {strides = array<i32>} : memref<768xf32, #tpu.memory_space<vmem>>, vector<16xf32>,
          %get3A_476 = vector.shape_cast %get3A_475 : vector<16xf32> to vector<16xf32>
          %swap3A_477 = arith.index_cast %scan3A_244 : i32 to index
          %swap3A_478 = arith.constant 448 : index
          %swap3A_479 = tpu.vector_load %arg9[%swap3A_477, %swap3A_478] {strides = array<i32>} : memref<32x768xf32, #tpu.memory_space<vmem>>, vector<1x16xf32>,
          %swap3A_480 = vector.shape_cast %swap3A_479 : vector<1x16xf32> to vector<16xf32>
          %swap3A_481 = vector.shape_cast %get3A_476 : vector<16xf32> to vector<1x16xf32>
          tpu.vector_store %arg9[%swap3A_477, %swap3A_478], %swap3A_481 {strides = array<i32>} : memref<32x768xf32, #tpu.memory_space<vmem>>, vector<1x16xf32>,
          %get3A_482 = arith.constant 464 : index
          %get3A_483 = tpu.vector_load %arg14[%get3A_482] {strides = array<i32>} : memref<768xf32, #tpu.memory_space<vmem>>, vector<16xf32>,
          %get3A_484 = vector.shape_cast %get3A_483 : vector<16xf32> to vector<16xf32>
          %swap3A_485 = arith.index_cast %scan3A_244 : i32 to index
          %swap3A_486 = arith.constant 464 : index
          %swap3A_487 = tpu.vector_load %arg9[%swap3A_485, %swap3A_486] {strides = array<i32>} : memref<32x768xf32, #tpu.memory_space<vmem>>, vector<1x16xf32>,
          %swap3A_488 = vector.shape_cast %swap3A_487 : vector<1x16xf32> to vector<16xf32>
          %swap3A_489 = vector.shape_cast %get3A_484 : vector<16xf32> to vector<1x16xf32>
          tpu.vector_store %arg9[%swap3A_485, %swap3A_486], %swap3A_489 {strides = array<i32>} : memref<32x768xf32, #tpu.memory_space<vmem>>, vector<1x16xf32>,
          %get3A_490 = arith.constant 480 : index
          %get3A_491 = tpu.vector_load %arg14[%get3A_490] {strides = array<i32>} : memref<768xf32, #tpu.memory_space<vmem>>, vector<16xf32>,
          %get3A_492 = vector.shape_cast %get3A_491 : vector<16xf32> to vector<16xf32>
          %swap3A_493 = arith.index_cast %scan3A_244 : i32 to index
          %swap3A_494 = arith.constant 480 : index
          %swap3A_495 = tpu.vector_load %arg9[%swap3A_493, %swap3A_494] {strides = array<i32>} : memref<32x768xf32, #tpu.memory_space<vmem>>, vector<1x16xf32>,
          %swap3A_496 = vector.shape_cast %swap3A_495 : vector<1x16xf32> to vector<16xf32>
          %swap3A_497 = vector.shape_cast %get3A_492 : vector<16xf32> to vector<1x16xf32>
          tpu.vector_store %arg9[%swap3A_493, %swap3A_494], %swap3A_497 {strides = array<i32>} : memref<32x768xf32, #tpu.memory_space<vmem>>, vector<1x16xf32>,
          %get3A_498 = arith.constant 496 : index
          %get3A_499 = tpu.vector_load %arg14[%get3A_498] {strides = array<i32>} : memref<768xf32, #tpu.memory_space<vmem>>, vector<16xf32>,
          %get3A_500 = vector.shape_cast %get3A_499 : vector<16xf32> to vector<16xf32>
          %swap3A_501 = arith.index_cast %scan3A_244 : i32 to index
          %swap3A_502 = arith.constant 496 : index
          %swap3A_503 = tpu.vector_load %arg9[%swap3A_501, %swap3A_502] {strides = array<i32>} : memref<32x768xf32, #tpu.memory_space<vmem>>, vector<1x16xf32>,
          %swap3A_504 = vector.shape_cast %swap3A_503 : vector<1x16xf32> to vector<16xf32>
          %swap3A_505 = vector.shape_cast %get3A_500 : vector<16xf32> to vector<1x16xf32>
          tpu.vector_store %arg9[%swap3A_501, %swap3A_502], %swap3A_505 {strides = array<i32>} : memref<32x768xf32, #tpu.memory_space<vmem>>, vector<1x16xf32>,
          %get3A_506 = arith.constant 512 : index
          %get3A_507 = tpu.vector_load %arg14[%get3A_506] {strides = array<i32>} : memref<768xf32, #tpu.memory_space<vmem>>, vector<16xf32>,
          %get3A_508 = vector.shape_cast %get3A_507 : vector<16xf32> to vector<16xf32>
          %swap3A_509 = arith.index_cast %scan3A_244 : i32 to index
          %swap3A_510 = arith.constant 512 : index
          %swap3A_511 = tpu.vector_load %arg9[%swap3A_509, %swap3A_510] {strides = array<i32>} : memref<32x768xf32, #tpu.memory_space<vmem>>, vector<1x16xf32>,
          %swap3A_512 = vector.shape_cast %swap3A_511 : vector<1x16xf32> to vector<16xf32>
          %swap3A_513 = vector.shape_cast %get3A_508 : vector<16xf32> to vector<1x16xf32>
          tpu.vector_store %arg9[%swap3A_509, %swap3A_510], %swap3A_513 {strides = array<i32>} : memref<32x768xf32, #tpu.memory_space<vmem>>, vector<1x16xf32>,
          %get3A_514 = arith.constant 528 : index
          %get3A_515 = tpu.vector_load %arg14[%get3A_514] {strides = array<i32>} : memref<768xf32, #tpu.memory_space<vmem>>, vector<16xf32>,
          %get3A_516 = vector.shape_cast %get3A_515 : vector<16xf32> to vector<16xf32>
          %swap3A_517 = arith.index_cast %scan3A_244 : i32 to index
          %swap3A_518 = arith.constant 528 : index
          %swap3A_519 = tpu.vector_load %arg9[%swap3A_517, %swap3A_518] {strides = array<i32>} : memref<32x768xf32, #tpu.memory_space<vmem>>, vector<1x16xf32>,
          %swap3A_520 = vector.shape_cast %swap3A_519 : vector<1x16xf32> to vector<16xf32>
          %swap3A_521 = vector.shape_cast %get3A_516 : vector<16xf32> to vector<1x16xf32>
          tpu.vector_store %arg9[%swap3A_517, %swap3A_518], %swap3A_521 {strides = array<i32>} : memref<32x768xf32, #tpu.memory_space<vmem>>, vector<1x16xf32>,
          %get3A_522 = arith.constant 544 : index
          %get3A_523 = tpu.vector_load %arg14[%get3A_522] {strides = array<i32>} : memref<768xf32, #tpu.memory_space<vmem>>, vector<16xf32>,
          %get3A_524 = vector.shape_cast %get3A_523 : vector<16xf32> to vector<16xf32>
          %swap3A_525 = arith.index_cast %scan3A_244 : i32 to index
          %swap3A_526 = arith.constant 544 : index
          %swap3A_527 = tpu.vector_load %arg9[%swap3A_525, %swap3A_526] {strides = array<i32>} : memref<32x768xf32, #tpu.memory_space<vmem>>, vector<1x16xf32>,
          %swap3A_528 = vector.shape_cast %swap3A_527 : vector<1x16xf32> to vector<16xf32>
          %swap3A_529 = vector.shape_cast %get3A_524 : vector<16xf32> to vector<1x16xf32>
          tpu.vector_store %arg9[%swap3A_525, %swap3A_526], %swap3A_529 {strides = array<i32>} : memref<32x768xf32, #tpu.memory_space<vmem>>, vector<1x16xf32>,
          %get3A_530 = arith.constant 560 : index
          %get3A_531 = tpu.vector_load %arg14[%get3A_530] {strides = array<i32>} : memref<768xf32, #tpu.memory_space<vmem>>, vector<16xf32>,
          %get3A_532 = vector.shape_cast %get3A_531 : vector<16xf32> to vector<16xf32>
          %swap3A_533 = arith.index_cast %scan3A_244 : i32 to index
          %swap3A_534 = arith.constant 560 : index
          %swap3A_535 = tpu.vector_load %arg9[%swap3A_533, %swap3A_534] {strides = array<i32>} : memref<32x768xf32, #tpu.memory_space<vmem>>, vector<1x16xf32>,
          %swap3A_536 = vector.shape_cast %swap3A_535 : vector<1x16xf32> to vector<16xf32>
          %swap3A_537 = vector.shape_cast %get3A_532 : vector<16xf32> to vector<1x16xf32>
          tpu.vector_store %arg9[%swap3A_533, %swap3A_534], %swap3A_537 {strides = array<i32>} : memref<32x768xf32, #tpu.memory_space<vmem>>, vector<1x16xf32>,
          %get3A_538 = arith.constant 576 : index
          %get3A_539 = tpu.vector_load %arg14[%get3A_538] {strides = array<i32>} : memref<768xf32, #tpu.memory_space<vmem>>, vector<16xf32>,
          %get3A_540 = vector.shape_cast %get3A_539 : vector<16xf32> to vector<16xf32>
          %swap3A_541 = arith.index_cast %scan3A_244 : i32 to index
          %swap3A_542 = arith.constant 576 : index
          %swap3A_543 = tpu.vector_load %arg9[%swap3A_541, %swap3A_542] {strides = array<i32>} : memref<32x768xf32, #tpu.memory_space<vmem>>, vector<1x16xf32>,
          %swap3A_544 = vector.shape_cast %swap3A_543 : vector<1x16xf32> to vector<16xf32>
          %swap3A_545 = vector.shape_cast %get3A_540 : vector<16xf32> to vector<1x16xf32>
          tpu.vector_store %arg9[%swap3A_541, %swap3A_542], %swap3A_545 {strides = array<i32>} : memref<32x768xf32, #tpu.memory_space<vmem>>, vector<1x16xf32>,
          %get3A_546 = arith.constant 592 : index
          %get3A_547 = tpu.vector_load %arg14[%get3A_546] {strides = array<i32>} : memref<768xf32, #tpu.memory_space<vmem>>, vector<16xf32>,
          %get3A_548 = vector.shape_cast %get3A_547 : vector<16xf32> to vector<16xf32>
          %swap3A_549 = arith.index_cast %scan3A_244 : i32 to index
          %swap3A_550 = arith.constant 592 : index
          %swap3A_551 = tpu.vector_load %arg9[%swap3A_549, %swap3A_550] {strides = array<i32>} : memref<32x768xf32, #tpu.memory_space<vmem>>, vector<1x16xf32>,
          %swap3A_552 = vector.shape_cast %swap3A_551 : vector<1x16xf32> to vector<16xf32>
          %swap3A_553 = vector.shape_cast %get3A_548 : vector<16xf32> to vector<1x16xf32>
          tpu.vector_store %arg9[%swap3A_549, %swap3A_550], %swap3A_553 {strides = array<i32>} : memref<32x768xf32, #tpu.memory_space<vmem>>, vector<1x16xf32>,
          %get3A_554 = arith.constant 608 : index
          %get3A_555 = tpu.vector_load %arg14[%get3A_554] {strides = array<i32>} : memref<768xf32, #tpu.memory_space<vmem>>, vector<16xf32>,
          %get3A_556 = vector.shape_cast %get3A_555 : vector<16xf32> to vector<16xf32>
          %swap3A_557 = arith.index_cast %scan3A_244 : i32 to index
          %swap3A_558 = arith.constant 608 : index
          %swap3A_559 = tpu.vector_load %arg9[%swap3A_557, %swap3A_558] {strides = array<i32>} : memref<32x768xf32, #tpu.memory_space<vmem>>, vector<1x16xf32>,
          %swap3A_560 = vector.shape_cast %swap3A_559 : vector<1x16xf32> to vector<16xf32>
          %swap3A_561 = vector.shape_cast %get3A_556 : vector<16xf32> to vector<1x16xf32>
          tpu.vector_store %arg9[%swap3A_557, %swap3A_558], %swap3A_561 {strides = array<i32>} : memref<32x768xf32, #tpu.memory_space<vmem>>, vector<1x16xf32>,
          %get3A_562 = arith.constant 624 : index
          %get3A_563 = tpu.vector_load %arg14[%get3A_562] {strides = array<i32>} : memref<768xf32, #tpu.memory_space<vmem>>, vector<16xf32>,
          %get3A_564 = vector.shape_cast %get3A_563 : vector<16xf32> to vector<16xf32>
          %swap3A_565 = arith.index_cast %scan3A_244 : i32 to index
          %swap3A_566 = arith.constant 624 : index
          %swap3A_567 = tpu.vector_load %arg9[%swap3A_565, %swap3A_566] {strides = array<i32>} : memref<32x768xf32, #tpu.memory_space<vmem>>, vector<1x16xf32>,
          %swap3A_568 = vector.shape_cast %swap3A_567 : vector<1x16xf32> to vector<16xf32>
          %swap3A_569 = vector.shape_cast %get3A_564 : vector<16xf32> to vector<1x16xf32>
          tpu.vector_store %arg9[%swap3A_565, %swap3A_566], %swap3A_569 {strides = array<i32>} : memref<32x768xf32, #tpu.memory_space<vmem>>, vector<1x16xf32>,
          %get3A_570 = arith.constant 640 : index
          %get3A_571 = tpu.vector_load %arg14[%get3A_570] {strides = array<i32>} : memref<768xf32, #tpu.memory_space<vmem>>, vector<16xf32>,
          %get3A_572 = vector.shape_cast %get3A_571 : vector<16xf32> to vector<16xf32>
          %swap3A_573 = arith.index_cast %scan3A_244 : i32 to index
          %swap3A_574 = arith.constant 640 : index
          %swap3A_575 = tpu.vector_load %arg9[%swap3A_573, %swap3A_574] {strides = array<i32>} : memref<32x768xf32, #tpu.memory_space<vmem>>, vector<1x16xf32>,
          %swap3A_576 = vector.shape_cast %swap3A_575 : vector<1x16xf32> to vector<16xf32>
          %swap3A_577 = vector.shape_cast %get3A_572 : vector<16xf32> to vector<1x16xf32>
          tpu.vector_store %arg9[%swap3A_573, %swap3A_574], %swap3A_577 {strides = array<i32>} : memref<32x768xf32, #tpu.memory_space<vmem>>, vector<1x16xf32>,
          %get3A_578 = arith.constant 656 : index
          %get3A_579 = tpu.vector_load %arg14[%get3A_578] {strides = array<i32>} : memref<768xf32, #tpu.memory_space<vmem>>, vector<16xf32>,
          %get3A_580 = vector.shape_cast %get3A_579 : vector<16xf32> to vector<16xf32>
          %swap3A_581 = arith.index_cast %scan3A_244 : i32 to index
          %swap3A_582 = arith.constant 656 : index
          %swap3A_583 = tpu.vector_load %arg9[%swap3A_581, %swap3A_582] {strides = array<i32>} : memref<32x768xf32, #tpu.memory_space<vmem>>, vector<1x16xf32>,
          %swap3A_584 = vector.shape_cast %swap3A_583 : vector<1x16xf32> to vector<16xf32>
          %swap3A_585 = vector.shape_cast %get3A_580 : vector<16xf32> to vector<1x16xf32>
          tpu.vector_store %arg9[%swap3A_581, %swap3A_582], %swap3A_585 {strides = array<i32>} : memref<32x768xf32, #tpu.memory_space<vmem>>, vector<1x16xf32>,
          %get3A_586 = arith.constant 672 : index
          %get3A_587 = tpu.vector_load %arg14[%get3A_586] {strides = array<i32>} : memref<768xf32, #tpu.memory_space<vmem>>, vector<16xf32>,
          %get3A_588 = vector.shape_cast %get3A_587 : vector<16xf32> to vector<16xf32>
          %swap3A_589 = arith.index_cast %scan3A_244 : i32 to index
          %swap3A_590 = arith.constant 672 : index
          %swap3A_591 = tpu.vector_load %arg9[%swap3A_589, %swap3A_590] {strides = array<i32>} : memref<32x768xf32, #tpu.memory_space<vmem>>, vector<1x16xf32>,
          %swap3A_592 = vector.shape_cast %swap3A_591 : vector<1x16xf32> to vector<16xf32>
          %swap3A_593 = vector.shape_cast %get3A_588 : vector<16xf32> to vector<1x16xf32>
          tpu.vector_store %arg9[%swap3A_589, %swap3A_590], %swap3A_593 {strides = array<i32>} : memref<32x768xf32, #tpu.memory_space<vmem>>, vector<1x16xf32>,
          %get3A_594 = arith.constant 688 : index
          %get3A_595 = tpu.vector_load %arg14[%get3A_594] {strides = array<i32>} : memref<768xf32, #tpu.memory_space<vmem>>, vector<16xf32>,
          %get3A_596 = vector.shape_cast %get3A_595 : vector<16xf32> to vector<16xf32>
          %swap3A_597 = arith.index_cast %scan3A_244 : i32 to index
          %swap3A_598 = arith.constant 688 : index
          %swap3A_599 = tpu.vector_load %arg9[%swap3A_597, %swap3A_598] {strides = array<i32>} : memref<32x768xf32, #tpu.memory_space<vmem>>, vector<1x16xf32>,
          %swap3A_600 = vector.shape_cast %swap3A_599 : vector<1x16xf32> to vector<16xf32>
          %swap3A_601 = vector.shape_cast %get3A_596 : vector<16xf32> to vector<1x16xf32>
          tpu.vector_store %arg9[%swap3A_597, %swap3A_598], %swap3A_601 {strides = array<i32>} : memref<32x768xf32, #tpu.memory_space<vmem>>, vector<1x16xf32>,
          %get3A_602 = arith.constant 704 : index
          %get3A_603 = tpu.vector_load %arg14[%get3A_602] {strides = array<i32>} : memref<768xf32, #tpu.memory_space<vmem>>, vector<16xf32>,
          %get3A_604 = vector.shape_cast %get3A_603 : vector<16xf32> to vector<16xf32>
          %swap3A_605 = arith.index_cast %scan3A_244 : i32 to index
          %swap3A_606 = arith.constant 704 : index
          %swap3A_607 = tpu.vector_load %arg9[%swap3A_605, %swap3A_606] {strides = array<i32>} : memref<32x768xf32, #tpu.memory_space<vmem>>, vector<1x16xf32>,
          %swap3A_608 = vector.shape_cast %swap3A_607 : vector<1x16xf32> to vector<16xf32>
          %swap3A_609 = vector.shape_cast %get3A_604 : vector<16xf32> to vector<1x16xf32>
          tpu.vector_store %arg9[%swap3A_605, %swap3A_606], %swap3A_609 {strides = array<i32>} : memref<32x768xf32, #tpu.memory_space<vmem>>, vector<1x16xf32>,
          %get3A_610 = arith.constant 720 : index
          %get3A_611 = tpu.vector_load %arg14[%get3A_610] {strides = array<i32>} : memref<768xf32, #tpu.memory_space<vmem>>, vector<16xf32>,
          %get3A_612 = vector.shape_cast %get3A_611 : vector<16xf32> to vector<16xf32>
          %swap3A_613 = arith.index_cast %scan3A_244 : i32 to index
          %swap3A_614 = arith.constant 720 : index
          %swap3A_615 = tpu.vector_load %arg9[%swap3A_613, %swap3A_614] {strides = array<i32>} : memref<32x768xf32, #tpu.memory_space<vmem>>, vector<1x16xf32>,
          %swap3A_616 = vector.shape_cast %swap3A_615 : vector<1x16xf32> to vector<16xf32>
          %swap3A_617 = vector.shape_cast %get3A_612 : vector<16xf32> to vector<1x16xf32>
          tpu.vector_store %arg9[%swap3A_613, %swap3A_614], %swap3A_617 {strides = array<i32>} : memref<32x768xf32, #tpu.memory_space<vmem>>, vector<1x16xf32>,
          %get3A_618 = arith.constant 736 : index
          %get3A_619 = tpu.vector_load %arg14[%get3A_618] {strides = array<i32>} : memref<768xf32, #tpu.memory_space<vmem>>, vector<16xf32>,
          %get3A_620 = vector.shape_cast %get3A_619 : vector<16xf32> to vector<16xf32>
          %swap3A_621 = arith.index_cast %scan3A_244 : i32 to index
          %swap3A_622 = arith.constant 736 : index
          %swap3A_623 = tpu.vector_load %arg9[%swap3A_621, %swap3A_622] {strides = array<i32>} : memref<32x768xf32, #tpu.memory_space<vmem>>, vector<1x16xf32>,
          %swap3A_624 = vector.shape_cast %swap3A_623 : vector<1x16xf32> to vector<16xf32>
          %swap3A_625 = vector.shape_cast %get3A_620 : vector<16xf32> to vector<1x16xf32>
          tpu.vector_store %arg9[%swap3A_621, %swap3A_622], %swap3A_625 {strides = array<i32>} : memref<32x768xf32, #tpu.memory_space<vmem>>, vector<1x16xf32>,
          %get3A_626 = arith.constant 752 : index
          %get3A_627 = tpu.vector_load %arg14[%get3A_626] {strides = array<i32>} : memref<768xf32, #tpu.memory_space<vmem>>, vector<16xf32>,
          %get3A_628 = vector.shape_cast %get3A_627 : vector<16xf32> to vector<16xf32>
          %swap3A_629 = arith.index_cast %scan3A_244 : i32 to index
          %swap3A_630 = arith.constant 752 : index
          %swap3A_631 = tpu.vector_load %arg9[%swap3A_629, %swap3A_630] {strides = array<i32>} : memref<32x768xf32, #tpu.memory_space<vmem>>, vector<1x16xf32>,
          %swap3A_632 = vector.shape_cast %swap3A_631 : vector<1x16xf32> to vector<16xf32>
          %swap3A_633 = vector.shape_cast %get3A_628 : vector<16xf32> to vector<1x16xf32>
          tpu.vector_store %arg9[%swap3A_629, %swap3A_630], %swap3A_633 {strides = array<i32>} : memref<32x768xf32, #tpu.memory_space<vmem>>, vector<1x16xf32>,
        } else {
        }
      }
      %scan3A_232 = arith.constant 32 : i32
      %mul3A_233 = arith.constant 4 : i32
      %mul3A_234 = arith.muli %scan3A_23, %mul3A_233 : i32
      %add3A_235 = arith.constant 3 : i32
      %add3A_236 = arith.addi %mul3A_234, %add3A_235 : i32
      %mul3A_237 = arith.constant 32 : i32
      %mul3A_238 = arith.muli %add3A_236, %mul3A_237 : i32
      %add3A_239 = arith.addi %mul3A_2, %mul3A_238 : i32
      %dma_start3A_240 = arith.constant 0 : i32
      %dma_start3A_241 = tpu.memref_slice %arg5[%add3A_239, %dma_start3A_240] : memref<36864x768xf32, #tpu.memory_space<hbm>> -> memref<32x768xf32, #tpu.memory_space<hbm>>
      %dma_start3A_242 = arith.constant 0 : i32
      %dma_start3A_243 = tpu.memref_slice %arg5[%add3A_239, %dma_start3A_242] : memref<36864x768xf32, #tpu.memory_space<hbm>> -> memref<32x768xf32, #tpu.memory_space<hbm>>
      tpu.enqueue_dma source(%arg9 : memref<32x768xf32, #tpu.memory_space<vmem>>) target(%dma_start3A_243 : memref<32x768xf32, #tpu.memory_space<hbm>>) target_semaphore(%arg26 : memref<!tpu.dma_semaphore, #tpu.memory_space<semaphore_mem>>)
    }
    %scan3A_7 = arith.constant 9 : i32
    %dma_wait3A = arith.constant 0 : i32
    %dma_wait3A_8 = tpu.memref_slice %arg5[%mul3A_2, %dma_wait3A] : memref<36864x768xf32, #tpu.memory_space<hbm>> -> memref<32x768xf32, #tpu.memory_space<hbm>>
    %dma_wait3A_9 = arith.constant 0 : i32
    %dma_wait3A_10 = tpu.memref_slice %arg5[%mul3A_2, %dma_wait3A_9] : memref<36864x768xf32, #tpu.memory_space<hbm>> -> memref<32x768xf32, #tpu.memory_space<hbm>>
    tpu.wait_dma2 semaphore(%arg23 : memref<!tpu.dma_semaphore, #tpu.memory_space<semaphore_mem>>) src(%arg6 : memref<32x768xf32, #tpu.memory_space<vmem>>) dst(%dma_wait3A_10 : memref<32x768xf32, #tpu.memory_space<hbm>>)
    %dma_wait3A_11 = arith.constant 0 : i32
    %dma_wait3A_12 = tpu.memref_slice %arg5[%mul3A_2, %dma_wait3A_11] : memref<36864x768xf32, #tpu.memory_space<hbm>> -> memref<32x768xf32, #tpu.memory_space<hbm>>
    %dma_wait3A_13 = arith.constant 0 : i32
    %dma_wait3A_14 = tpu.memref_slice %arg5[%mul3A_2, %dma_wait3A_13] : memref<36864x768xf32, #tpu.memory_space<hbm>> -> memref<32x768xf32, #tpu.memory_space<hbm>>
    tpu.wait_dma2 semaphore(%arg24 : memref<!tpu.dma_semaphore, #tpu.memory_space<semaphore_mem>>) src(%arg7 : memref<32x768xf32, #tpu.memory_space<vmem>>) dst(%dma_wait3A_14 : memref<32x768xf32, #tpu.memory_space<hbm>>)
    %dma_wait3A_15 = arith.constant 0 : i32
    %dma_wait3A_16 = tpu.memref_slice %arg5[%mul3A_2, %dma_wait3A_15] : memref<36864x768xf32, #tpu.memory_space<hbm>> -> memref<32x768xf32, #tpu.memory_space<hbm>>
    %dma_wait3A_17 = arith.constant 0 : i32
    %dma_wait3A_18 = tpu.memref_slice %arg5[%mul3A_2, %dma_wait3A_17] : memref<36864x768xf32, #tpu.memory_space<hbm>> -> memref<32x768xf32, #tpu.memory_space<hbm>>
    tpu.wait_dma2 semaphore(%arg25 : memref<!tpu.dma_semaphore, #tpu.memory_space<semaphore_mem>>) src(%arg8 : memref<32x768xf32, #tpu.memory_space<vmem>>) dst(%dma_wait3A_18 : memref<32x768xf32, #tpu.memory_space<hbm>>)
    %dma_wait3A_19 = arith.constant 0 : i32
    %dma_wait3A_20 = tpu.memref_slice %arg5[%mul3A_2, %dma_wait3A_19] : memref<36864x768xf32, #tpu.memory_space<hbm>> -> memref<32x768xf32, #tpu.memory_space<hbm>>
    %dma_wait3A_21 = arith.constant 0 : i32
    %dma_wait3A_22 = tpu.memref_slice %arg5[%mul3A_2, %dma_wait3A_21] : memref<36864x768xf32, #tpu.memory_space<hbm>> -> memref<32x768xf32, #tpu.memory_space<hbm>>
    tpu.wait_dma2 semaphore(%arg26 : memref<!tpu.dma_semaphore, #tpu.memory_space<semaphore_mem>>) src(%arg9 : memref<32x768xf32, #tpu.memory_space<vmem>>) dst(%dma_wait3A_22 : memref<32x768xf32, #tpu.memory_space<hbm>>)
    return
  }
}

</mosaic_0001>

<sc_bundles>
// kernel: kernel.3.cloned.1.call-start
scs
__scs_entry_jumppad:
0x0: {  	(pc) =	sbr.rel $0x88, $3  }
0x1: {  	(tag) =	ssettag $0x0;
	lr =	simm.s32 $0x1  }
0x2: {  	[smem:$0x3F9E] =	sst lr;
	_ =	strace $0xD0000000  }
0x3: {  	_ = 	snop  }
0x4: {  	_ = 	snop  }
0x5: {  	_ = 	snop  }
0x6: {  	_ = 	snop  }
0x7: {  	_ = 	snop  }
__scs_overlays_trampoline_lowered:
0x8: {  	[smem:$0x3FAD] =	sst s0  }
0x9: {  	[smem:$0x3FAE] =	sst s1  }
0xa: {  	[smem:$0x3FAF] =	sst s2  }
0xb: {  	[smem:$0x3FB0] =	sst s3  }
0xc: {  	[smem:$0x3FB1] =	sst s4  }
0xd: {  	[smem:$0x3FB2] =	sst s5  }
0xe: {  	[smem:$0x3FB3] =	sst s6  }
0xf: {  	[smem:$0x3FB4] =	sst s7  }
0x10: {  	[smem:$0x3FB5] =	sst s8  }
0x11: {  	[smem:$0x3FB6] =	sst s9;
	s0 =	simm.s32 @!p0 $0x0  }
0x12: {  	s1 =	sld [smem:$0x3F9C];
	s0 =	simm.s32 @p0 $0x1  }
0x13: {  	[smem:$0x3FB7] =	sst s0;
	s0 =	simm.s32 @!p1 $0x0  }
0x14: {  	s2 =	sld [smem:$0x3F9B];
	s0 =	simm.s32 @p1 $0x1  }
0x15: {  	[smem:$0x3FB8] =	sst s0;
	s0 =	simm.s32 @!p2 $0x0  }
0x16: {  	s3 =	sld [smem:$0x3FDB];
	s0 =	simm.s32 @p2 $0x1  }
0x17: {  	s4 =	simm.s32 $0x1BF5;
	[smem:$0x3FBA] =	sst s0  }
0x18: {  	s0 =	sld [smem:$0x3F9D];
	_ =	swait.ge [sflag:s4], $0x0  }
0x19: {  	s7 =	sld [smem:$0x3F9E]  }
0x1a: {  	s8 =	sadd.s32 $0xFFFFE003, lr  }
0x1b: {  	s9 =	sadd.s32 $0xFFFFFEF7, lr;
	s5 =	simm.s32 $0xFFFFFFFF;
	p2 =	slt.u32 s8, $0xFFFFF086  }
0x1c: {  	p1 =	slt.u32 s9, $0xF7A;
	s5 =	simm.s32 @!p2 $0x0  }
0x1d: {  	s5 =	simm.s32 @p1 $0x1;
	p0 =	seq.s32 s7, s2  }
0x1e: {  	s7 =	smul.u32 @!p0 $0xF7A, s2;
	p2 =	seq.s32 @!p0 s5, $0x0  }
0x1f: {  	s9 =	smul.u32 $0xF7A, s1;
	s8 =	simm.s32 @!p0 $0x1BF5;
	p2 =	por !p2, p0  }
0x20: {  	[sflag:s8] =	ssyncset.s32 @!p0 $0xFFFFF086;
	s6 =	sadd.s32 @!p0 s3, s7;
	s7 =	simm.s32 @!p0 $0x108  }
0x21: {  	s3 =	sadd.s32 s3, s9;
	s6 =	sadd.s32 @!p0 $0x88, s6;
	s7 =	simm.s32 @p2 $0x1082  }
0x22: {  	[simem:s7], [sflag:s8] =	dma.local @!p0 [hbm:s6], $0xF7A  }
0x23: {  	s9 =	sor.u32 $0xD0000000, s2;
	s6 =	simm.s32 $0x108;
	_ =	swait.ge @!p0 [sflag:s8], $0x0  }
0x24: {  	s3 =	sadd.s32 $0x88, s3;
	s6 =	simm.s32 @!p1 $0x1082;
	[sflag:s4] =	ssyncset.s32 $0xFFFFF086  }
0x25: {  	[simem:s6], [sflag:s4] =	dma.local [hbm:s3], $0xF7A  }
0x26: {  	[smem:$0x3F9E] =	sst s1;
	(tag) =	ssettag s2;
	_ =	strace s9  }
0x27: {  	s1 =	sld [smem:$0x3FAE]  }
0x28: {  	s2 =	sld [smem:$0x3FAF]  }
0x29: {  	s4 =	sld [smem:$0x3FB1]  }
0x2a: {  	p0 =	seq.s32 s5, $0x0;
	s5 =	sld [smem:$0x3FB2]  }
0x2b: {  	s6 =	sld [smem:$0x3FB3]  }
0x2c: {  	s7 =	sld [smem:$0x3FB4]  }
0x2d: {  	s3 =	simm.s32 $0x108;
	s8 =	sld [smem:$0x3FB5]  }
0x2e: {  	s3 =	simm.s32 @!p0 $0x1082;
	s9 =	sld [smem:$0x3FB6]  }
0x2f: {  	lr =	sadd.s32 s0, s3;
	s0 =	sld [smem:$0x3FAD]  }
0x30: {  	s3 =	sld [smem:$0x3FB0]  }
0x31: {  	[smem:$0x3FB9] =	sst s10  }
0x32: {  	s10 =	sld [smem:$0x3FB7];
	_ =	sdelay $0x3  }
0x33: {  	p0 =	seq.s32 s10, $0x1;
	s10 =	sld [smem:$0x3FB9];
	_ =	sdelay $0x3  }
0x34: {  	[smem:$0x3FB9] =	sst s10  }
0x35: {  	s10 =	sld [smem:$0x3FB8];
	_ =	sdelay $0x3  }
0x36: {  	p1 =	seq.s32 s10, $0x1;
	s10 =	sld [smem:$0x3FB9];
	_ =	sdelay $0x3  }
0x37: {  	[smem:$0x3FB9] =	sst s10  }
0x38: {  	s10 =	sld [smem:$0x3FBA]  }
0x39: {  	_ = 	snop;
	(pc) =	sbr.ind lr, $3  }
0x3a: {  	_ = 	snop  }
0x3b: {  	_ = 	snop  }
0x3c: {  	p2 =	seq.s32 s10, $0x1;
	s10 =	sld [smem:$0x3FB9]  }
0x3d: {  	_ =	shalt  }
0x3e: {  	_ =	shalt  }
0x3f: {  	_ =	shalt  }
0x40: {  	_ =	shalt  }
0x41: {  	_ =	shalt  }
0x42: {  	_ =	shalt  }
0x43: {  	_ =	shalt  }
0x44: {  	_ =	shalt  }
0x45: {  	_ =	shalt  }
0x46: {  	_ =	shalt  }
0x47: {  	_ =	shalt  }
0x48: {  	_ =	shalt  }
0x49: {  	_ =	shalt  }
0x4a: {  	_ =	shalt  }
0x4b: {  	_ =	shalt  }
0x4c: {  	_ =	shalt  }
0x4d: {  	_ =	shalt  }
0x4e: {  	_ =	shalt  }
0x4f: {  	_ =	shalt  }
0x50: {  	_ =	shalt  }
0x51: {  	_ =	shalt  }
0x52: {  	_ =	shalt  }
0x53: {  	_ =	shalt  }
0x54: {  	_ =	shalt  }
0x55: {  	_ =	shalt  }
0x56: {  	_ =	shalt  }
0x57: {  	_ =	shalt  }
0x58: {  	_ =	shalt  }
0x59: {  	_ =	shalt  }
0x5a: {  	_ =	shalt  }
0x5b: {  	_ =	shalt  }
0x5c: {  	_ =	shalt  }
0x5d: {  	_ =	shalt  }
0x5e: {  	_ =	shalt  }
0x5f: {  	_ =	shalt  }
0x60: {  	_ =	shalt  }
0x61: {  	_ =	shalt  }
0x62: {  	_ =	shalt  }
0x63: {  	_ =	shalt  }
0x64: {  	_ =	shalt  }
0x65: {  	_ =	shalt  }
0x66: {  	_ =	shalt  }
0x67: {  	_ =	shalt  }
0x68: {  	_ =	shalt  }
0x69: {  	_ =	shalt  }
0x6a: {  	_ =	shalt  }
0x6b: {  	_ =	shalt  }
0x6c: {  	_ =	shalt  }
0x6d: {  	_ =	shalt  }
0x6e: {  	_ =	shalt  }
0x6f: {  	_ =	shalt  }
0x70: {  	_ =	shalt  }
0x71: {  	_ =	shalt  }
0x72: {  	_ =	shalt  }
0x73: {  	_ =	shalt  }
0x74: {  	_ =	shalt  }
0x75: {  	_ =	shalt  }
0x76: {  	_ =	shalt  }
0x77: {  	_ =	shalt  }
0x78: {  	_ =	shalt  }
0x79: {  	_ =	shalt  }
0x7a: {  	_ =	shalt  }
0x7b: {  	_ =	shalt  }
0x7c: {  	_ =	shalt  }
0x7d: {  	_ =	shalt  }
0x7e: {  	_ =	shalt  }
0x7f: {  	_ =	shalt  }
0x80: {  	_ =	shalt  }
0x81: {  	_ =	shalt  }
0x82: {  	_ =	shalt  }
0x83: {  	_ =	shalt  }
0x84: {  	_ =	shalt  }
0x85: {  	_ =	shalt  }
0x86: {  	_ =	shalt  }
0x87: {  	_ =	shalt  }
.Lfunc_end0:
.L_simem_size_0:
called_computation_lowered:
.L_overlay_start_0:
0x88: {  	s2 =	sld [smem:$0x3FD9]  }
0x89: {  	s3 =	sld [smem:$0x3FFE];
	_ =	sdelay $0x1  }
0x8a: {  	s1 =	srdreg.scid  }
0x8b: {  	s0 =	sand.u32 $0x1, s1  }
0x8c: {  	s14 =	sshll.u32 s0, $0xA;
	s2 =	sadd.s32 s3, s2  }
0x8d: {  	s2 =	sadd.s32 s2, s14  }
0x8e: {  	[smem:$0x3FC5] =	sst s2  }
0x8f: {  	_ = 	snop  }
0x90: {  	s2 =	sld [smem:$0x3FD0];
	_ =	sdelay $0x2  }
0x91: {  	s4 =	simm.s32 $0xA;
	s5 =	simm.s32 $0x10;
	s15 =	sld [smem:$0x3FC9]  }
0x92: {  	[smem:s5], [sflag:s4] =	dma.local [hbm:s2], $0x1  }
0x93: {  	_ =	swait.eq [sflag:s4], $0x1  }
0x94: {  	[sflag:s4] =	ssyncset.done $0x0  }
0x95: {  	s16 =	sld [smem:$0x10];
	[sflag:s4] =	ssyncadd.s32 $0xFFFFFFFF  }
0x96: {  	s17 =	sld [smem:$0x11];
	(tm) =	ssettm $0x1  }
0x97: {  	s18 =	sld [smem:$0x3FFB];
	_ =	sdelay $0x3  }
0x98: {  	_ =	strace s18  }
0x99: {  	s5 =	sld [smem:$0x3FFC];
	_ =	sdelay $0x3  }
0x9a: {  	_ =	strace s5  }
0x9b: {  	s5 =	sld [smem:$0x3FFD];
	_ =	sdelay $0x3  }
0x9c: {  	_ =	strace s5  }
0x9d: {  	_ =	strace $0x8FFFFFFF  }
0x9e: {  	s19 =	sld [smem:$0x3FDB];
	_ =	sdelay $0x1  }
0x9f: {  	s6 =	simm.s32 $_scs_section_size  }
0xa0: {  	s7 =	simm.s32 $_size__tile_overlayer_lowered;
	s8 =	simm.s32 $_tile_overlayer_lowered  }
0xa1: {  	s22 =	simm.s32 $0x1BFF;
	s21 =	sshll.u32 s8, $0x1;
	s5 =	sadd.s32 s6, s19  }
0xa2: {  	s9 =	simm.s32 $0x0;
	s20 =	sshll.u32 s7, $0x1;
	s7 =	sadd.s32 s21, s5  }
0xa3: {  	[timem:s9], [sflag:s22] =	dma.local [hbm:s7], s20  }
0xa4: {  	_ =	swait.ge [sflag:s22], s20  }
0xa5: {  	s6 =	ssub.s32 $0x0, s20;
	[sflag:s22] =	ssyncset.done $0x0  }
0xa6: {  	[sflag:s22] =	ssyncadd.s32 s6;
	_ =	sdelay $0x1  }
0xa7: {  	s23 =	simm.s32 $0x1B8B  }
0xa8: {  	_ =	swait.ge [sflag:s23], $0x1  }
0xa9: {  	[sflag:s23] =	ssyncset.done $0x0  }
0xaa: {  	s25 =	simm.s32 $0x1B8E;
	s24 =	sld [smem:$0x3FFE];
	[sflag:s23] =	ssyncadd.s32 $0xFFFFFFFF  }
0xab: {  	s26 =	simm.s32 $execute0_lowered;
	[smem:$0x3FD2] =	sst s25  }
0xac: {  	s7 =	sshll.u32 s26, $0x1;
	_ =	strace $0x80000046;
	[dreg:$0x1] =	wrdreg $0xFFFFFFFF  }
0xad: {  	s28 =	simm.s32 $_size_execute0_lowered;
	s5 =	sadd.s32 s5, s7;
	[dreg:$0x0] =	wrdreg $0x0  }
0xae: {  	s7 =	sshll.u32 s28, $0x1;
	[dreg:$0x2] =	wrdreg s5  }
0xaf: {  	[dreg:$0x3] =	wrdreg s7  }
0xb0: {  	[dreg:$0x4] =	wrdreg $0xC0  }
0xb1: {  	_ =	task [dreg:s9], $0x5FFFF  }
0xb2: {  	[dreg:$0x1] =	wrdreg $0xFFFFFFFF  }
0xb3: {  	[dreg:$0x0] =	wrdreg $0x60  }
0xb4: {  	[dreg:$0x2] =	wrdreg s15  }
0xb5: {  	[dreg:$0x3] =	wrdreg s17  }
0xb6: {  	[dreg:$0x4] =	wrdreg s24  }
0xb7: {  	[dreg:$0x5] =	wrdreg s16  }
0xb8: {  	[dreg:$0x6] =	wrdreg $0x9  }
0xb9: {  	_ =	task.clear_ibuf [dreg:s9], $0x7FFFF;
	_ =	strace $0x90000046  }
0xba: {  	s29 =	simm.s32 $0x9;
	_ =	strace $0x80000048  }
0xbb: {  	_ =	swait.ge [sflag:s29], $0x1  }
0xbc: {  	[sflag:s29] =	ssyncadd.s32 $0xFFFFFFFF  }
0xbd: {  	_ =	strace $0x90000048  }
0xbe: {  	_ =	sfence  }
0xbf: {  	s30 =	sld [smem:$0x0];
	_ =	sdelay $0x2  }
0xc0: {  	s31 =	sshll.u32 s1, $0xD;
	s1 =	sshrl.u32 s1, $0x2  }
0xc1: {  	s3 =	sand.u32 $0x4000, s31;
	s1 =	sadd.s32 s1, s30  }
0xc2: {  	s0 =	sor.u32 s3, s0;
	s1 =	sshll.u32 s1, $0x11  }
0xc3: {  	s0 =	sor.u32 s1, s0  }
0xc4: {  	s0 =	sadd.s32 $0x8F2B, s0  }
0xc5: {  	[sflag:s0] =	ssyncadd.remote.s32 $0x1  }
0xc6: {  	_ =	sfence.sel $0xFFFF  }
0xc7: {  	[dreg:$0x0] =	wrdreg $0xFFFFFFFF;
	(pc) =	sbr.abs _section_cstart, $3  }
0xc8: {  	[dreg:$0x1] =	wrdreg $0xFFFFFFFF  }
0xc9: {  	_ =	task.clear_ibuf [dreg:s9], $0x2FFFF;
	_ =	strace $0x9FFFFFFF  }
0xca: {  	(tm) =	ssettm $0x7FFFFFFF  }
0xcb: {  	_ =	shalt  }
tec
execute0_lowered:
.L_overlay_start_1:
0x0: {  	(tag) =	ssettag $0x1  }
0x1: {  	s1 =	rddreg [dreg:$0x0]  }
0x2: {  	s2 =	rddreg [dreg:$0x1]  }
0x3: {  	s0 =	rddreg [dreg:$0x2]  }
0x4: {  	s3 =	srdreg.scid;
	s5 =	stileid.u32  }
0x5: {  	s4 =	rddreg [dreg:$0x3];
	s15 =	simm.s32 $0x6000;
	s17 =	simm.s32 $0xC000  }
0x6: {  	s18 =	simm.s32 $0x18100;
	s19 =	simm.s32 $0x12000;
	s20 =	simm.s32 $0x18180  }
0x7: {  	s21 =	simm.s32 $0x1;
	s22 =	simm.s32 $0x5;
	s23 =	simm.s32 $0x2  }
0x8: {  	s24 =	simm.s32 $0x6;
	s25 =	simm.s32 $0x3;
	s26 =	simm.s32 $0x7  }
0x9: {  	s28 =	simm.s32 $0x4;
	s29 =	simm.s32 $0x8;
	s3 =	sand.u32 $0x1, s3  }
0xa: {  	s6 =	sshll.u32 s5, $0x1;
	s5 =	simm.s32 $0x0;
	s0 =	sadd.s32 $0x200, s0  }
.Ltmp0:
0xb: {  	s6 =	sor.u32 s3, s6;
	s3 =	ssub.s32 $0x2, s3;
	(pc) =	sbr.rel .LBB2_1-.Ltmp0, $4  }
0xc: {  	[smem:$0x7FF] =	sst s5;
	s6 =	smul.u32 $0x480, s6;
	s31 =	sshrl.u32 s3, $0x1  }
0xd: {  	_ =	strace $0x80000047;
	[dreg:$0x5] =	wrdreg s0;
	s0 =	ssub.s32 s3, s31  }
0xe: {  	s7 =	simm.s32 $0x0;
	s8 =	sor.u32 $0x20, s6;
	s0 =	smax.u32 s0, $0x1  }
0xf: {  	s9 =	sor.u32 $0x40, s6;
	s10 =	sor.u32 $0x60, s6;
	[dreg:$0x6] =	wrdreg s0  }
.LBB2_19:
0x10: {  	s0 =	simm.s32 $0x9  }
0x11: {  	_ =	swait.ge [sflag:s0], $0x6000  }
0x12: {  	[sflag:s0] =	ssyncset.done $0x0  }
0x13: {  	s16 =	simm.s32 $0xA;
	[sflag:s0] =	ssyncadd.s32 $0xFFFFA000  }
0x14: {  	_ =	swait.ge [sflag:s16], $0x6000  }
0x15: {  	[sflag:s16] =	ssyncset.done $0x0  }
0x16: {  	s30 =	simm.s32 $0xB;
	[sflag:s16] =	ssyncadd.s32 $0xFFFFA000  }
0x17: {  	_ =	swait.ge [sflag:s30], $0x6000  }
0x18: {  	[sflag:s30] =	ssyncset.done $0x0  }
0x19: {  	s3 =	simm.s32 $0xC;
	[sflag:s30] =	ssyncadd.s32 $0xFFFFA000  }
0x1a: {  	_ =	swait.ge [sflag:s3], $0x6000  }
0x1b: {  	s7 =	rddreg [dreg:$0x7]  }
0x1c: {  	s31 =	rddreg [dreg:$0x6];
	s7 =	sadd.s32 $0x1, s7  }
0x1d: {  	p0 =	sne.s32 s7, s31  }
.Ltmp1:
0x1e: {  	_ = 	snop;
	(pc) =	sbr.rel @!p0 .LBB2_20-.Ltmp1, $3  }
0x1f: {  	_ =	sdelay $0x1  }
0x20: {  	[sflag:s3] =	ssyncset.done $0x0  }
0x21: {  	[sflag:s3] =	ssyncadd.s32 $0xFFFFA000  }
.LBB2_1:
0x22: {  	[dreg:$0x7] =	wrdreg s7  }
0x23: {  	s0 =	rddreg [dreg:$0x5]  }
.Ltmp2:
0x24: {  	s3 =	simm.s32 $0x18200;
	s31 =	simm.s32 $0xD;
	(pc) =	sbr.rel .LBB2_2-.Ltmp2, $4  }
0x25: {  	[tilespmem:s3], [sflag:$0xD] =	stream.linear.gather [hbm4b:s0+s5], $0x300, $0x38;
	[tilespmem:$0x18500] =	vst v63  }
0x26: {  	_ =	swait.ge [sflag:s31], $0x300  }
0x27: {  	[sflag:s31] =	ssyncset.done $0x0  }
0x28: {  	s7 =	simm.s32 $0x0;
	[sflag:s31] =	ssyncadd.s32 $0xFFFFFD00  }
.LBB2_18:
0x29: {  	s7 =	sadd.s32 $0x1, s7  }
0x2a: {  	p0 =	sne.s32 s7, $0x9  }
.Ltmp3:
0x2b: {  	_ = 	snop;
	(pc) =	sbr.rel @!p0 .LBB2_19-.Ltmp3, $3  }
0x2c: {  	_ =	sdelay $0x1  }
0x2d: {  	s0 =	sadd.s32 s4, s11  }
0x2e: {  	[hbm4b:s0+s5] =	stream.linear.scatter [tilespmem:s19], [sflag:$0xC], $0x6000, $0x38;
	[tilespmem:$0x18500] =	vst v63  }
.LBB2_2:
0x2f: {  	s0 =	sshll.u32 s7, $0x7  }
0x30: {  	p0 =	seq.s32 s7, $0x0;
	s3 =	sadd.s32 s6, s0  }
0x31: {  	s11 =	simm.s32 @!p0 $0x9;
	s3 =	sshrl.u32 s3, $0x3  }
0x32: {  	_ =	swait.ge @!p0 [sflag:s11], $0x6000;
	s31 =	smul.u32 $0x300, s3  }
0x33: {  	[sflag:s11] =	ssyncset.done @!p0 $0x0  }
0x34: {  	[sflag:s11] =	ssyncadd.s32 @!p0 $0xFFFFA000;
	s13 =	sadd.s32 s1, s31  }
0x35: {  	[tilespmem:s5], [sflag:$0x1] =	stream.linear.gather [hbm4b:s13+s5], $0x6000, $0x38;
	[tilespmem:$0x18500] =	vst v63  }
0x36: {  	s14 =	simm.s32 $0x18000;
	s16 =	sadd.s32 s0, s8;
	s3 =	sadd.s32 s2, s3  }
0x37: {  	[tilespmem:s14], [sflag:$0x5] =	stream.linear.gather [hbm4b:s3+s5], $0x20, $0x38;
	[tilespmem:$0x18500] =	vst v63  }
0x38: {  	s11 =	simm.s32 @!p0 $0xA;
	s3 =	sshrl.u32 s16, $0x3  }
0x39: {  	_ =	swait.ge @!p0 [sflag:s11], $0x6000;
	s30 =	smul.u32 $0x300, s3  }
0x3a: {  	[sflag:s11] =	ssyncset.done @!p0 $0x0  }
0x3b: {  	[sflag:s11] =	ssyncadd.s32 @!p0 $0xFFFFA000;
	s12 =	sadd.s32 s1, s30  }
0x3c: {  	[tilespmem:s15], [sflag:$0x2] =	stream.linear.gather [hbm4b:s12+s5], $0x6000, $0x38;
	[tilespmem:$0x18500] =	vst v63  }
0x3d: {  	s13 =	simm.s32 $0x18080;
	s14 =	sadd.s32 s0, s9;
	s3 =	sadd.s32 s2, s3  }
0x3e: {  	[tilespmem:s13], [sflag:$0x6] =	stream.linear.gather [hbm4b:s3+s5], $0x20, $0x38;
	[tilespmem:$0x18500] =	vst v63  }
0x3f: {  	s11 =	simm.s32 @!p0 $0xB;
	s3 =	sshrl.u32 s14, $0x3  }
0x40: {  	_ =	swait.ge @!p0 [sflag:s11], $0x6000;
	s13 =	smul.u32 $0x300, s3  }
0x41: {  	[sflag:s11] =	ssyncset.done @!p0 $0x0  }
0x42: {  	[sflag:s11] =	ssyncadd.s32 @!p0 $0xFFFFA000;
	s16 =	sadd.s32 s1, s13  }
0x43: {  	[tilespmem:s17], [sflag:$0x3] =	stream.linear.gather [hbm4b:s16+s5], $0x6000, $0x38;
	[tilespmem:$0x18500] =	vst v63  }
0x44: {  	s0 =	sadd.s32 s0, s10;
	s3 =	sadd.s32 s2, s3  }
0x45: {  	[tilespmem:s18], [sflag:$0x7] =	stream.linear.gather [hbm4b:s3+s5], $0x20, $0x38;
	[tilespmem:$0x18500] =	vst v63  }
0x46: {  	s0 =	sshrl.u32 s0, $0x3;
	s3 =	simm.s32 @!p0 $0xC  }
0x47: {  	s11 =	smul.u32 $0x300, s0;
	_ =	swait.ge @!p0 [sflag:s3], $0x6000  }
0x48: {  	[sflag:s3] =	ssyncset.done @!p0 $0x0  }
0x49: {  	s12 =	sadd.s32 s1, s11;
	[sflag:s3] =	ssyncadd.s32 @!p0 $0xFFFFA000;
	s3 =	simm.s32 $0x0  }
0x4a: {  	[tilespmem:s19], [sflag:$0x4] =	stream.linear.gather [hbm4b:s12+s3], $0x6000, $0x38;
	[tilespmem:$0x18500] =	vst v63  }
0x4b: {  	s0 =	sadd.s32 s2, s0  }
0x4c: {  	[tilespmem:s20], [sflag:$0x8] =	stream.linear.gather [hbm4b:s0+s3], $0x20, $0x38;
	[tilespmem:$0x18500] =	vst v63  }
0x4d: {  	_ =	swait.ge [sflag:s21], $0x6000  }
.Ltmp4:
0x4e: {  	[sflag:s21] =	ssyncset.done $0x0;
	(pc) =	sbr.rel .LBB2_3-.Ltmp4, $4  }
0x4f: {  	[sflag:s21] =	ssyncadd.s32 $0xFFFFA000  }
0x50: {  	_ =	swait.ge [sflag:s22], $0x20  }
0x51: {  	[sflag:s22] =	ssyncset.done $0x0  }
0x52: {  	s12 =	simm.s32 $0x0;
	s0 =	simm.s32 $0x18000;
	[sflag:s22] =	ssyncadd.s32 $0xFFFFFFE0  }
.LBB2_5:
0x53: {  	s12 =	sadd.s32 $0x1, s12  }
0x54: {  	p0 =	sne.s32 s12, $0x20  }
.Ltmp5:
0x55: {  	_ = 	snop;
	(pc) =	sbr.rel @!p0 .LBB2_6-.Ltmp5, $2  }
0x56: {  	_ =	sdelay $0x2  }
0x57: {  	s3 =	sadd.s32 $0x80, s3;
	s0 =	sadd.s32 $0x1, s0  }
.LBB2_3:
0x58: {  	v0 =	vld [tilespmem:s0+$0x0];
	_ =	sdelay $0x4  }
0x59: {  	(v2sf) =	vpush v0, $0x0;
	_ =	sdelay $0xe  }
0x5a: {  	s14 =	spop (v2sf)  }
0x5b: {  	p0 =	seq.s32 s14, $0x0  }
.Ltmp6:
0x5c: {  	_ = 	snop;
	(pc) =	sbr.rel @p0 .LBB2_5-.Ltmp6, $1  }
0x5d: {  	_ =	sdelay $0x3  }
0x5e: {  	v0 =	vld [tilespmem:$0x18200];
	s14 =	sshrl.u32 s12, $0x3  }
0x5f: {  	s14 =	smul.u32 $0x6000, s14;
	_ =	sdelay $0x1  }
0x60: {  	s16 =	sand.u32 $0x380, s3;
	s14 =	sshra.s32 s14, $0x2  }
0x61: {  	s14 =	sor.u32 s16, s14  }
0x62: {  	[tilespmem:s14+$0x0] =	vst v0  }
0x63: {  	v0 =	vld [tilespmem:$0x18210];
	_ =	sdelay $0x4  }
0x64: {  	[tilespmem:s14+$0x10] =	vst v0  }
0x65: {  	v0 =	vld [tilespmem:$0x18220];
	_ =	sdelay $0x4  }
0x66: {  	[tilespmem:s14+$0x20] =	vst v0  }
0x67: {  	v0 =	vld [tilespmem:$0x18230];
	_ =	sdelay $0x4  }
0x68: {  	[tilespmem:s14+$0x30] =	vst v0  }
0x69: {  	v0 =	vld [tilespmem:$0x18240];
	_ =	sdelay $0x4  }
0x6a: {  	[tilespmem:s14+$0x40] =	vst v0  }
0x6b: {  	v0 =	vld [tilespmem:$0x18250];
	_ =	sdelay $0x4  }
0x6c: {  	[tilespmem:s14+$0x50] =	vst v0  }
0x6d: {  	v0 =	vld [tilespmem:$0x18260];
	_ =	sdelay $0x4  }
0x6e: {  	[tilespmem:s14+$0x60] =	vst v0  }
0x6f: {  	v0 =	vld [tilespmem:$0x18270];
	_ =	sdelay $0x4  }
0x70: {  	[tilespmem:s14+$0x70] =	vst v0  }
0x71: {  	v0 =	vld [tilespmem:$0x18280];
	_ =	sdelay $0x4  }
0x72: {  	[tilespmem:s14+$0x400] =	vst v0  }
0x73: {  	v0 =	vld [tilespmem:$0x18290];
	_ =	sdelay $0x4  }
0x74: {  	[tilespmem:s14+$0x410] =	vst v0  }
0x75: {  	v0 =	vld [tilespmem:$0x182A0];
	_ =	sdelay $0x4  }
0x76: {  	[tilespmem:s14+$0x420] =	vst v0  }
0x77: {  	v0 =	vld [tilespmem:$0x182B0];
	_ =	sdelay $0x4  }
0x78: {  	[tilespmem:s14+$0x430] =	vst v0  }
0x79: {  	v0 =	vld [tilespmem:$0x182C0];
	_ =	sdelay $0x4  }
0x7a: {  	[tilespmem:s14+$0x440] =	vst v0  }
0x7b: {  	v0 =	vld [tilespmem:$0x182D0];
	_ =	sdelay $0x4  }
0x7c: {  	[tilespmem:s14+$0x450] =	vst v0  }
0x7d: {  	v0 =	vld [tilespmem:$0x182E0];
	_ =	sdelay $0x4  }
0x7e: {  	[tilespmem:s14+$0x460] =	vst v0  }
0x7f: {  	v0 =	vld [tilespmem:$0x182F0];
	_ =	sdelay $0x4  }
0x80: {  	[tilespmem:s14+$0x470] =	vst v0  }
0x81: {  	v0 =	vld [tilespmem:$0x18300];
	_ =	sdelay $0x4  }
0x82: {  	[tilespmem:s14+$0x800] =	vst v0  }
0x83: {  	v0 =	vld [tilespmem:$0x18310];
	_ =	sdelay $0x4  }
0x84: {  	[tilespmem:s14+$0x810] =	vst v0  }
0x85: {  	v0 =	vld [tilespmem:$0x18320];
	_ =	sdelay $0x4  }
0x86: {  	[tilespmem:s14+$0x820] =	vst v0  }
0x87: {  	v0 =	vld [tilespmem:$0x18330];
	_ =	sdelay $0x4  }
0x88: {  	[tilespmem:s14+$0x830] =	vst v0  }
0x89: {  	v0 =	vld [tilespmem:$0x18340];
	_ =	sdelay $0x4  }
0x8a: {  	[tilespmem:s14+$0x840] =	vst v0  }
0x8b: {  	v0 =	vld [tilespmem:$0x18350];
	_ =	sdelay $0x4  }
0x8c: {  	[tilespmem:s14+$0x850] =	vst v0  }
0x8d: {  	v0 =	vld [tilespmem:$0x18360];
	_ =	sdelay $0x4  }
0x8e: {  	[tilespmem:s14+$0x860] =	vst v0  }
0x8f: {  	v0 =	vld [tilespmem:$0x18370];
	_ =	sdelay $0x4  }
0x90: {  	[tilespmem:s14+$0x870] =	vst v0  }
0x91: {  	v0 =	vld [tilespmem:$0x18380];
	_ =	sdelay $0x4  }
0x92: {  	[tilespmem:s14+$0xC00] =	vst v0  }
0x93: {  	v0 =	vld [tilespmem:$0x18390];
	_ =	sdelay $0x4  }
0x94: {  	[tilespmem:s14+$0xC10] =	vst v0  }
0x95: {  	v0 =	vld [tilespmem:$0x183A0];
	_ =	sdelay $0x4  }
0x96: {  	[tilespmem:s14+$0xC20] =	vst v0  }
0x97: {  	v0 =	vld [tilespmem:$0x183B0];
	_ =	sdelay $0x4  }
0x98: {  	[tilespmem:s14+$0xC30] =	vst v0  }
0x99: {  	v0 =	vld [tilespmem:$0x183C0];
	_ =	sdelay $0x4  }
0x9a: {  	[tilespmem:s14+$0xC40] =	vst v0  }
0x9b: {  	v0 =	vld [tilespmem:$0x183D0];
	_ =	sdelay $0x4  }
0x9c: {  	[tilespmem:s14+$0xC50] =	vst v0  }
0x9d: {  	v0 =	vld [tilespmem:$0x183E0];
	_ =	sdelay $0x4  }
0x9e: {  	[tilespmem:s14+$0xC60] =	vst v0  }
0x9f: {  	v0 =	vld [tilespmem:$0x183F0];
	_ =	sdelay $0x4  }
0xa0: {  	[tilespmem:s14+$0xC70] =	vst v0  }
0xa1: {  	v0 =	vld [tilespmem:$0x18400];
	_ =	sdelay $0x4  }
0xa2: {  	[tilespmem:s14+$0x1000] =	vst v0  }
0xa3: {  	v0 =	vld [tilespmem:$0x18410];
	_ =	sdelay $0x4  }
0xa4: {  	[tilespmem:s14+$0x1010] =	vst v0  }
0xa5: {  	v0 =	vld [tilespmem:$0x18420];
	_ =	sdelay $0x4  }
0xa6: {  	[tilespmem:s14+$0x1020] =	vst v0  }
0xa7: {  	v0 =	vld [tilespmem:$0x18430];
	_ =	sdelay $0x4  }
0xa8: {  	[tilespmem:s14+$0x1030] =	vst v0  }
0xa9: {  	v0 =	vld [tilespmem:$0x18440];
	_ =	sdelay $0x4  }
0xaa: {  	[tilespmem:s14+$0x1040] =	vst v0  }
0xab: {  	v0 =	vld [tilespmem:$0x18450];
	_ =	sdelay $0x4  }
0xac: {  	[tilespmem:s14+$0x1050] =	vst v0  }
0xad: {  	v0 =	vld [tilespmem:$0x18460];
	_ =	sdelay $0x4  }
0xae: {  	[tilespmem:s14+$0x1060] =	vst v0  }
0xaf: {  	v0 =	vld [tilespmem:$0x18470];
	_ =	sdelay $0x4  }
0xb0: {  	[tilespmem:s14+$0x1070] =	vst v0  }
0xb1: {  	v0 =	vld [tilespmem:$0x18480];
	_ =	sdelay $0x4  }
0xb2: {  	[tilespmem:s14+$0x1400] =	vst v0  }
0xb3: {  	v0 =	vld [tilespmem:$0x18490];
	_ =	sdelay $0x4  }
0xb4: {  	[tilespmem:s14+$0x1410] =	vst v0  }
0xb5: {  	v0 =	vld [tilespmem:$0x184A0];
	_ =	sdelay $0x4  }
0xb6: {  	[tilespmem:s14+$0x1420] =	vst v0  }
0xb7: {  	v0 =	vld [tilespmem:$0x184B0];
	_ =	sdelay $0x4  }
0xb8: {  	[tilespmem:s14+$0x1430] =	vst v0  }
0xb9: {  	v0 =	vld [tilespmem:$0x184C0];
	_ =	sdelay $0x4  }
0xba: {  	[tilespmem:s14+$0x1440] =	vst v0  }
0xbb: {  	v0 =	vld [tilespmem:$0x184D0];
	_ =	sdelay $0x4  }
0xbc: {  	[tilespmem:s14+$0x1450] =	vst v0  }
0xbd: {  	v0 =	vld [tilespmem:$0x184E0];
	_ =	sdelay $0x4  }
0xbe: {  	[tilespmem:s14+$0x1460] =	vst v0  }
0xbf: {  	v0 =	vld [tilespmem:$0x184F0]  }
.Ltmp7:
0xc0: {  	_ = 	snop;
	(pc) =	sbr.rel .LBB2_5-.Ltmp7, $2  }
0xc1: {  	_ =	sdelay $0x2  }
0xc2: {  	[tilespmem:s14+$0x1470] =	vst v0  }
.LBB2_6:
0xc3: {  	s0 =	sadd.s32 s4, s31;
	s3 =	simm.s32 $0x0  }
0xc4: {  	[hbm4b:s0+s3] =	stream.linear.scatter [tilespmem:s3], [sflag:$0x9], $0x6000, $0x38;
	[tilespmem:$0x18500] =	vst v63  }
0xc5: {  	_ =	swait.ge [sflag:s23], $0x6000  }
.Ltmp8:
0xc6: {  	[sflag:s23] =	ssyncset.done $0x0;
	(pc) =	sbr.rel .LBB2_7-.Ltmp8, $4  }
0xc7: {  	[sflag:s23] =	ssyncadd.s32 $0xFFFFA000  }
0xc8: {  	_ =	swait.ge [sflag:s24], $0x20  }
0xc9: {  	[sflag:s24] =	ssyncset.done $0x0  }
0xca: {  	s12 =	simm.s32 $0x0;
	s0 =	simm.s32 $0x18080;
	[sflag:s24] =	ssyncadd.s32 $0xFFFFFFE0  }
.LBB2_9:
0xcb: {  	s12 =	sadd.s32 $0x1, s12  }
0xcc: {  	p0 =	sne.s32 s12, $0x20  }
.Ltmp9:
0xcd: {  	_ = 	snop;
	(pc) =	sbr.rel @!p0 .LBB2_10-.Ltmp9, $2  }
0xce: {  	_ =	sdelay $0x2  }
0xcf: {  	s3 =	sadd.s32 $0x80, s3;
	s0 =	sadd.s32 $0x1, s0  }
.LBB2_7:
0xd0: {  	v0 =	vld [tilespmem:s0+$0x0];
	_ =	sdelay $0x4  }
0xd1: {  	(v2sf) =	vpush v0, $0x0;
	_ =	sdelay $0xe  }
0xd2: {  	s14 =	spop (v2sf)  }
0xd3: {  	p0 =	seq.s32 s14, $0x0  }
.Ltmp10:
0xd4: {  	_ = 	snop;
	(pc) =	sbr.rel @p0 .LBB2_9-.Ltmp10, $1  }
0xd5: {  	_ =	sdelay $0x3  }
0xd6: {  	v0 =	vld [tilespmem:$0x18200];
	s14 =	sshrl.u32 s12, $0x3  }
0xd7: {  	s14 =	smul.u32 $0x6000, s14;
	_ =	sdelay $0x1  }
0xd8: {  	s16 =	sand.u32 $0x380, s3;
	s14 =	sshra.s32 s14, $0x2  }
0xd9: {  	s14 =	sor.u32 s16, s14  }
0xda: {  	[tilespmem:s14+$0x6000] =	vst v0  }
0xdb: {  	v0 =	vld [tilespmem:$0x18210];
	_ =	sdelay $0x4  }
0xdc: {  	[tilespmem:s14+$0x6010] =	vst v0  }
0xdd: {  	v0 =	vld [tilespmem:$0x18220];
	_ =	sdelay $0x4  }
0xde: {  	[tilespmem:s14+$0x6020] =	vst v0  }
0xdf: {  	v0 =	vld [tilespmem:$0x18230];
	_ =	sdelay $0x4  }
0xe0: {  	[tilespmem:s14+$0x6030] =	vst v0  }
0xe1: {  	v0 =	vld [tilespmem:$0x18240];
	_ =	sdelay $0x4  }
0xe2: {  	[tilespmem:s14+$0x6040] =	vst v0  }
0xe3: {  	v0 =	vld [tilespmem:$0x18250];
	_ =	sdelay $0x4  }
0xe4: {  	[tilespmem:s14+$0x6050] =	vst v0  }
0xe5: {  	v0 =	vld [tilespmem:$0x18260];
	_ =	sdelay $0x4  }
0xe6: {  	[tilespmem:s14+$0x6060] =	vst v0  }
0xe7: {  	v0 =	vld [tilespmem:$0x18270];
	_ =	sdelay $0x4  }
0xe8: {  	[tilespmem:s14+$0x6070] =	vst v0  }
0xe9: {  	v0 =	vld [tilespmem:$0x18280];
	_ =	sdelay $0x4  }
0xea: {  	[tilespmem:s14+$0x6400] =	vst v0  }
0xeb: {  	v0 =	vld [tilespmem:$0x18290];
	_ =	sdelay $0x4  }
0xec: {  	[tilespmem:s14+$0x6410] =	vst v0  }
0xed: {  	v0 =	vld [tilespmem:$0x182A0];
	_ =	sdelay $0x4  }
0xee: {  	[tilespmem:s14+$0x6420] =	vst v0  }
0xef: {  	v0 =	vld [tilespmem:$0x182B0];
	_ =	sdelay $0x4  }
0xf0: {  	[tilespmem:s14+$0x6430] =	vst v0  }
0xf1: {  	v0 =	vld [tilespmem:$0x182C0];
	_ =	sdelay $0x4  }
0xf2: {  	[tilespmem:s14+$0x6440] =	vst v0  }
0xf3: {  	v0 =	vld [tilespmem:$0x182D0];
	_ =	sdelay $0x4  }
0xf4: {  	[tilespmem:s14+$0x6450] =	vst v0  }
0xf5: {  	v0 =	vld [tilespmem:$0x182E0];
	_ =	sdelay $0x4  }
0xf6: {  	[tilespmem:s14+$0x6460] =	vst v0  }
0xf7: {  	v0 =	vld [tilespmem:$0x182F0];
	_ =	sdelay $0x4  }
0xf8: {  	[tilespmem:s14+$0x6470] =	vst v0  }
0xf9: {  	v0 =	vld [tilespmem:$0x18300];
	_ =	sdelay $0x4  }
0xfa: {  	[tilespmem:s14+$0x6800] =	vst v0  }
0xfb: {  	v0 =	vld [tilespmem:$0x18310];
	_ =	sdelay $0x4  }
0xfc: {  	[tilespmem:s14+$0x6810] =	vst v0  }
0xfd: {  	v0 =	vld [tilespmem:$0x18320];
	_ =	sdelay $0x4  }
0xfe: {  	[tilespmem:s14+$0x6820] =	vst v0  }
0xff: {  	v0 =	vld [tilespmem:$0x18330];
	_ =	sdelay $0x4  }
0x100: {  	[tilespmem:s14+$0x6830] =	vst v0  }
0x101: {  	v0 =	vld [tilespmem:$0x18340];
	_ =	sdelay $0x4  }
0x102: {  	[tilespmem:s14+$0x6840] =	vst v0  }
0x103: {  	v0 =	vld [tilespmem:$0x18350];
	_ =	sdelay $0x4  }
0x104: {  	[tilespmem:s14+$0x6850] =	vst v0  }
0x105: {  	v0 =	vld [tilespmem:$0x18360];
	_ =	sdelay $0x4  }
0x106: {  	[tilespmem:s14+$0x6860] =	vst v0  }
0x107: {  	v0 =	vld [tilespmem:$0x18370];
	_ =	sdelay $0x4  }
0x108: {  	[tilespmem:s14+$0x6870] =	vst v0  }
0x109: {  	v0 =	vld [tilespmem:$0x18380];
	_ =	sdelay $0x4  }
0x10a: {  	[tilespmem:s14+$0x6C00] =	vst v0  }
0x10b: {  	v0 =	vld [tilespmem:$0x18390];
	_ =	sdelay $0x4  }
0x10c: {  	[tilespmem:s14+$0x6C10] =	vst v0  }
0x10d: {  	v0 =	vld [tilespmem:$0x183A0];
	_ =	sdelay $0x4  }
0x10e: {  	[tilespmem:s14+$0x6C20] =	vst v0  }
0x10f: {  	v0 =	vld [tilespmem:$0x183B0];
	_ =	sdelay $0x4  }
0x110: {  	[tilespmem:s14+$0x6C30] =	vst v0  }
0x111: {  	v0 =	vld [tilespmem:$0x183C0];
	_ =	sdelay $0x4  }
0x112: {  	[tilespmem:s14+$0x6C40] =	vst v0  }
0x113: {  	v0 =	vld [tilespmem:$0x183D0];
	_ =	sdelay $0x4  }
0x114: {  	[tilespmem:s14+$0x6C50] =	vst v0  }
0x115: {  	v0 =	vld [tilespmem:$0x183E0];
	_ =	sdelay $0x4  }
0x116: {  	[tilespmem:s14+$0x6C60] =	vst v0  }
0x117: {  	v0 =	vld [tilespmem:$0x183F0];
	_ =	sdelay $0x4  }
0x118: {  	[tilespmem:s14+$0x6C70] =	vst v0  }
0x119: {  	v0 =	vld [tilespmem:$0x18400];
	_ =	sdelay $0x4  }
0x11a: {  	[tilespmem:s14+$0x7000] =	vst v0  }
0x11b: {  	v0 =	vld [tilespmem:$0x18410];
	_ =	sdelay $0x4  }
0x11c: {  	[tilespmem:s14+$0x7010] =	vst v0  }
0x11d: {  	v0 =	vld [tilespmem:$0x18420];
	_ =	sdelay $0x4  }
0x11e: {  	[tilespmem:s14+$0x7020] =	vst v0  }
0x11f: {  	v0 =	vld [tilespmem:$0x18430];
	_ =	sdelay $0x4  }
0x120: {  	[tilespmem:s14+$0x7030] =	vst v0  }
0x121: {  	v0 =	vld [tilespmem:$0x18440];
	_ =	sdelay $0x4  }
0x122: {  	[tilespmem:s14+$0x7040] =	vst v0  }
0x123: {  	v0 =	vld [tilespmem:$0x18450];
	_ =	sdelay $0x4  }
0x124: {  	[tilespmem:s14+$0x7050] =	vst v0  }
0x125: {  	v0 =	vld [tilespmem:$0x18460];
	_ =	sdelay $0x4  }
0x126: {  	[tilespmem:s14+$0x7060] =	vst v0  }
0x127: {  	v0 =	vld [tilespmem:$0x18470];
	_ =	sdelay $0x4  }
0x128: {  	[tilespmem:s14+$0x7070] =	vst v0  }
0x129: {  	v0 =	vld [tilespmem:$0x18480];
	_ =	sdelay $0x4  }
0x12a: {  	[tilespmem:s14+$0x7400] =	vst v0  }
0x12b: {  	v0 =	vld [tilespmem:$0x18490];
	_ =	sdelay $0x4  }
0x12c: {  	[tilespmem:s14+$0x7410] =	vst v0  }
0x12d: {  	v0 =	vld [tilespmem:$0x184A0];
	_ =	sdelay $0x4  }
0x12e: {  	[tilespmem:s14+$0x7420] =	vst v0  }
0x12f: {  	v0 =	vld [tilespmem:$0x184B0];
	_ =	sdelay $0x4  }
0x130: {  	[tilespmem:s14+$0x7430] =	vst v0  }
0x131: {  	v0 =	vld [tilespmem:$0x184C0];
	_ =	sdelay $0x4  }
0x132: {  	[tilespmem:s14+$0x7440] =	vst v0  }
0x133: {  	v0 =	vld [tilespmem:$0x184D0];
	_ =	sdelay $0x4  }
0x134: {  	[tilespmem:s14+$0x7450] =	vst v0  }
0x135: {  	v0 =	vld [tilespmem:$0x184E0];
	_ =	sdelay $0x4  }
0x136: {  	[tilespmem:s14+$0x7460] =	vst v0  }
0x137: {  	v0 =	vld [tilespmem:$0x184F0]  }
.Ltmp11:
0x138: {  	_ = 	snop;
	(pc) =	sbr.rel .LBB2_9-.Ltmp11, $2  }
0x139: {  	_ =	sdelay $0x2  }
0x13a: {  	[tilespmem:s14+$0x7470] =	vst v0  }
.LBB2_10:
0x13b: {  	s0 =	sadd.s32 s4, s30;
	s3 =	simm.s32 $0x0  }
0x13c: {  	[hbm4b:s0+s3] =	stream.linear.scatter [tilespmem:s15], [sflag:$0xA], $0x6000, $0x38;
	[tilespmem:$0x18500] =	vst v63  }
0x13d: {  	_ =	swait.ge [sflag:s25], $0x6000  }
.Ltmp12:
0x13e: {  	[sflag:s25] =	ssyncset.done $0x0;
	(pc) =	sbr.rel .LBB2_11-.Ltmp12, $4  }
0x13f: {  	[sflag:s25] =	ssyncadd.s32 $0xFFFFA000  }
0x140: {  	_ =	swait.ge [sflag:s26], $0x20  }
0x141: {  	[sflag:s26] =	ssyncset.done $0x0  }
0x142: {  	s12 =	simm.s32 $0x0;
	s0 =	simm.s32 $0x18100;
	[sflag:s26] =	ssyncadd.s32 $0xFFFFFFE0  }
.LBB2_13:
0x143: {  	s12 =	sadd.s32 $0x1, s12  }
0x144: {  	p0 =	sne.s32 s12, $0x20  }
.Ltmp13:
0x145: {  	_ = 	snop;
	(pc) =	sbr.rel @!p0 .LBB2_14-.Ltmp13, $2  }
0x146: {  	_ =	sdelay $0x2  }
0x147: {  	s3 =	sadd.s32 $0x80, s3;
	s0 =	sadd.s32 $0x1, s0  }
.LBB2_11:
0x148: {  	v0 =	vld [tilespmem:s0+$0x0];
	_ =	sdelay $0x4  }
0x149: {  	(v2sf) =	vpush v0, $0x0;
	_ =	sdelay $0xe  }
0x14a: {  	s14 =	spop (v2sf)  }
0x14b: {  	p0 =	seq.s32 s14, $0x0  }
.Ltmp14:
0x14c: {  	_ = 	snop;
	(pc) =	sbr.rel @p0 .LBB2_13-.Ltmp14, $1  }
0x14d: {  	_ =	sdelay $0x3  }
0x14e: {  	v0 =	vld [tilespmem:$0x18200];
	s14 =	sshrl.u32 s12, $0x3  }
0x14f: {  	s14 =	smul.u32 $0x6000, s14;
	_ =	sdelay $0x1  }
0x150: {  	s16 =	sand.u32 $0x380, s3;
	s14 =	sshra.s32 s14, $0x2  }
0x151: {  	s14 =	sor.u32 s16, s14  }
0x152: {  	[tilespmem:s14+$0xC000] =	vst v0  }
0x153: {  	v0 =	vld [tilespmem:$0x18210];
	_ =	sdelay $0x4  }
0x154: {  	[tilespmem:s14+$0xC010] =	vst v0  }
0x155: {  	v0 =	vld [tilespmem:$0x18220];
	_ =	sdelay $0x4  }
0x156: {  	[tilespmem:s14+$0xC020] =	vst v0  }
0x157: {  	v0 =	vld [tilespmem:$0x18230];
	_ =	sdelay $0x4  }
0x158: {  	[tilespmem:s14+$0xC030] =	vst v0  }
0x159: {  	v0 =	vld [tilespmem:$0x18240];
	_ =	sdelay $0x4  }
0x15a: {  	[tilespmem:s14+$0xC040] =	vst v0  }
0x15b: {  	v0 =	vld [tilespmem:$0x18250];
	_ =	sdelay $0x4  }
0x15c: {  	[tilespmem:s14+$0xC050] =	vst v0  }
0x15d: {  	v0 =	vld [tilespmem:$0x18260];
	_ =	sdelay $0x4  }
0x15e: {  	[tilespmem:s14+$0xC060] =	vst v0  }
0x15f: {  	v0 =	vld [tilespmem:$0x18270];
	_ =	sdelay $0x4  }
0x160: {  	[tilespmem:s14+$0xC070] =	vst v0  }
0x161: {  	v0 =	vld [tilespmem:$0x18280];
	_ =	sdelay $0x4  }
0x162: {  	[tilespmem:s14+$0xC400] =	vst v0  }
0x163: {  	v0 =	vld [tilespmem:$0x18290];
	_ =	sdelay $0x4  }
0x164: {  	[tilespmem:s14+$0xC410] =	vst v0  }
0x165: {  	v0 =	vld [tilespmem:$0x182A0];
	_ =	sdelay $0x4  }
0x166: {  	[tilespmem:s14+$0xC420] =	vst v0  }
0x167: {  	v0 =	vld [tilespmem:$0x182B0];
	_ =	sdelay $0x4  }
0x168: {  	[tilespmem:s14+$0xC430] =	vst v0  }
0x169: {  	v0 =	vld [tilespmem:$0x182C0];
	_ =	sdelay $0x4  }
0x16a: {  	[tilespmem:s14+$0xC440] =	vst v0  }
0x16b: {  	v0 =	vld [tilespmem:$0x182D0];
	_ =	sdelay $0x4  }
0x16c: {  	[tilespmem:s14+$0xC450] =	vst v0  }
0x16d: {  	v0 =	vld [tilespmem:$0x182E0];
	_ =	sdelay $0x4  }
0x16e: {  	[tilespmem:s14+$0xC460] =	vst v0  }
0x16f: {  	v0 =	vld [tilespmem:$0x182F0];
	_ =	sdelay $0x4  }
0x170: {  	[tilespmem:s14+$0xC470] =	vst v0  }
0x171: {  	v0 =	vld [tilespmem:$0x18300];
	_ =	sdelay $0x4  }
0x172: {  	[tilespmem:s14+$0xC800] =	vst v0  }
0x173: {  	v0 =	vld [tilespmem:$0x18310];
	_ =	sdelay $0x4  }
0x174: {  	[tilespmem:s14+$0xC810] =	vst v0  }
0x175: {  	v0 =	vld [tilespmem:$0x18320];
	_ =	sdelay $0x4  }
0x176: {  	[tilespmem:s14+$0xC820] =	vst v0  }
0x177: {  	v0 =	vld [tilespmem:$0x18330];
	_ =	sdelay $0x4  }
0x178: {  	[tilespmem:s14+$0xC830] =	vst v0  }
0x179: {  	v0 =	vld [tilespmem:$0x18340];
	_ =	sdelay $0x4  }
0x17a: {  	[tilespmem:s14+$0xC840] =	vst v0  }
0x17b: {  	v0 =	vld [tilespmem:$0x18350];
	_ =	sdelay $0x4  }
0x17c: {  	[tilespmem:s14+$0xC850] =	vst v0  }
0x17d: {  	v0 =	vld [tilespmem:$0x18360];
	_ =	sdelay $0x4  }
0x17e: {  	[tilespmem:s14+$0xC860] =	vst v0  }
0x17f: {  	v0 =	vld [tilespmem:$0x18370];
	_ =	sdelay $0x4  }
0x180: {  	[tilespmem:s14+$0xC870] =	vst v0  }
0x181: {  	v0 =	vld [tilespmem:$0x18380];
	_ =	sdelay $0x4  }
0x182: {  	[tilespmem:s14+$0xCC00] =	vst v0  }
0x183: {  	v0 =	vld [tilespmem:$0x18390];
	_ =	sdelay $0x4  }
0x184: {  	[tilespmem:s14+$0xCC10] =	vst v0  }
0x185: {  	v0 =	vld [tilespmem:$0x183A0];
	_ =	sdelay $0x4  }
0x186: {  	[tilespmem:s14+$0xCC20] =	vst v0  }
0x187: {  	v0 =	vld [tilespmem:$0x183B0];
	_ =	sdelay $0x4  }
0x188: {  	[tilespmem:s14+$0xCC30] =	vst v0  }
0x189: {  	v0 =	vld [tilespmem:$0x183C0];
	_ =	sdelay $0x4  }
0x18a: {  	[tilespmem:s14+$0xCC40] =	vst v0  }
0x18b: {  	v0 =	vld [tilespmem:$0x183D0];
	_ =	sdelay $0x4  }
0x18c: {  	[tilespmem:s14+$0xCC50] =	vst v0  }
0x18d: {  	v0 =	vld [tilespmem:$0x183E0];
	_ =	sdelay $0x4  }
0x18e: {  	[tilespmem:s14+$0xCC60] =	vst v0  }
0x18f: {  	v0 =	vld [tilespmem:$0x183F0];
	_ =	sdelay $0x4  }
0x190: {  	[tilespmem:s14+$0xCC70] =	vst v0  }
0x191: {  	v0 =	vld [tilespmem:$0x18400];
	_ =	sdelay $0x4  }
0x192: {  	[tilespmem:s14+$0xD000] =	vst v0  }
0x193: {  	v0 =	vld [tilespmem:$0x18410];
	_ =	sdelay $0x4  }
0x194: {  	[tilespmem:s14+$0xD010] =	vst v0  }
0x195: {  	v0 =	vld [tilespmem:$0x18420];
	_ =	sdelay $0x4  }
0x196: {  	[tilespmem:s14+$0xD020] =	vst v0  }
0x197: {  	v0 =	vld [tilespmem:$0x18430];
	_ =	sdelay $0x4  }
0x198: {  	[tilespmem:s14+$0xD030] =	vst v0  }
0x199: {  	v0 =	vld [tilespmem:$0x18440];
	_ =	sdelay $0x4  }
0x19a: {  	[tilespmem:s14+$0xD040] =	vst v0  }
0x19b: {  	v0 =	vld [tilespmem:$0x18450];
	_ =	sdelay $0x4  }
0x19c: {  	[tilespmem:s14+$0xD050] =	vst v0  }
0x19d: {  	v0 =	vld [tilespmem:$0x18460];
	_ =	sdelay $0x4  }
0x19e: {  	[tilespmem:s14+$0xD060] =	vst v0  }
0x19f: {  	v0 =	vld [tilespmem:$0x18470];
	_ =	sdelay $0x4  }
0x1a0: {  	[tilespmem:s14+$0xD070] =	vst v0  }
0x1a1: {  	v0 =	vld [tilespmem:$0x18480];
	_ =	sdelay $0x4  }
0x1a2: {  	[tilespmem:s14+$0xD400] =	vst v0  }
0x1a3: {  	v0 =	vld [tilespmem:$0x18490];
	_ =	sdelay $0x4  }
0x1a4: {  	[tilespmem:s14+$0xD410] =	vst v0  }
0x1a5: {  	v0 =	vld [tilespmem:$0x184A0];
	_ =	sdelay $0x4  }
0x1a6: {  	[tilespmem:s14+$0xD420] =	vst v0  }
0x1a7: {  	v0 =	vld [tilespmem:$0x184B0];
	_ =	sdelay $0x4  }
0x1a8: {  	[tilespmem:s14+$0xD430] =	vst v0  }
0x1a9: {  	v0 =	vld [tilespmem:$0x184C0];
	_ =	sdelay $0x4  }
0x1aa: {  	[tilespmem:s14+$0xD440] =	vst v0  }
0x1ab: {  	v0 =	vld [tilespmem:$0x184D0];
	_ =	sdelay $0x4  }
0x1ac: {  	[tilespmem:s14+$0xD450] =	vst v0  }
0x1ad: {  	v0 =	vld [tilespmem:$0x184E0];
	_ =	sdelay $0x4  }
0x1ae: {  	[tilespmem:s14+$0xD460] =	vst v0  }
0x1af: {  	v0 =	vld [tilespmem:$0x184F0]  }
.Ltmp15:
0x1b0: {  	_ = 	snop;
	(pc) =	sbr.rel .LBB2_13-.Ltmp15, $2  }
0x1b1: {  	_ =	sdelay $0x2  }
0x1b2: {  	[tilespmem:s14+$0xD470] =	vst v0  }
.LBB2_14:
0x1b3: {  	s0 =	sadd.s32 s4, s13;
	s13 =	simm.s32 $0x0  }
0x1b4: {  	[hbm4b:s0+s13] =	stream.linear.scatter [tilespmem:s17], [sflag:$0xB], $0x6000, $0x38;
	[tilespmem:$0x18500] =	vst v63  }
0x1b5: {  	_ =	swait.ge [sflag:s28], $0x6000  }
.Ltmp16:
0x1b6: {  	[sflag:s28] =	ssyncset.done $0x0;
	(pc) =	sbr.rel .LBB2_15-.Ltmp16, $4  }
0x1b7: {  	[sflag:s28] =	ssyncadd.s32 $0xFFFFA000  }
0x1b8: {  	_ =	swait.ge [sflag:s29], $0x20  }
0x1b9: {  	[sflag:s29] =	ssyncset.done $0x0  }
0x1ba: {  	s3 =	simm.s32 $0x18180;
	s30 =	simm.s32 $0x0;
	[sflag:s29] =	ssyncadd.s32 $0xFFFFFFE0  }
.LBB2_17:
0x1bb: {  	s30 =	sadd.s32 $0x1, s30  }
0x1bc: {  	p0 =	sne.s32 s30, $0x20  }
.Ltmp17:
0x1bd: {  	_ = 	snop;
	(pc) =	sbr.rel @!p0 .LBB2_18-.Ltmp17, $2  }
0x1be: {  	_ =	sdelay $0x2  }
0x1bf: {  	s13 =	sadd.s32 $0x80, s13;
	s3 =	sadd.s32 $0x1, s3  }
.LBB2_15:
0x1c0: {  	v0 =	vld [tilespmem:s3+$0x0];
	_ =	sdelay $0x4  }
0x1c1: {  	(v2sf) =	vpush v0, $0x0;
	_ =	sdelay $0xe  }
0x1c2: {  	s0 =	spop (v2sf)  }
0x1c3: {  	p0 =	seq.s32 s0, $0x0  }
.Ltmp18:
0x1c4: {  	_ = 	snop;
	(pc) =	sbr.rel @p0 .LBB2_17-.Ltmp18, $1  }
0x1c5: {  	_ =	sdelay $0x3  }
0x1c6: {  	v0 =	vld [tilespmem:$0x18200];
	s0 =	sshrl.u32 s30, $0x3  }
0x1c7: {  	s0 =	smul.u32 $0x6000, s0;
	_ =	sdelay $0x1  }
0x1c8: {  	s12 =	sand.u32 $0x380, s13;
	s0 =	sshra.s32 s0, $0x2  }
0x1c9: {  	s0 =	sor.u32 s12, s0  }
0x1ca: {  	[tilespmem:s0+$0x12000] =	vst v0  }
0x1cb: {  	v0 =	vld [tilespmem:$0x18210];
	_ =	sdelay $0x3  }
0x1cc: {  	s12 =	sadd.s32 $0x12000, s0  }
0x1cd: {  	[tilespmem:s12+$0x10] =	vst v0  }
0x1ce: {  	v0 =	vld [tilespmem:$0x18220];
	_ =	sdelay $0x4  }
0x1cf: {  	[tilespmem:s12+$0x20] =	vst v0  }
0x1d0: {  	v0 =	vld [tilespmem:$0x18230];
	_ =	sdelay $0x4  }
0x1d1: {  	[tilespmem:s12+$0x30] =	vst v0  }
0x1d2: {  	v0 =	vld [tilespmem:$0x18240];
	_ =	sdelay $0x4  }
0x1d3: {  	[tilespmem:s12+$0x40] =	vst v0  }
0x1d4: {  	v0 =	vld [tilespmem:$0x18250];
	_ =	sdelay $0x4  }
0x1d5: {  	[tilespmem:s12+$0x50] =	vst v0  }
0x1d6: {  	v0 =	vld [tilespmem:$0x18260];
	_ =	sdelay $0x4  }
0x1d7: {  	[tilespmem:s12+$0x60] =	vst v0  }
0x1d8: {  	v0 =	vld [tilespmem:$0x18270];
	_ =	sdelay $0x4  }
0x1d9: {  	[tilespmem:s12+$0x70] =	vst v0  }
0x1da: {  	v0 =	vld [tilespmem:$0x18280];
	_ =	sdelay $0x4  }
0x1db: {  	[tilespmem:s12+$0x400] =	vst v0  }
0x1dc: {  	v0 =	vld [tilespmem:$0x18290];
	_ =	sdelay $0x4  }
0x1dd: {  	[tilespmem:s12+$0x410] =	vst v0  }
0x1de: {  	v0 =	vld [tilespmem:$0x182A0];
	_ =	sdelay $0x4  }
0x1df: {  	[tilespmem:s12+$0x420] =	vst v0  }
0x1e0: {  	v0 =	vld [tilespmem:$0x182B0];
	_ =	sdelay $0x4  }
0x1e1: {  	[tilespmem:s12+$0x430] =	vst v0  }
0x1e2: {  	v0 =	vld [tilespmem:$0x182C0];
	_ =	sdelay $0x4  }
0x1e3: {  	[tilespmem:s12+$0x440] =	vst v0  }
0x1e4: {  	v0 =	vld [tilespmem:$0x182D0];
	_ =	sdelay $0x4  }
0x1e5: {  	[tilespmem:s12+$0x450] =	vst v0  }
0x1e6: {  	v0 =	vld [tilespmem:$0x182E0];
	_ =	sdelay $0x4  }
0x1e7: {  	[tilespmem:s12+$0x460] =	vst v0  }
0x1e8: {  	v0 =	vld [tilespmem:$0x182F0];
	_ =	sdelay $0x4  }
0x1e9: {  	[tilespmem:s12+$0x470] =	vst v0  }
0x1ea: {  	v0 =	vld [tilespmem:$0x18300];
	_ =	sdelay $0x4  }
0x1eb: {  	[tilespmem:s0+$0x12800] =	vst v0  }
0x1ec: {  	v0 =	vld [tilespmem:$0x18310];
	_ =	sdelay $0x3  }
0x1ed: {  	s14 =	sadd.s32 $0x12800, s0  }
0x1ee: {  	[tilespmem:s14+$0x10] =	vst v0  }
0x1ef: {  	v0 =	vld [tilespmem:$0x18320];
	_ =	sdelay $0x4  }
0x1f0: {  	[tilespmem:s14+$0x20] =	vst v0  }
0x1f1: {  	v0 =	vld [tilespmem:$0x18330];
	_ =	sdelay $0x4  }
0x1f2: {  	[tilespmem:s14+$0x30] =	vst v0  }
0x1f3: {  	v0 =	vld [tilespmem:$0x18340];
	_ =	sdelay $0x4  }
0x1f4: {  	[tilespmem:s14+$0x40] =	vst v0  }
0x1f5: {  	v0 =	vld [tilespmem:$0x18350];
	_ =	sdelay $0x4  }
0x1f6: {  	[tilespmem:s14+$0x50] =	vst v0  }
0x1f7: {  	v0 =	vld [tilespmem:$0x18360];
	_ =	sdelay $0x4  }
0x1f8: {  	[tilespmem:s14+$0x60] =	vst v0  }
0x1f9: {  	v0 =	vld [tilespmem:$0x18370];
	_ =	sdelay $0x4  }
0x1fa: {  	[tilespmem:s14+$0x70] =	vst v0  }
0x1fb: {  	v0 =	vld [tilespmem:$0x18380];
	_ =	sdelay $0x4  }
0x1fc: {  	[tilespmem:s0+$0x12C00] =	vst v0  }
0x1fd: {  	v0 =	vld [tilespmem:$0x18390];
	_ =	sdelay $0x3  }
0x1fe: {  	s16 =	sadd.s32 $0x12C00, s0  }
0x1ff: {  	[tilespmem:s16+$0x10] =	vst v0  }
0x200: {  	v0 =	vld [tilespmem:$0x183A0];
	_ =	sdelay $0x4  }
0x201: {  	[tilespmem:s16+$0x20] =	vst v0  }
0x202: {  	v0 =	vld [tilespmem:$0x183B0];
	_ =	sdelay $0x4  }
0x203: {  	[tilespmem:s16+$0x30] =	vst v0  }
0x204: {  	v0 =	vld [tilespmem:$0x183C0];
	_ =	sdelay $0x4  }
0x205: {  	[tilespmem:s16+$0x40] =	vst v0  }
0x206: {  	v0 =	vld [tilespmem:$0x183D0];
	_ =	sdelay $0x4  }
0x207: {  	[tilespmem:s16+$0x50] =	vst v0  }
0x208: {  	v0 =	vld [tilespmem:$0x183E0];
	_ =	sdelay $0x4  }
0x209: {  	[tilespmem:s16+$0x60] =	vst v0  }
0x20a: {  	v0 =	vld [tilespmem:$0x183F0];
	_ =	sdelay $0x4  }
0x20b: {  	[tilespmem:s16+$0x70] =	vst v0  }
0x20c: {  	v0 =	vld [tilespmem:$0x18400];
	_ =	sdelay $0x4  }
0x20d: {  	[tilespmem:s0+$0x13000] =	vst v0  }
0x20e: {  	v0 =	vld [tilespmem:$0x18410];
	_ =	sdelay $0x3  }
0x20f: {  	s31 =	sadd.s32 $0x13000, s0  }
0x210: {  	[tilespmem:s31+$0x10] =	vst v0  }
0x211: {  	v0 =	vld [tilespmem:$0x18420];
	_ =	sdelay $0x4  }
0x212: {  	[tilespmem:s31+$0x20] =	vst v0  }
0x213: {  	v0 =	vld [tilespmem:$0x18430];
	_ =	sdelay $0x4  }
0x214: {  	[tilespmem:s31+$0x30] =	vst v0  }
0x215: {  	v0 =	vld [tilespmem:$0x18440];
	_ =	sdelay $0x4  }
0x216: {  	[tilespmem:s31+$0x40] =	vst v0  }
0x217: {  	v0 =	vld [tilespmem:$0x18450];
	_ =	sdelay $0x4  }
0x218: {  	[tilespmem:s31+$0x50] =	vst v0  }
0x219: {  	v0 =	vld [tilespmem:$0x18460];
	_ =	sdelay $0x4  }
0x21a: {  	[tilespmem:s31+$0x60] =	vst v0  }
0x21b: {  	v0 =	vld [tilespmem:$0x18470];
	_ =	sdelay $0x4  }
0x21c: {  	[tilespmem:s31+$0x70] =	vst v0  }
0x21d: {  	v0 =	vld [tilespmem:$0x18480];
	_ =	sdelay $0x4  }
0x21e: {  	[tilespmem:s0+$0x13400] =	vst v0  }
0x21f: {  	v0 =	vld [tilespmem:$0x18490];
	_ =	sdelay $0x3  }
0x220: {  	s0 =	sadd.s32 $0x13400, s0  }
0x221: {  	[tilespmem:s0+$0x10] =	vst v0  }
0x222: {  	v0 =	vld [tilespmem:$0x184A0];
	_ =	sdelay $0x4  }
0x223: {  	[tilespmem:s0+$0x20] =	vst v0  }
0x224: {  	v0 =	vld [tilespmem:$0x184B0];
	_ =	sdelay $0x4  }
0x225: {  	[tilespmem:s0+$0x30] =	vst v0  }
0x226: {  	v0 =	vld [tilespmem:$0x184C0];
	_ =	sdelay $0x4  }
0x227: {  	[tilespmem:s0+$0x40] =	vst v0  }
0x228: {  	v0 =	vld [tilespmem:$0x184D0];
	_ =	sdelay $0x4  }
0x229: {  	[tilespmem:s0+$0x50] =	vst v0  }
0x22a: {  	v0 =	vld [tilespmem:$0x184E0];
	_ =	sdelay $0x4  }
0x22b: {  	[tilespmem:s0+$0x60] =	vst v0  }
0x22c: {  	v0 =	vld [tilespmem:$0x184F0]  }
.Ltmp19:
0x22d: {  	_ = 	snop;
	(pc) =	sbr.rel .LBB2_17-.Ltmp19, $2  }
0x22e: {  	_ =	sdelay $0x2  }
0x22f: {  	[tilespmem:s0+$0x70] =	vst v0  }
.LBB2_20:
0x230: {  	_ =	sfence.sel $0x180000  }
0x231: {  	[bflag:$0x0] =	sbarrier.arrive $0xFFFF  }
0x232: {  	_ =	strace $0x90000047  }
0x233: {  	s0 =	stileid.u32;
	[bflag:$0x2] =	sbarrier.arrive $0xFFFF  }
0x234: {  	p0 =	sne.s32 s0, $0x0;
	s0 =	rddreg [dreg:$0x4]  }
0x235: {  	s0 =	sadd.s32 @!p0 $0x100000, s0  }
0x236: {  	[sflag:s0] =	ssyncadd.tile.s32 @!p0 $0x1;
	_ =	shalt  }
.Lfunc_end2:
_tile_overlayer_lowered:
.L_overlay_start_2:
0x237: {  	(tag) =	ssettag $0x2  }
0x238: {  	s0 =	rddreg [dreg:$0x0];
	s2 =	stileid.u32  }
0x239: {  	s1 =	rddreg [dreg:$0x1];
	p0 =	sne.s32 s2, $0x0  }
0x23a: {  	s3 =	rddreg [dreg:$0x2];
	[bflag:$0x3] =	sbarrier.arrive $0xFFFF;
	s2 =	simm.s32 @!p0 $0x1C0D  }
0x23b: {  	[timem:s3], [sflag:s2] =	dma.local @!p0 [hbm:s0], s1  }
0x23c: {  	s0 =	simm.s32 @!p0 $0xD  }
0x23d: {  	_ =	swait.ge @!p0 [sflag:s0], s1  }
0x23e: {  	s1 =	ssub.s32 @!p0 $0x0, s1;
	[sflag:s0] =	ssyncset.done @!p0 $0x0  }
0x23f: {  	[sflag:s0] =	ssyncadd.s32 @!p0 s1  }
0x240: {  	[bflag:$0x3] =	sbarrier.arrive $0xFFFF  }
0x241: {  	_ =	shalt  }

</sc_bundles>
